<compile_context>
chip_gen: v7x
topology: tpu7x:2x2x1
jax: 0.10.2.dev20260603
libtpu: 0.0.44.dev20260713+nightly
codegen_flags: <defaults>
</compile_context>

<pallas_src>
import functools

import jax
import jax.numpy as jnp
from jax import lax
from jax.experimental import pallas as pl
from jax.experimental.pallas import tpu as pltpu
from jax.experimental.pallas import tpu_sc as plsc

NC = 2
NS = 16
NW = NC * NS
CHUNK = 128
BLK = 512
D = 128
H = 16
PKB = 14


def _sc_mesh():
    return plsc.VectorSubcoreMesh(core_axis_name="c", subcore_axis_name="s",
                                  num_cores=NC, num_subcores=NS)


def _zero_acc(zbuf, acc, s, rps, F):

    def zb(i, carry):
        for k in range(F // 16):
            zbuf[i, pl.ds(k * 16, 16)] = jnp.zeros((16,), jnp.float32)
        return carry

    lax.fori_loop(0, 128, zb, 0)
    for k in range(rps // 128):
        pltpu.sync_copy(zbuf, acc.at[pl.ds(s * rps + k * 128, 128)])


def _unpack(pk, idx_s, idx_d, nch, src_off):

    def row(i, carry):
        for k in range(CHUNK // 16):
            v = pk[i, pl.ds(k * 16, 16)]
            idx_s[i, pl.ds(k * 16, 16)] = (v & ((1 << PKB) - 1)) + src_off
            idx_d[i, pl.ds(k * 16, 16)] = lax.shift_right_logical(v, PKB)
        return carry

    lax.fori_loop(0, nch, row, 0)


def _pipelined_scatter(y_hbm, idx_s, idx_d, rows, acc, gsem, nch):
    rows0, rows1 = rows
    sem0, sem1 = gsem
    pltpu.async_copy(y_hbm.at[idx_s.at[0]], rows0, sem0)

    def pair(i, carry):
        j0 = 2 * i
        pltpu.async_copy(y_hbm.at[idx_s.at[j0 + 1]], rows1, sem1)
        pltpu.make_async_copy(y_hbm.at[idx_s.at[j0]], rows0, sem0).wait()
        pltpu.sync_copy(rows0, acc.at[idx_d.at[j0]], add=True)

        @pl.when(j0 + 2 < nch)
        def _():
            pltpu.async_copy(y_hbm.at[idx_s.at[j0 + 2]], rows0, sem0)

        pltpu.make_async_copy(y_hbm.at[idx_s.at[j0 + 1]], rows1, sem1).wait()
        pltpu.sync_copy(rows1, acc.at[idx_d.at[j0 + 1]], add=True)
        return carry

    lax.fori_loop(0, nch // 2, pair, 0)
    if nch % 2:
        pltpu.make_async_copy(y_hbm.at[idx_s.at[nch - 1]], rows0, sem0).wait()
        pltpu.sync_copy(rows0, acc.at[idx_d.at[nch - 1]], add=True)


@functools.lru_cache(maxsize=None)
def _make_prop1(NP, NCH2):
    F = D // 2
    rps = NP // NS

    @functools.partial(
        pl.kernel,
        out_type=jax.ShapeDtypeStruct((NC, NP, F), jnp.float32),
        mesh=_sc_mesh(),
        compiler_params=pltpu.CompilerParams(use_tc_tiling_on_sc=False),
        scratch_types=[
            pltpu.VMEM((NCH2, CHUNK), jnp.int32),
            pltpu.VMEM((NCH2, CHUNK), jnp.int32),
            pltpu.VMEM((NCH2, CHUNK), jnp.int32),
            [pltpu.VMEM((CHUNK, F), jnp.float32)] * 2,
            pltpu.VMEM((128, F), jnp.float32),
            pltpu.VMEM_SHARED((NP, F), jnp.float32),
            [pltpu.SemaphoreType.DMA] * 2,
        ],
    )
    def prop(y_hbm, pk_hbm, out_hbm, pk, idx_s, idx_d, rows, zbuf,
             acc, gsem):
        c = lax.axis_index("c")
        s = lax.axis_index("s")
        pltpu.sync_copy(pk_hbm.at[s], pk)
        _unpack(pk, idx_s, idx_d, NCH2, c * NP)
        _zero_acc(zbuf, acc, s, rps, F)
        plsc.subcore_barrier()
        _pipelined_scatter(y_hbm, idx_s, idx_d, rows, acc, gsem, NCH2)
        plsc.subcore_barrier()
        pltpu.sync_copy(acc.at[pl.ds(s * rps, rps)],
                        out_hbm.at[c, pl.ds(s * rps, rps)])

    return prop


@functools.lru_cache(maxsize=None)
def _make_prop2(NP, NCH):
    F = H
    rps = NP // NS

    @functools.partial(
        pl.kernel,
        out_type=jax.ShapeDtypeStruct((NC, NP, F), jnp.float32),
        mesh=_sc_mesh(),
        compiler_params=pltpu.CompilerParams(use_tc_tiling_on_sc=False),
        scratch_types=[
            pltpu.VMEM((NCH, CHUNK), jnp.int32),
            pltpu.VMEM((NCH, CHUNK), jnp.int32),
            pltpu.VMEM((NCH, CHUNK), jnp.int32),
            [pltpu.VMEM((CHUNK, F), jnp.float32)] * 2,
            pltpu.VMEM((128, F), jnp.float32),
            pltpu.VMEM_SHARED((NP, F), jnp.float32),
            [pltpu.SemaphoreType.DMA] * 2,
        ],
    )
    def prop(y_hbm, pk_hbm, out_hbm, pk, idx_s, idx_d, rows, zbuf,
             acc, gsem):
        c = lax.axis_index("c")
        s = lax.axis_index("s")
        wid = c * NS + s
        pltpu.sync_copy(pk_hbm.at[wid], pk)
        _unpack(pk, idx_s, idx_d, NCH, 0)
        _zero_acc(zbuf, acc, s, rps, F)
        plsc.subcore_barrier()
        _pipelined_scatter(y_hbm, idx_s, idx_d, rows, acc, gsem, NCH)
        plsc.subcore_barrier()
        pltpu.sync_copy(acc.at[pl.ds(s * rps, rps)],
                        out_hbm.at[c, pl.ds(s * rps, rps)])

    return prop


@functools.lru_cache(maxsize=None)
def _make_deg(NP, NCH):
    rps = NP // NS

    @functools.partial(
        pl.kernel,
        out_type=jax.ShapeDtypeStruct((NC, NP), jnp.float32),
        mesh=_sc_mesh(),
        compiler_params=pltpu.CompilerParams(use_tc_tiling_on_sc=False),
        scratch_types=[
            pltpu.VMEM((NCH, CHUNK), jnp.int32),
            pltpu.VMEM((NCH, CHUNK), jnp.int32),
            pltpu.VMEM((CHUNK,), jnp.float32),
            pltpu.VMEM((rps,), jnp.float32),
            pltpu.VMEM_SHARED((NP,), jnp.float32),
        ],
    )
    def deg(pk_hbm, out_hbm, pk, idx_d, ones, zbuf, acc):
        c = lax.axis_index("c")
        s = lax.axis_index("s")
        wid = c * NS + s
        pltpu.sync_copy(pk_hbm.at[wid], pk)

        def row(i, carry):
            for k in range(CHUNK // 16):
                v = pk[i, pl.ds(k * 16, 16)]
                idx_d[i, pl.ds(k * 16, 16)] = lax.shift_right_logical(v, PKB)
            return carry

        lax.fori_loop(0, NCH, row, 0)
        for i in range(CHUNK // 16):
            ones[pl.ds(i * 16, 16)] = jnp.ones((16,), jnp.float32)

        def zb(i, carry):
            zbuf[pl.ds(i * 16, 16)] = jnp.zeros((16,), jnp.float32)
            return carry

        lax.fori_loop(0, rps // 16, zb, 0)
        pltpu.sync_copy(zbuf, acc.at[pl.ds(s * rps, rps)])
        plsc.subcore_barrier()

        def step(j, carry):
            pltpu.sync_copy(ones, acc.at[idx_d.at[j]], add=True)
            return carry

        lax.fori_loop(0, NCH, step, 0)
        plsc.subcore_barrier()
        pltpu.sync_copy(acc.at[pl.ds(s * rps, rps)],
                        out_hbm.at[c, pl.ds(s * rps, rps)])

    return deg



def _dinv(deg_ref):
    d = deg_ref[:, 0:1] + deg_ref[:, 1:2] + 1.0
    return lax.rsqrt(jnp.maximum(d, 1.0))


def _tc0_body(x_ref, deg_ref, y_ref):
    y = x_ref[...] * _dinv(deg_ref)
    y_ref[0] = y[:, : D // 2]
    y_ref[1] = y[:, D // 2:]


def _tc0(x_pad, degt, NP):
    return pl.pallas_call(
        _tc0_body,
        grid=(NP // BLK,),
        in_specs=[
            pl.BlockSpec((BLK, D), lambda i: (i, 0)),
            pl.BlockSpec((BLK, NC), lambda i: (i, 0)),
        ],
        out_specs=pl.BlockSpec((NC, BLK, D // 2), lambda i: (0, i, 0)),
        out_shape=jax.ShapeDtypeStruct((NC, NP, D // 2), jnp.float32),
    )(x_pad, degt)


def _make_tc1_body(N):
    def body(p_ref, y_ref, deg_ref, b_ref, wa_ref, wb_ref, y1_ref):
        i = pl.program_id(0)
        dinv = _dinv(deg_ref)
        agg_a = (p_ref[0] + y_ref[0]) * dinv
        agg_b = (p_ref[1] + y_ref[1]) * dinv
        aw = jnp.dot(agg_a, wa_ref[...]) + jnp.dot(agg_b, wb_ref[...])
        h1 = jnp.maximum(aw + b_ref[...], 0.0)
        y1 = h1 * dinv
        row = lax.broadcasted_iota(jnp.int32, (BLK, 1), 0) + i * BLK
        y1_ref[...] = jnp.where(row < N, y1, 0.0)

    return body


def _tc1(p1, y0, degt, b1, w1, NP, N):
    return pl.pallas_call(
        _make_tc1_body(N),
        grid=(NP // BLK,),
        in_specs=[
            pl.BlockSpec((NC, BLK, D // 2), lambda i: (0, i, 0)),
            pl.BlockSpec((NC, BLK, D // 2), lambda i: (0, i, 0)),
            pl.BlockSpec((BLK, NC), lambda i: (i, 0)),
            pl.BlockSpec((1, H), lambda i: (0, 0)),
            pl.BlockSpec((D // 2, H), lambda i: (0, 0)),
            pl.BlockSpec((D // 2, H), lambda i: (0, 0)),
        ],
        out_specs=pl.BlockSpec((BLK, H), lambda i: (i, 0)),
        out_shape=jax.ShapeDtypeStruct((NP, H), jnp.float32),
    )(p1, y0, degt, b1, w1[: D // 2], w1[D // 2:])


def _tc2_body(p_ref, y1_ref, deg_ref, b_ref, w_ref, wd_ref, bd_ref, o_ref):
    dinv = _dinv(deg_ref)
    agg = (p_ref[0] + p_ref[1] + y1_ref[...]) * dinv
    h2 = jnp.maximum(jnp.dot(agg, w_ref[...]) + b_ref[...], 0.0)
    o_ref[...] = jnp.dot(h2, wd_ref[...]) + bd_ref[...]


def _tc2(p2, y1, degt, b2, w2, wd, bd, NP):
    return pl.pallas_call(
        _tc2_body,
        grid=(NP // BLK,),
        in_specs=[
            pl.BlockSpec((NC, BLK, H), lambda i: (0, i, 0)),
            pl.BlockSpec((BLK, H), lambda i: (i, 0)),
            pl.BlockSpec((BLK, NC), lambda i: (i, 0)),
            pl.BlockSpec((1, H), lambda i: (0, 0)),
            pl.BlockSpec((H, H), lambda i: (0, 0)),
            pl.BlockSpec((H, 1), lambda i: (0, 0)),
            pl.BlockSpec((1, 1), lambda i: (0, 0)),
        ],
        out_specs=pl.BlockSpec((BLK, 1), lambda i: (i, 0)),
        out_shape=jax.ShapeDtypeStruct((NP, 1), jnp.float32),
    )(p2, y1, degt, b2, w2, wd, bd)



def kernel(x, edge_index, W1, b1, W2, b2, Wd, bd):
    N = x.shape[0]
    E = edge_index.shape[1]
    assert N + 1 <= (1 << PKB)
    NP = -(-(N + 8) // (NS * 128)) * NS * 128
    EP = -(-E // (NW * CHUNK)) * NW * CHUNK
    NCH = EP // (NW * CHUNK)
    NCH2 = EP // (NS * CHUNK)

    src = edge_index[0].astype(jnp.int32)
    dst = edge_index[1].astype(jnp.int32)
    packed = src + (dst << PKB)
    pad = jnp.full((EP - E,), N + (N << PKB), jnp.int32)
    packed = jnp.concatenate([packed, pad])
    pk32 = packed.reshape(NW, NCH, CHUNK)
    pk16 = packed.reshape(NS, NCH2, CHUNK)
    x_pad = jnp.zeros((NP, D), jnp.float32).at[:N].set(x)

    degp = _make_deg(NP, NCH)(pk32)
    degt = degp.T

    y0 = _tc0(x_pad, degt, NP)
    p1 = _make_prop1(NP, NCH2)(y0.reshape(NC * NP, D // 2), pk16)
    y1 = _tc1(p1, y0, degt, b1.reshape(1, H), W1, NP, N)
    p2 = _make_prop2(NP, NCH)(y1, pk32)
    out = _tc2(p2, y1, degt, b2.reshape(1, H), W2, Wd, bd.reshape(1, 1), NP)
    return out[:N]

# --- scband reference (transcript-rebuilt; emitter-appended) ---
"""Pipeline reference for scband-gnn-62491774157019 (READ-ONLY COPY).

The authoritative reference and input builder live on the scoring server;
editing this copy changes nothing except your own understanding.
"""

import jax, jax.numpy as jnp
import numpy as np

N = 10000
E = 320000
D = 128
H = 16

def setup_inputs(seed: int = 0) -> dict:
    key = jax.random.key(seed)
    k1, k2, k3, k4, k5, k6, k7, k8 = jax.random.split(key, 8)
    x = jax.random.normal(k1, (N, D), dtype=jnp.float32)
    edge_index = jax.random.randint(k2, (2, E), 0, N)
    W1 = jax.random.normal(k3, (D, H), dtype=jnp.float32) * 0.05
    b1 = jnp.zeros((H,), dtype=jnp.float32)
    W2 = jax.random.normal(k4, (H, H), dtype=jnp.float32) * 0.05
    b2 = jnp.zeros((H,), dtype=jnp.float32)
    Wd = jax.random.normal(k5, (H, 1), dtype=jnp.float32) * 0.05
    bd = jnp.zeros((1,), dtype=jnp.float32)
    return {"x": x, "edge_index": edge_index, "W1": W1, "b1": b1, "W2": W2, "b2": b2, "Wd": Wd, "bd": bd}


def reference(x, edge_index, W1, b1, W2, b2, Wd, bd):
    # GCNConv (Kipf & Welling): h' = D_hat^{-1/2} A_hat D_hat^{-1/2} h W + b, with A_hat = A + I
    src = edge_index[0]
    dst = edge_index[1]
    loop = jnp.arange(N, dtype=src.dtype)
    src = jnp.concatenate([src, loop])
    dst = jnp.concatenate([dst, loop])
    deg = jax.ops.segment_sum(jnp.ones_like(dst, dtype=jnp.float32), dst, num_segments=N)
    dinv = jax.lax.rsqrt(jnp.maximum(deg, 1.0))
    norm = dinv[src] * dinv[dst]

    def conv(h, W, b):
        msg = jnp.take(h, src, axis=0) * norm[:, None]
        agg = jax.ops.segment_sum(msg, dst, num_segments=N)
        return jax.nn.relu(agg @ W + b)

    h = conv(x, W1, b1)
    h = conv(h, W2, b2)
    return h @ Wd + bd

if __name__ == "__main__":
    import jax
    _d = setup_inputs()
    print(jax.jit(kernel)(*tuple(_d.values())))

</pallas_src>

<mosaic_0001>
#map = affine_map<(d0, d1) -> (0, 0, 0)>
#map1 = affine_map<(d0, d1) -> (0, 0)>
module attributes {stable_mosaic.version = 14 : i64} {
  func.func @deg(%arg0: i32, %arg1: i32, %arg2: memref<32x79x128xi32, #tpu.memory_space<hbm>>, %arg3: memref<2x10240xf32, #tpu.memory_space<hbm>>, %arg4: memref<79x128xi32, #tpu.memory_space<vmem>>, %arg5: memref<79x128xi32, #tpu.memory_space<vmem>>, %arg6: memref<128xf32, #tpu.memory_space<vmem>>, %arg7: memref<640xf32, #tpu.memory_space<vmem>>, %arg8: memref<10240xf32, #tpu.memory_space<vmem_shared>>) attributes {dimension_semantics = [#tpu.dimension_semantics<core_parallel>, #tpu.dimension_semantics<subcore_parallel>], iteration_bounds = array<i64: 2, 16>, scalar_prefetch = 0 : i64, scratch_operands = 5 : i64, tpu.core_type = #tpu.core_type<sc_vector_subcore>, window_params = [{transform_indices = #map}, {transform_indices = #map1}]} {
    %mul3A = arith.constant 16 : i32
    %mul3A_0 = arith.muli %arg0, %mul3A : i32
    %add3A = arith.addi %mul3A_0, %arg1 : i32
    "tpu.region"() ({
      %run_scoped3A = tpu.sem_alloc : memref<!tpu.dma_semaphore, #tpu.memory_space<semaphore_mem>>
      %dma_start3A = arith.constant 0 : i32
      %dma_start3A_71 = arith.constant 0 : i32
      %dma_start3A_72 = tpu.memref_slice %arg2[%add3A, %dma_start3A, %dma_start3A_71] : memref<32x79x128xi32, #tpu.memory_space<hbm>> -> memref<1x79x128xi32, #tpu.memory_space<hbm>>
      %dma_start3A_73 = tpu.memref_squeeze %dma_start3A_72 : memref<1x79x128xi32, #tpu.memory_space<hbm>> -> memref<79x128xi32, #tpu.memory_space<hbm>>
      %dma_start3A_74 = arith.constant 0 : i32
      %dma_start3A_75 = arith.constant 0 : i32
      %dma_start3A_76 = tpu.memref_slice %arg2[%add3A, %dma_start3A_74, %dma_start3A_75] : memref<32x79x128xi32, #tpu.memory_space<hbm>> -> memref<1x79x128xi32, #tpu.memory_space<hbm>>
      %dma_start3A_77 = tpu.memref_squeeze %dma_start3A_76 : memref<1x79x128xi32, #tpu.memory_space<hbm>> -> memref<79x128xi32, #tpu.memory_space<hbm>>
      tpu.enqueue_dma source(%dma_start3A_77 : memref<79x128xi32, #tpu.memory_space<hbm>>) target(%arg4 : memref<79x128xi32, #tpu.memory_space<vmem>>) target_semaphore(%run_scoped3A : memref<!tpu.dma_semaphore, #tpu.memory_space<semaphore_mem>>)
      %dma_wait3A = arith.constant 0 : i32
      %dma_wait3A_78 = arith.constant 0 : i32
      %dma_wait3A_79 = tpu.memref_slice %arg2[%add3A, %dma_wait3A, %dma_wait3A_78] : memref<32x79x128xi32, #tpu.memory_space<hbm>> -> memref<1x79x128xi32, #tpu.memory_space<hbm>>
      %dma_wait3A_80 = tpu.memref_squeeze %dma_wait3A_79 : memref<1x79x128xi32, #tpu.memory_space<hbm>> -> memref<79x128xi32, #tpu.memory_space<hbm>>
      %dma_wait3A_81 = arith.constant 0 : i32
      %dma_wait3A_82 = arith.constant 0 : i32
      %dma_wait3A_83 = tpu.memref_slice %arg2[%add3A, %dma_wait3A_81, %dma_wait3A_82] : memref<32x79x128xi32, #tpu.memory_space<hbm>> -> memref<1x79x128xi32, #tpu.memory_space<hbm>>
      %dma_wait3A_84 = tpu.memref_squeeze %dma_wait3A_83 : memref<1x79x128xi32, #tpu.memory_space<hbm>> -> memref<79x128xi32, #tpu.memory_space<hbm>>
      tpu.wait_dma2 semaphore(%run_scoped3A : memref<!tpu.dma_semaphore, #tpu.memory_space<semaphore_mem>>) src(%dma_wait3A_84 : memref<79x128xi32, #tpu.memory_space<hbm>>) dst(%arg4 : memref<79x128xi32, #tpu.memory_space<vmem>>)
      tpu.yield
    }) : () -> ()
    %scan3A = arith.constant 0 : i32
    %scan3A_1 = arith.constant 0 : i32
    %scan3A_2 = arith.constant 79 : i32
    %scan3A_3 = arith.addi %scan3A_1, %scan3A_2 : i32
    %scan3A_4 = arith.constant 1 : i32
    scf.for %scan3A_71 = %scan3A_1 to %scan3A_3 step %scan3A_4  : i32 {
      %get3A = arith.index_cast %scan3A_71 : i32 to index
      %get3A_72 = arith.constant 0 : index
      %get3A_73 = tpu.vector_load %arg4[%get3A, %get3A_72] {strides = array<i32>} : memref<79x128xi32, #tpu.memory_space<vmem>>, vector<1x16xi32>,
      %get3A_74 = vector.shape_cast %get3A_73 : vector<1x16xi32> to vector<16xi32>
      %shift_right_logical3A = arith.constant 14 : i32
      %shift_right_logical3A_75 = vector.broadcast %shift_right_logical3A : i32 to vector<16xi32>
      %shift_right_logical3A_76 = arith.shrui %get3A_74, %shift_right_logical3A_75 : vector<16xi32>
      %swap3A_77 = arith.index_cast %scan3A_71 : i32 to index
      %swap3A_78 = arith.constant 0 : index
      %swap3A_79 = tpu.vector_load %arg5[%swap3A_77, %swap3A_78] {strides = array<i32>} : memref<79x128xi32, #tpu.memory_space<vmem>>, vector<1x16xi32>,
      %swap3A_80 = vector.shape_cast %swap3A_79 : vector<1x16xi32> to vector<16xi32>
      %swap3A_81 = vector.shape_cast %shift_right_logical3A_76 : vector<16xi32> to vector<1x16xi32>
      tpu.vector_store %arg5[%swap3A_77, %swap3A_78], %swap3A_81 {strides = array<i32>} : memref<79x128xi32, #tpu.memory_space<vmem>>, vector<1x16xi32>,
      %get3A_82 = arith.index_cast %scan3A_71 : i32 to index
      %get3A_83 = arith.constant 16 : index
      %get3A_84 = tpu.vector_load %arg4[%get3A_82, %get3A_83] {strides = array<i32>} : memref<79x128xi32, #tpu.memory_space<vmem>>, vector<1x16xi32>,
      %get3A_85 = vector.shape_cast %get3A_84 : vector<1x16xi32> to vector<16xi32>
      %shift_right_logical3A_86 = arith.constant 14 : i32
      %shift_right_logical3A_87 = vector.broadcast %shift_right_logical3A_86 : i32 to vector<16xi32>
      %shift_right_logical3A_88 = arith.shrui %get3A_85, %shift_right_logical3A_87 : vector<16xi32>
      %swap3A_89 = arith.index_cast %scan3A_71 : i32 to index
      %swap3A_90 = arith.constant 16 : index
      %swap3A_91 = tpu.vector_load %arg5[%swap3A_89, %swap3A_90] {strides = array<i32>} : memref<79x128xi32, #tpu.memory_space<vmem>>, vector<1x16xi32>,
      %swap3A_92 = vector.shape_cast %swap3A_91 : vector<1x16xi32> to vector<16xi32>
      %swap3A_93 = vector.shape_cast %shift_right_logical3A_88 : vector<16xi32> to vector<1x16xi32>
      tpu.vector_store %arg5[%swap3A_89, %swap3A_90], %swap3A_93 {strides = array<i32>} : memref<79x128xi32, #tpu.memory_space<vmem>>, vector<1x16xi32>,
      %get3A_94 = arith.index_cast %scan3A_71 : i32 to index
      %get3A_95 = arith.constant 32 : index
      %get3A_96 = tpu.vector_load %arg4[%get3A_94, %get3A_95] {strides = array<i32>} : memref<79x128xi32, #tpu.memory_space<vmem>>, vector<1x16xi32>,
      %get3A_97 = vector.shape_cast %get3A_96 : vector<1x16xi32> to vector<16xi32>
      %shift_right_logical3A_98 = arith.constant 14 : i32
      %shift_right_logical3A_99 = vector.broadcast %shift_right_logical3A_98 : i32 to vector<16xi32>
      %shift_right_logical3A_100 = arith.shrui %get3A_97, %shift_right_logical3A_99 : vector<16xi32>
      %swap3A_101 = arith.index_cast %scan3A_71 : i32 to index
      %swap3A_102 = arith.constant 32 : index
      %swap3A_103 = tpu.vector_load %arg5[%swap3A_101, %swap3A_102] {strides = array<i32>} : memref<79x128xi32, #tpu.memory_space<vmem>>, vector<1x16xi32>,
      %swap3A_104 = vector.shape_cast %swap3A_103 : vector<1x16xi32> to vector<16xi32>
      %swap3A_105 = vector.shape_cast %shift_right_logical3A_100 : vector<16xi32> to vector<1x16xi32>
      tpu.vector_store %arg5[%swap3A_101, %swap3A_102], %swap3A_105 {strides = array<i32>} : memref<79x128xi32, #tpu.memory_space<vmem>>, vector<1x16xi32>,
      %get3A_106 = arith.index_cast %scan3A_71 : i32 to index
      %get3A_107 = arith.constant 48 : index
      %get3A_108 = tpu.vector_load %arg4[%get3A_106, %get3A_107] {strides = array<i32>} : memref<79x128xi32, #tpu.memory_space<vmem>>, vector<1x16xi32>,
      %get3A_109 = vector.shape_cast %get3A_108 : vector<1x16xi32> to vector<16xi32>
      %shift_right_logical3A_110 = arith.constant 14 : i32
      %shift_right_logical3A_111 = vector.broadcast %shift_right_logical3A_110 : i32 to vector<16xi32>
      %shift_right_logical3A_112 = arith.shrui %get3A_109, %shift_right_logical3A_111 : vector<16xi32>
      %swap3A_113 = arith.index_cast %scan3A_71 : i32 to index
      %swap3A_114 = arith.constant 48 : index
      %swap3A_115 = tpu.vector_load %arg5[%swap3A_113, %swap3A_114] {strides = array<i32>} : memref<79x128xi32, #tpu.memory_space<vmem>>, vector<1x16xi32>,
      %swap3A_116 = vector.shape_cast %swap3A_115 : vector<1x16xi32> to vector<16xi32>
      %swap3A_117 = vector.shape_cast %shift_right_logical3A_112 : vector<16xi32> to vector<1x16xi32>
      tpu.vector_store %arg5[%swap3A_113, %swap3A_114], %swap3A_117 {strides = array<i32>} : memref<79x128xi32, #tpu.memory_space<vmem>>, vector<1x16xi32>,
      %get3A_118 = arith.index_cast %scan3A_71 : i32 to index
      %get3A_119 = arith.constant 64 : index
      %get3A_120 = tpu.vector_load %arg4[%get3A_118, %get3A_119] {strides = array<i32>} : memref<79x128xi32, #tpu.memory_space<vmem>>, vector<1x16xi32>,
      %get3A_121 = vector.shape_cast %get3A_120 : vector<1x16xi32> to vector<16xi32>
      %shift_right_logical3A_122 = arith.constant 14 : i32
      %shift_right_logical3A_123 = vector.broadcast %shift_right_logical3A_122 : i32 to vector<16xi32>
      %shift_right_logical3A_124 = arith.shrui %get3A_121, %shift_right_logical3A_123 : vector<16xi32>
      %swap3A_125 = arith.index_cast %scan3A_71 : i32 to index
      %swap3A_126 = arith.constant 64 : index
      %swap3A_127 = tpu.vector_load %arg5[%swap3A_125, %swap3A_126] {strides = array<i32>} : memref<79x128xi32, #tpu.memory_space<vmem>>, vector<1x16xi32>,
      %swap3A_128 = vector.shape_cast %swap3A_127 : vector<1x16xi32> to vector<16xi32>
      %swap3A_129 = vector.shape_cast %shift_right_logical3A_124 : vector<16xi32> to vector<1x16xi32>
      tpu.vector_store %arg5[%swap3A_125, %swap3A_126], %swap3A_129 {strides = array<i32>} : memref<79x128xi32, #tpu.memory_space<vmem>>, vector<1x16xi32>,
      %get3A_130 = arith.index_cast %scan3A_71 : i32 to index
      %get3A_131 = arith.constant 80 : index
      %get3A_132 = tpu.vector_load %arg4[%get3A_130, %get3A_131] {strides = array<i32>} : memref<79x128xi32, #tpu.memory_space<vmem>>, vector<1x16xi32>,
      %get3A_133 = vector.shape_cast %get3A_132 : vector<1x16xi32> to vector<16xi32>
      %shift_right_logical3A_134 = arith.constant 14 : i32
      %shift_right_logical3A_135 = vector.broadcast %shift_right_logical3A_134 : i32 to vector<16xi32>
      %shift_right_logical3A_136 = arith.shrui %get3A_133, %shift_right_logical3A_135 : vector<16xi32>
      %swap3A_137 = arith.index_cast %scan3A_71 : i32 to index
      %swap3A_138 = arith.constant 80 : index
      %swap3A_139 = tpu.vector_load %arg5[%swap3A_137, %swap3A_138] {strides = array<i32>} : memref<79x128xi32, #tpu.memory_space<vmem>>, vector<1x16xi32>,
      %swap3A_140 = vector.shape_cast %swap3A_139 : vector<1x16xi32> to vector<16xi32>
      %swap3A_141 = vector.shape_cast %shift_right_logical3A_136 : vector<16xi32> to vector<1x16xi32>
      tpu.vector_store %arg5[%swap3A_137, %swap3A_138], %swap3A_141 {strides = array<i32>} : memref<79x128xi32, #tpu.memory_space<vmem>>, vector<1x16xi32>,
      %get3A_142 = arith.index_cast %scan3A_71 : i32 to index
      %get3A_143 = arith.constant 96 : index
      %get3A_144 = tpu.vector_load %arg4[%get3A_142, %get3A_143] {strides = array<i32>} : memref<79x128xi32, #tpu.memory_space<vmem>>, vector<1x16xi32>,
      %get3A_145 = vector.shape_cast %get3A_144 : vector<1x16xi32> to vector<16xi32>
      %shift_right_logical3A_146 = arith.constant 14 : i32
      %shift_right_logical3A_147 = vector.broadcast %shift_right_logical3A_146 : i32 to vector<16xi32>
      %shift_right_logical3A_148 = arith.shrui %get3A_145, %shift_right_logical3A_147 : vector<16xi32>
      %swap3A_149 = arith.index_cast %scan3A_71 : i32 to index
      %swap3A_150 = arith.constant 96 : index
      %swap3A_151 = tpu.vector_load %arg5[%swap3A_149, %swap3A_150] {strides = array<i32>} : memref<79x128xi32, #tpu.memory_space<vmem>>, vector<1x16xi32>,
      %swap3A_152 = vector.shape_cast %swap3A_151 : vector<1x16xi32> to vector<16xi32>
      %swap3A_153 = vector.shape_cast %shift_right_logical3A_148 : vector<16xi32> to vector<1x16xi32>
      tpu.vector_store %arg5[%swap3A_149, %swap3A_150], %swap3A_153 {strides = array<i32>} : memref<79x128xi32, #tpu.memory_space<vmem>>, vector<1x16xi32>,
      %get3A_154 = arith.index_cast %scan3A_71 : i32 to index
      %get3A_155 = arith.constant 112 : index
      %get3A_156 = tpu.vector_load %arg4[%get3A_154, %get3A_155] {strides = array<i32>} : memref<79x128xi32, #tpu.memory_space<vmem>>, vector<1x16xi32>,
      %get3A_157 = vector.shape_cast %get3A_156 : vector<1x16xi32> to vector<16xi32>
      %shift_right_logical3A_158 = arith.constant 14 : i32
      %shift_right_logical3A_159 = vector.broadcast %shift_right_logical3A_158 : i32 to vector<16xi32>
      %shift_right_logical3A_160 = arith.shrui %get3A_157, %shift_right_logical3A_159 : vector<16xi32>
      %swap3A_161 = arith.index_cast %scan3A_71 : i32 to index
      %swap3A_162 = arith.constant 112 : index
      %swap3A_163 = tpu.vector_load %arg5[%swap3A_161, %swap3A_162] {strides = array<i32>} : memref<79x128xi32, #tpu.memory_space<vmem>>, vector<1x16xi32>,
      %swap3A_164 = vector.shape_cast %swap3A_163 : vector<1x16xi32> to vector<16xi32>
      %swap3A_165 = vector.shape_cast %shift_right_logical3A_160 : vector<16xi32> to vector<1x16xi32>
      tpu.vector_store %arg5[%swap3A_161, %swap3A_162], %swap3A_165 {strides = array<i32>} : memref<79x128xi32, #tpu.memory_space<vmem>>, vector<1x16xi32>,
    }
    %scan3A_5 = arith.constant 79 : i32
    %broadcast_in_dim3A = arith.constant 1.000000e+00 : f32
    %broadcast_in_dim3A_6 = vector.broadcast %broadcast_in_dim3A : f32 to vector<16xf32>
    %swap3A = arith.constant 0 : index
    %swap3A_7 = tpu.vector_load %arg6[%swap3A] {strides = array<i32>} : memref<128xf32, #tpu.memory_space<vmem>>, vector<16xf32>,
    %swap3A_8 = vector.shape_cast %swap3A_7 : vector<16xf32> to vector<16xf32>
    %swap3A_9 = vector.shape_cast %broadcast_in_dim3A_6 : vector<16xf32> to vector<16xf32>
    tpu.vector_store %arg6[%swap3A], %swap3A_9 {strides = array<i32>} : memref<128xf32, #tpu.memory_space<vmem>>, vector<16xf32>,
    %broadcast_in_dim3A_10 = arith.constant 1.000000e+00 : f32
    %broadcast_in_dim3A_11 = vector.broadcast %broadcast_in_dim3A_10 : f32 to vector<16xf32>
    %swap3A_12 = arith.constant 16 : index
    %swap3A_13 = tpu.vector_load %arg6[%swap3A_12] {strides = array<i32>} : memref<128xf32, #tpu.memory_space<vmem>>, vector<16xf32>,
    %swap3A_14 = vector.shape_cast %swap3A_13 : vector<16xf32> to vector<16xf32>
    %swap3A_15 = vector.shape_cast %broadcast_in_dim3A_11 : vector<16xf32> to vector<16xf32>
    tpu.vector_store %arg6[%swap3A_12], %swap3A_15 {strides = array<i32>} : memref<128xf32, #tpu.memory_space<vmem>>, vector<16xf32>,
    %broadcast_in_dim3A_16 = arith.constant 1.000000e+00 : f32
    %broadcast_in_dim3A_17 = vector.broadcast %broadcast_in_dim3A_16 : f32 to vector<16xf32>
    %swap3A_18 = arith.constant 32 : index
    %swap3A_19 = tpu.vector_load %arg6[%swap3A_18] {strides = array<i32>} : memref<128xf32, #tpu.memory_space<vmem>>, vector<16xf32>,
    %swap3A_20 = vector.shape_cast %swap3A_19 : vector<16xf32> to vector<16xf32>
    %swap3A_21 = vector.shape_cast %broadcast_in_dim3A_17 : vector<16xf32> to vector<16xf32>
    tpu.vector_store %arg6[%swap3A_18], %swap3A_21 {strides = array<i32>} : memref<128xf32, #tpu.memory_space<vmem>>, vector<16xf32>,
    %broadcast_in_dim3A_22 = arith.constant 1.000000e+00 : f32
    %broadcast_in_dim3A_23 = vector.broadcast %broadcast_in_dim3A_22 : f32 to vector<16xf32>
    %swap3A_24 = arith.constant 48 : index
    %swap3A_25 = tpu.vector_load %arg6[%swap3A_24] {strides = array<i32>} : memref<128xf32, #tpu.memory_space<vmem>>, vector<16xf32>,
    %swap3A_26 = vector.shape_cast %swap3A_25 : vector<16xf32> to vector<16xf32>
    %swap3A_27 = vector.shape_cast %broadcast_in_dim3A_23 : vector<16xf32> to vector<16xf32>
    tpu.vector_store %arg6[%swap3A_24], %swap3A_27 {strides = array<i32>} : memref<128xf32, #tpu.memory_space<vmem>>, vector<16xf32>,
    %broadcast_in_dim3A_28 = arith.constant 1.000000e+00 : f32
    %broadcast_in_dim3A_29 = vector.broadcast %broadcast_in_dim3A_28 : f32 to vector<16xf32>
    %swap3A_30 = arith.constant 64 : index
    %swap3A_31 = tpu.vector_load %arg6[%swap3A_30] {strides = array<i32>} : memref<128xf32, #tpu.memory_space<vmem>>, vector<16xf32>,
    %swap3A_32 = vector.shape_cast %swap3A_31 : vector<16xf32> to vector<16xf32>
    %swap3A_33 = vector.shape_cast %broadcast_in_dim3A_29 : vector<16xf32> to vector<16xf32>
    tpu.vector_store %arg6[%swap3A_30], %swap3A_33 {strides = array<i32>} : memref<128xf32, #tpu.memory_space<vmem>>, vector<16xf32>,
    %broadcast_in_dim3A_34 = arith.constant 1.000000e+00 : f32
    %broadcast_in_dim3A_35 = vector.broadcast %broadcast_in_dim3A_34 : f32 to vector<16xf32>
    %swap3A_36 = arith.constant 80 : index
    %swap3A_37 = tpu.vector_load %arg6[%swap3A_36] {strides = array<i32>} : memref<128xf32, #tpu.memory_space<vmem>>, vector<16xf32>,
    %swap3A_38 = vector.shape_cast %swap3A_37 : vector<16xf32> to vector<16xf32>
    %swap3A_39 = vector.shape_cast %broadcast_in_dim3A_35 : vector<16xf32> to vector<16xf32>
    tpu.vector_store %arg6[%swap3A_36], %swap3A_39 {strides = array<i32>} : memref<128xf32, #tpu.memory_space<vmem>>, vector<16xf32>,
    %broadcast_in_dim3A_40 = arith.constant 1.000000e+00 : f32
    %broadcast_in_dim3A_41 = vector.broadcast %broadcast_in_dim3A_40 : f32 to vector<16xf32>
    %swap3A_42 = arith.constant 96 : index
    %swap3A_43 = tpu.vector_load %arg6[%swap3A_42] {strides = array<i32>} : memref<128xf32, #tpu.memory_space<vmem>>, vector<16xf32>,
    %swap3A_44 = vector.shape_cast %swap3A_43 : vector<16xf32> to vector<16xf32>
    %swap3A_45 = vector.shape_cast %broadcast_in_dim3A_41 : vector<16xf32> to vector<16xf32>
    tpu.vector_store %arg6[%swap3A_42], %swap3A_45 {strides = array<i32>} : memref<128xf32, #tpu.memory_space<vmem>>, vector<16xf32>,
    %broadcast_in_dim3A_46 = arith.constant 1.000000e+00 : f32
    %broadcast_in_dim3A_47 = vector.broadcast %broadcast_in_dim3A_46 : f32 to vector<16xf32>
    %swap3A_48 = arith.constant 112 : index
    %swap3A_49 = tpu.vector_load %arg6[%swap3A_48] {strides = array<i32>} : memref<128xf32, #tpu.memory_space<vmem>>, vector<16xf32>,
    %swap3A_50 = vector.shape_cast %swap3A_49 : vector<16xf32> to vector<16xf32>
    %swap3A_51 = vector.shape_cast %broadcast_in_dim3A_47 : vector<16xf32> to vector<16xf32>
    tpu.vector_store %arg6[%swap3A_48], %swap3A_51 {strides = array<i32>} : memref<128xf32, #tpu.memory_space<vmem>>, vector<16xf32>,
    %scan3A_52 = arith.constant 0 : i32
    %scan3A_53 = arith.constant 0 : i32
    %scan3A_54 = arith.constant 40 : i32
    %scan3A_55 = arith.addi %scan3A_53, %scan3A_54 : i32
    %scan3A_56 = arith.constant 1 : i32
    scf.for %scan3A_71 = %scan3A_53 to %scan3A_55 step %scan3A_56  : i32 {
      %broadcast_in_dim3A_72 = arith.constant 0.000000e+00 : f32
      %broadcast_in_dim3A_73 = vector.broadcast %broadcast_in_dim3A_72 : f32 to vector<16xf32>
      %mul3A_74 = arith.constant 16 : i32
      %mul3A_75 = arith.muli %scan3A_71, %mul3A_74 : i32
      %swap3A_76 = arith.index_cast %mul3A_75 : i32 to index
      %swap3A_77 = tpu.vector_load %arg7[%swap3A_76] {strides = array<i32>} : memref<640xf32, #tpu.memory_space<vmem>>, vector<16xf32>,
      %swap3A_78 = vector.shape_cast %swap3A_77 : vector<16xf32> to vector<16xf32>
      %swap3A_79 = vector.shape_cast %broadcast_in_dim3A_73 : vector<16xf32> to vector<16xf32>
      tpu.vector_store %arg7[%swap3A_76], %swap3A_79 {strides = array<i32>} : memref<640xf32, #tpu.memory_space<vmem>>, vector<16xf32>,
    }
    %scan3A_57 = arith.constant 40 : i32
    %mul3A_58 = arith.constant 640 : i32
    %mul3A_59 = arith.muli %arg1, %mul3A_58 : i32
    "tpu.region"() ({
      %run_scoped3A = tpu.sem_alloc : memref<!tpu.dma_semaphore, #tpu.memory_space<semaphore_mem>>
      %dma_start3A = tpu.memref_slice %arg8[%mul3A_59] : memref<10240xf32, #tpu.memory_space<vmem_shared>> -> memref<640xf32, #tpu.memory_space<vmem_shared>>
      %dma_start3A_71 = tpu.memref_slice %arg8[%mul3A_59] : memref<10240xf32, #tpu.memory_space<vmem_shared>> -> memref<640xf32, #tpu.memory_space<vmem_shared>>
      tpu.enqueue_dma source(%arg7 : memref<640xf32, #tpu.memory_space<vmem>>) target(%dma_start3A_71 : memref<640xf32, #tpu.memory_space<vmem_shared>>) target_semaphore(%run_scoped3A : memref<!tpu.dma_semaphore, #tpu.memory_space<semaphore_mem>>)
      %dma_wait3A = tpu.memref_slice %arg8[%mul3A_59] : memref<10240xf32, #tpu.memory_space<vmem_shared>> -> memref<640xf32, #tpu.memory_space<vmem_shared>>
      %dma_wait3A_72 = tpu.memref_slice %arg8[%mul3A_59] : memref<10240xf32, #tpu.memory_space<vmem_shared>> -> memref<640xf32, #tpu.memory_space<vmem_shared>>
      tpu.wait_dma2 semaphore(%run_scoped3A : memref<!tpu.dma_semaphore, #tpu.memory_space<semaphore_mem>>) src(%arg7 : memref<640xf32, #tpu.memory_space<vmem>>) dst(%dma_wait3A_72 : memref<640xf32, #tpu.memory_space<vmem_shared>>)
      tpu.yield
    }) : () -> ()
    %barrier3A = arith.constant 0 : index
    tpu.barrier barrier_id(%barrier3A)
    %scan3A_60 = arith.constant 0 : i32
    %scan3A_61 = arith.constant 0 : i32
    %scan3A_62 = arith.constant 79 : i32
    %scan3A_63 = arith.addi %scan3A_61, %scan3A_62 : i32
    %scan3A_64 = arith.constant 1 : i32
    scf.for %scan3A_71 = %scan3A_61 to %scan3A_63 step %scan3A_64  : i32 {
      "tpu.region"() ({
        %run_scoped3A = tpu.sem_alloc : memref<!tpu.dma_semaphore, #tpu.memory_space<semaphore_mem>>
        %dma_start3A = arith.constant 0 : i32
        %dma_start3A_72 = tpu.memref_slice %arg5[%scan3A_71, %dma_start3A] : memref<79x128xi32, #tpu.memory_space<vmem>> -> memref<1x128xi32, #tpu.memory_space<vmem>>
        %dma_start3A_73 = tpu.memref_squeeze %dma_start3A_72 : memref<1x128xi32, #tpu.memory_space<vmem>> -> memref<128xi32, #tpu.memory_space<vmem>>
        %dma_start3A_74 = arith.constant 0 : i32
        %dma_start3A_75 = tpu.memref_slice %arg8[%dma_start3A_74] : memref<10240xf32, #tpu.memory_space<vmem_shared>> -> memref<10240xf32, #tpu.memory_space<vmem_shared>>
        tpu.enqueue_indirect_dma source(%arg6 : memref<128xf32, #tpu.memory_space<vmem>>) target(%dma_start3A_75 : memref<10240xf32, #tpu.memory_space<vmem_shared>>) offsets(%dma_start3A_73 : memref<128xi32, #tpu.memory_space<vmem>>) semaphore(%run_scoped3A : memref<!tpu.dma_semaphore, #tpu.memory_space<semaphore_mem>>) {add = true}
        %dma_wait3A = arith.constant 0 : i32
        %dma_wait3A_76 = tpu.memref_slice %arg5[%scan3A_71, %dma_wait3A] : memref<79x128xi32, #tpu.memory_space<vmem>> -> memref<1x128xi32, #tpu.memory_space<vmem>>
        %dma_wait3A_77 = tpu.memref_squeeze %dma_wait3A_76 : memref<1x128xi32, #tpu.memory_space<vmem>> -> memref<128xi32, #tpu.memory_space<vmem>>
        %dma_wait3A_78 = arith.constant 0 : i32
        %dma_wait3A_79 = tpu.memref_slice %arg8[%dma_wait3A_78] : memref<10240xf32, #tpu.memory_space<vmem_shared>> -> memref<10240xf32, #tpu.memory_space<vmem_shared>>
        tpu.wait_indirect_dma semaphore(%run_scoped3A : memref<!tpu.dma_semaphore, #tpu.memory_space<semaphore_mem>>) src(%arg6 : memref<128xf32, #tpu.memory_space<vmem>>) dst(%dma_wait3A_79 : memref<10240xf32, #tpu.memory_space<vmem_shared>>)
        tpu.yield
      }) : () -> ()
    }
    %scan3A_65 = arith.constant 79 : i32
    %barrier3A_66 = arith.constant 0 : index
    tpu.barrier barrier_id(%barrier3A_66)
    %mul3A_67 = arith.constant 640 : i32
    %mul3A_68 = arith.muli %arg1, %mul3A_67 : i32
    %mul3A_69 = arith.constant 640 : i32
    %mul3A_70 = arith.muli %arg1, %mul3A_69 : i32
    "tpu.region"() ({
      %run_scoped3A = tpu.sem_alloc : memref<!tpu.dma_semaphore, #tpu.memory_space<semaphore_mem>>
      %dma_start3A = tpu.memref_slice %arg3[%arg0, %mul3A_70] : memref<2x10240xf32, #tpu.memory_space<hbm>> -> memref<1x640xf32, #tpu.memory_space<hbm>>
      %dma_start3A_71 = tpu.memref_squeeze %dma_start3A : memref<1x640xf32, #tpu.memory_space<hbm>> -> memref<640xf32, #tpu.memory_space<hbm>>
      %dma_start3A_72 = tpu.memref_slice %arg8[%mul3A_68] : memref<10240xf32, #tpu.memory_space<vmem_shared>> -> memref<640xf32, #tpu.memory_space<vmem_shared>>
      tpu.enqueue_dma source(%dma_start3A_72 : memref<640xf32, #tpu.memory_space<vmem_shared>>) target(%dma_start3A_71 : memref<640xf32, #tpu.memory_space<hbm>>) target_semaphore(%run_scoped3A : memref<!tpu.dma_semaphore, #tpu.memory_space<semaphore_mem>>)
      %dma_wait3A = tpu.memref_slice %arg3[%arg0, %mul3A_70] : memref<2x10240xf32, #tpu.memory_space<hbm>> -> memref<1x640xf32, #tpu.memory_space<hbm>>
      %dma_wait3A_73 = tpu.memref_squeeze %dma_wait3A : memref<1x640xf32, #tpu.memory_space<hbm>> -> memref<640xf32, #tpu.memory_space<hbm>>
      %dma_wait3A_74 = tpu.memref_slice %arg8[%mul3A_68] : memref<10240xf32, #tpu.memory_space<vmem_shared>> -> memref<640xf32, #tpu.memory_space<vmem_shared>>
      tpu.wait_dma2 semaphore(%run_scoped3A : memref<!tpu.dma_semaphore, #tpu.memory_space<semaphore_mem>>) src(%dma_wait3A_74 : memref<640xf32, #tpu.memory_space<vmem_shared>>) dst(%dma_wait3A_73 : memref<640xf32, #tpu.memory_space<hbm>>)
      tpu.yield
    }) : () -> ()
    return
  }
}

#map = affine_map<(d0, d1) -> (0, 0)>
#map1 = affine_map<(d0, d1) -> (0, 0, 0)>
module attributes {stable_mosaic.version = 14 : i64} {
  func.func @prop(%arg0: i32, %arg1: i32, %arg2: memref<10240x16xf32, #tpu.memory_space<hbm>>, %arg3: memref<32x79x128xi32, #tpu.memory_space<hbm>>, %arg4: memref<2x10240x16xf32, #tpu.memory_space<hbm>>, %arg5: memref<79x128xi32, #tpu.memory_space<vmem>>, %arg6: memref<79x128xi32, #tpu.memory_space<vmem>>, %arg7: memref<79x128xi32, #tpu.memory_space<vmem>>, %arg8: memref<128x16xf32, #tpu.memory_space<vmem>>, %arg9: memref<128x16xf32, #tpu.memory_space<vmem>>, %arg10: memref<128x16xf32, #tpu.memory_space<vmem>>, %arg11: memref<10240x16xf32, #tpu.memory_space<vmem_shared>>, %arg12: memref<!tpu.dma_semaphore, #tpu.memory_space<semaphore_mem>>, %arg13: memref<!tpu.dma_semaphore, #tpu.memory_space<semaphore_mem>>) attributes {dimension_semantics = [#tpu.dimension_semantics<core_parallel>, #tpu.dimension_semantics<subcore_parallel>], iteration_bounds = array<i64: 2, 16>, scalar_prefetch = 0 : i64, scratch_operands = 9 : i64, tpu.core_type = #tpu.core_type<sc_vector_subcore>, window_params = [{transform_indices = #map}, {transform_indices = #map1}, {transform_indices = #map1}]} {
    %mul3A = arith.constant 16 : i32
    %mul3A_0 = arith.muli %arg0, %mul3A : i32
    %add3A = arith.addi %mul3A_0, %arg1 : i32
    "tpu.region"() ({
      %run_scoped3A_55 = tpu.sem_alloc : memref<!tpu.dma_semaphore, #tpu.memory_space<semaphore_mem>>
      %dma_start3A_56 = arith.constant 0 : i32
      %dma_start3A_57 = arith.constant 0 : i32
      %dma_start3A_58 = tpu.memref_slice %arg3[%add3A, %dma_start3A_56, %dma_start3A_57] : memref<32x79x128xi32, #tpu.memory_space<hbm>> -> memref<1x79x128xi32, #tpu.memory_space<hbm>>
      %dma_start3A_59 = tpu.memref_squeeze %dma_start3A_58 : memref<1x79x128xi32, #tpu.memory_space<hbm>> -> memref<79x128xi32, #tpu.memory_space<hbm>>
      %dma_start3A_60 = arith.constant 0 : i32
      %dma_start3A_61 = arith.constant 0 : i32
      %dma_start3A_62 = tpu.memref_slice %arg3[%add3A, %dma_start3A_60, %dma_start3A_61] : memref<32x79x128xi32, #tpu.memory_space<hbm>> -> memref<1x79x128xi32, #tpu.memory_space<hbm>>
      %dma_start3A_63 = tpu.memref_squeeze %dma_start3A_62 : memref<1x79x128xi32, #tpu.memory_space<hbm>> -> memref<79x128xi32, #tpu.memory_space<hbm>>
      tpu.enqueue_dma source(%dma_start3A_63 : memref<79x128xi32, #tpu.memory_space<hbm>>) target(%arg5 : memref<79x128xi32, #tpu.memory_space<vmem>>) target_semaphore(%run_scoped3A_55 : memref<!tpu.dma_semaphore, #tpu.memory_space<semaphore_mem>>)
      %dma_wait3A_64 = arith.constant 0 : i32
      %dma_wait3A_65 = arith.constant 0 : i32
      %dma_wait3A_66 = tpu.memref_slice %arg3[%add3A, %dma_wait3A_64, %dma_wait3A_65] : memref<32x79x128xi32, #tpu.memory_space<hbm>> -> memref<1x79x128xi32, #tpu.memory_space<hbm>>
      %dma_wait3A_67 = tpu.memref_squeeze %dma_wait3A_66 : memref<1x79x128xi32, #tpu.memory_space<hbm>> -> memref<79x128xi32, #tpu.memory_space<hbm>>
      %dma_wait3A_68 = arith.constant 0 : i32
      %dma_wait3A_69 = arith.constant 0 : i32
      %dma_wait3A_70 = tpu.memref_slice %arg3[%add3A, %dma_wait3A_68, %dma_wait3A_69] : memref<32x79x128xi32, #tpu.memory_space<hbm>> -> memref<1x79x128xi32, #tpu.memory_space<hbm>>
      %dma_wait3A_71 = tpu.memref_squeeze %dma_wait3A_70 : memref<1x79x128xi32, #tpu.memory_space<hbm>> -> memref<79x128xi32, #tpu.memory_space<hbm>>
      tpu.wait_dma2 semaphore(%run_scoped3A_55 : memref<!tpu.dma_semaphore, #tpu.memory_space<semaphore_mem>>) src(%dma_wait3A_71 : memref<79x128xi32, #tpu.memory_space<hbm>>) dst(%arg5 : memref<79x128xi32, #tpu.memory_space<vmem>>)
      tpu.yield
    }) : () -> ()
    %scan3A = arith.constant 0 : i32
    %scan3A_1 = arith.constant 0 : i32
    %scan3A_2 = arith.constant 79 : i32
    %scan3A_3 = arith.addi %scan3A_1, %scan3A_2 : i32
    %scan3A_4 = arith.constant 1 : i32
    scf.for %scan3A_55 = %scan3A_1 to %scan3A_3 step %scan3A_4  : i32 {
      %get3A = arith.index_cast %scan3A_55 : i32 to index
      %get3A_56 = arith.constant 0 : index
      %get3A_57 = tpu.vector_load %arg5[%get3A, %get3A_56] {strides = array<i32>} : memref<79x128xi32, #tpu.memory_space<vmem>>, vector<1x16xi32>,
      %get3A_58 = vector.shape_cast %get3A_57 : vector<1x16xi32> to vector<16xi32>
      %and3A = arith.constant 16383 : i32
      %and3A_59 = vector.broadcast %and3A : i32 to vector<16xi32>
      %and3A_60 = arith.andi %get3A_58, %and3A_59 : vector<16xi32>
      %add3A_61 = arith.constant 0 : i32
      %add3A_62 = vector.broadcast %add3A_61 : i32 to vector<16xi32>
      %add3A_63 = arith.addi %and3A_60, %add3A_62 : vector<16xi32>
      %swap3A = arith.index_cast %scan3A_55 : i32 to index
      %swap3A_64 = arith.constant 0 : index
      %swap3A_65 = tpu.vector_load %arg6[%swap3A, %swap3A_64] {strides = array<i32>} : memref<79x128xi32, #tpu.memory_space<vmem>>, vector<1x16xi32>,
      %swap3A_66 = vector.shape_cast %swap3A_65 : vector<1x16xi32> to vector<16xi32>
      %swap3A_67 = vector.shape_cast %add3A_63 : vector<16xi32> to vector<1x16xi32>
      tpu.vector_store %arg6[%swap3A, %swap3A_64], %swap3A_67 {strides = array<i32>} : memref<79x128xi32, #tpu.memory_space<vmem>>, vector<1x16xi32>,
      %shift_right_logical3A = arith.constant 14 : i32
      %shift_right_logical3A_68 = vector.broadcast %shift_right_logical3A : i32 to vector<16xi32>
      %shift_right_logical3A_69 = arith.shrui %get3A_58, %shift_right_logical3A_68 : vector<16xi32>
      %swap3A_70 = arith.index_cast %scan3A_55 : i32 to index
      %swap3A_71 = arith.constant 0 : index
      %swap3A_72 = tpu.vector_load %arg7[%swap3A_70, %swap3A_71] {strides = array<i32>} : memref<79x128xi32, #tpu.memory_space<vmem>>, vector<1x16xi32>,
      %swap3A_73 = vector.shape_cast %swap3A_72 : vector<1x16xi32> to vector<16xi32>
      %swap3A_74 = vector.shape_cast %shift_right_logical3A_69 : vector<16xi32> to vector<1x16xi32>
      tpu.vector_store %arg7[%swap3A_70, %swap3A_71], %swap3A_74 {strides = array<i32>} : memref<79x128xi32, #tpu.memory_space<vmem>>, vector<1x16xi32>,
      %get3A_75 = arith.index_cast %scan3A_55 : i32 to index
      %get3A_76 = arith.constant 16 : index
      %get3A_77 = tpu.vector_load %arg5[%get3A_75, %get3A_76] {strides = array<i32>} : memref<79x128xi32, #tpu.memory_space<vmem>>, vector<1x16xi32>,
      %get3A_78 = vector.shape_cast %get3A_77 : vector<1x16xi32> to vector<16xi32>
      %and3A_79 = arith.constant 16383 : i32
      %and3A_80 = vector.broadcast %and3A_79 : i32 to vector<16xi32>
      %and3A_81 = arith.andi %get3A_78, %and3A_80 : vector<16xi32>
      %add3A_82 = arith.constant 0 : i32
      %add3A_83 = vector.broadcast %add3A_82 : i32 to vector<16xi32>
      %add3A_84 = arith.addi %and3A_81, %add3A_83 : vector<16xi32>
      %swap3A_85 = arith.index_cast %scan3A_55 : i32 to index
      %swap3A_86 = arith.constant 16 : index
      %swap3A_87 = tpu.vector_load %arg6[%swap3A_85, %swap3A_86] {strides = array<i32>} : memref<79x128xi32, #tpu.memory_space<vmem>>, vector<1x16xi32>,
      %swap3A_88 = vector.shape_cast %swap3A_87 : vector<1x16xi32> to vector<16xi32>
      %swap3A_89 = vector.shape_cast %add3A_84 : vector<16xi32> to vector<1x16xi32>
      tpu.vector_store %arg6[%swap3A_85, %swap3A_86], %swap3A_89 {strides = array<i32>} : memref<79x128xi32, #tpu.memory_space<vmem>>, vector<1x16xi32>,
      %shift_right_logical3A_90 = arith.constant 14 : i32
      %shift_right_logical3A_91 = vector.broadcast %shift_right_logical3A_90 : i32 to vector<16xi32>
      %shift_right_logical3A_92 = arith.shrui %get3A_78, %shift_right_logical3A_91 : vector<16xi32>
      %swap3A_93 = arith.index_cast %scan3A_55 : i32 to index
      %swap3A_94 = arith.constant 16 : index
      %swap3A_95 = tpu.vector_load %arg7[%swap3A_93, %swap3A_94] {strides = array<i32>} : memref<79x128xi32, #tpu.memory_space<vmem>>, vector<1x16xi32>,
      %swap3A_96 = vector.shape_cast %swap3A_95 : vector<1x16xi32> to vector<16xi32>
      %swap3A_97 = vector.shape_cast %shift_right_logical3A_92 : vector<16xi32> to vector<1x16xi32>
      tpu.vector_store %arg7[%swap3A_93, %swap3A_94], %swap3A_97 {strides = array<i32>} : memref<79x128xi32, #tpu.memory_space<vmem>>, vector<1x16xi32>,
      %get3A_98 = arith.index_cast %scan3A_55 : i32 to index
      %get3A_99 = arith.constant 32 : index
      %get3A_100 = tpu.vector_load %arg5[%get3A_98, %get3A_99] {strides = array<i32>} : memref<79x128xi32, #tpu.memory_space<vmem>>, vector<1x16xi32>,
      %get3A_101 = vector.shape_cast %get3A_100 : vector<1x16xi32> to vector<16xi32>
      %and3A_102 = arith.constant 16383 : i32
      %and3A_103 = vector.broadcast %and3A_102 : i32 to vector<16xi32>
      %and3A_104 = arith.andi %get3A_101, %and3A_103 : vector<16xi32>
      %add3A_105 = arith.constant 0 : i32
      %add3A_106 = vector.broadcast %add3A_105 : i32 to vector<16xi32>
      %add3A_107 = arith.addi %and3A_104, %add3A_106 : vector<16xi32>
      %swap3A_108 = arith.index_cast %scan3A_55 : i32 to index
      %swap3A_109 = arith.constant 32 : index
      %swap3A_110 = tpu.vector_load %arg6[%swap3A_108, %swap3A_109] {strides = array<i32>} : memref<79x128xi32, #tpu.memory_space<vmem>>, vector<1x16xi32>,
      %swap3A_111 = vector.shape_cast %swap3A_110 : vector<1x16xi32> to vector<16xi32>
      %swap3A_112 = vector.shape_cast %add3A_107 : vector<16xi32> to vector<1x16xi32>
      tpu.vector_store %arg6[%swap3A_108, %swap3A_109], %swap3A_112 {strides = array<i32>} : memref<79x128xi32, #tpu.memory_space<vmem>>, vector<1x16xi32>,
      %shift_right_logical3A_113 = arith.constant 14 : i32
      %shift_right_logical3A_114 = vector.broadcast %shift_right_logical3A_113 : i32 to vector<16xi32>
      %shift_right_logical3A_115 = arith.shrui %get3A_101, %shift_right_logical3A_114 : vector<16xi32>
      %swap3A_116 = arith.index_cast %scan3A_55 : i32 to index
      %swap3A_117 = arith.constant 32 : index
      %swap3A_118 = tpu.vector_load %arg7[%swap3A_116, %swap3A_117] {strides = array<i32>} : memref<79x128xi32, #tpu.memory_space<vmem>>, vector<1x16xi32>,
      %swap3A_119 = vector.shape_cast %swap3A_118 : vector<1x16xi32> to vector<16xi32>
      %swap3A_120 = vector.shape_cast %shift_right_logical3A_115 : vector<16xi32> to vector<1x16xi32>
      tpu.vector_store %arg7[%swap3A_116, %swap3A_117], %swap3A_120 {strides = array<i32>} : memref<79x128xi32, #tpu.memory_space<vmem>>, vector<1x16xi32>,
      %get3A_121 = arith.index_cast %scan3A_55 : i32 to index
      %get3A_122 = arith.constant 48 : index
      %get3A_123 = tpu.vector_load %arg5[%get3A_121, %get3A_122] {strides = array<i32>} : memref<79x128xi32, #tpu.memory_space<vmem>>, vector<1x16xi32>,
      %get3A_124 = vector.shape_cast %get3A_123 : vector<1x16xi32> to vector<16xi32>
      %and3A_125 = arith.constant 16383 : i32
      %and3A_126 = vector.broadcast %and3A_125 : i32 to vector<16xi32>
      %and3A_127 = arith.andi %get3A_124, %and3A_126 : vector<16xi32>
      %add3A_128 = arith.constant 0 : i32
      %add3A_129 = vector.broadcast %add3A_128 : i32 to vector<16xi32>
      %add3A_130 = arith.addi %and3A_127, %add3A_129 : vector<16xi32>
      %swap3A_131 = arith.index_cast %scan3A_55 : i32 to index
      %swap3A_132 = arith.constant 48 : index
      %swap3A_133 = tpu.vector_load %arg6[%swap3A_131, %swap3A_132] {strides = array<i32>} : memref<79x128xi32, #tpu.memory_space<vmem>>, vector<1x16xi32>,
      %swap3A_134 = vector.shape_cast %swap3A_133 : vector<1x16xi32> to vector<16xi32>
      %swap3A_135 = vector.shape_cast %add3A_130 : vector<16xi32> to vector<1x16xi32>
      tpu.vector_store %arg6[%swap3A_131, %swap3A_132], %swap3A_135 {strides = array<i32>} : memref<79x128xi32, #tpu.memory_space<vmem>>, vector<1x16xi32>,
      %shift_right_logical3A_136 = arith.constant 14 : i32
      %shift_right_logical3A_137 = vector.broadcast %shift_right_logical3A_136 : i32 to vector<16xi32>
      %shift_right_logical3A_138 = arith.shrui %get3A_124, %shift_right_logical3A_137 : vector<16xi32>
      %swap3A_139 = arith.index_cast %scan3A_55 : i32 to index
      %swap3A_140 = arith.constant 48 : index
      %swap3A_141 = tpu.vector_load %arg7[%swap3A_139, %swap3A_140] {strides = array<i32>} : memref<79x128xi32, #tpu.memory_space<vmem>>, vector<1x16xi32>,
      %swap3A_142 = vector.shape_cast %swap3A_141 : vector<1x16xi32> to vector<16xi32>
      %swap3A_143 = vector.shape_cast %shift_right_logical3A_138 : vector<16xi32> to vector<1x16xi32>
      tpu.vector_store %arg7[%swap3A_139, %swap3A_140], %swap3A_143 {strides = array<i32>} : memref<79x128xi32, #tpu.memory_space<vmem>>, vector<1x16xi32>,
      %get3A_144 = arith.index_cast %scan3A_55 : i32 to index
      %get3A_145 = arith.constant 64 : index
      %get3A_146 = tpu.vector_load %arg5[%get3A_144, %get3A_145] {strides = array<i32>} : memref<79x128xi32, #tpu.memory_space<vmem>>, vector<1x16xi32>,
      %get3A_147 = vector.shape_cast %get3A_146 : vector<1x16xi32> to vector<16xi32>
      %and3A_148 = arith.constant 16383 : i32
      %and3A_149 = vector.broadcast %and3A_148 : i32 to vector<16xi32>
      %and3A_150 = arith.andi %get3A_147, %and3A_149 : vector<16xi32>
      %add3A_151 = arith.constant 0 : i32
      %add3A_152 = vector.broadcast %add3A_151 : i32 to vector<16xi32>
      %add3A_153 = arith.addi %and3A_150, %add3A_152 : vector<16xi32>
      %swap3A_154 = arith.index_cast %scan3A_55 : i32 to index
      %swap3A_155 = arith.constant 64 : index
      %swap3A_156 = tpu.vector_load %arg6[%swap3A_154, %swap3A_155] {strides = array<i32>} : memref<79x128xi32, #tpu.memory_space<vmem>>, vector<1x16xi32>,
      %swap3A_157 = vector.shape_cast %swap3A_156 : vector<1x16xi32> to vector<16xi32>
      %swap3A_158 = vector.shape_cast %add3A_153 : vector<16xi32> to vector<1x16xi32>
      tpu.vector_store %arg6[%swap3A_154, %swap3A_155], %swap3A_158 {strides = array<i32>} : memref<79x128xi32, #tpu.memory_space<vmem>>, vector<1x16xi32>,
      %shift_right_logical3A_159 = arith.constant 14 : i32
      %shift_right_logical3A_160 = vector.broadcast %shift_right_logical3A_159 : i32 to vector<16xi32>
      %shift_right_logical3A_161 = arith.shrui %get3A_147, %shift_right_logical3A_160 : vector<16xi32>
      %swap3A_162 = arith.index_cast %scan3A_55 : i32 to index
      %swap3A_163 = arith.constant 64 : index
      %swap3A_164 = tpu.vector_load %arg7[%swap3A_162, %swap3A_163] {strides = array<i32>} : memref<79x128xi32, #tpu.memory_space<vmem>>, vector<1x16xi32>,
      %swap3A_165 = vector.shape_cast %swap3A_164 : vector<1x16xi32> to vector<16xi32>
      %swap3A_166 = vector.shape_cast %shift_right_logical3A_161 : vector<16xi32> to vector<1x16xi32>
      tpu.vector_store %arg7[%swap3A_162, %swap3A_163], %swap3A_166 {strides = array<i32>} : memref<79x128xi32, #tpu.memory_space<vmem>>, vector<1x16xi32>,
      %get3A_167 = arith.index_cast %scan3A_55 : i32 to index
      %get3A_168 = arith.constant 80 : index
      %get3A_169 = tpu.vector_load %arg5[%get3A_167, %get3A_168] {strides = array<i32>} : memref<79x128xi32, #tpu.memory_space<vmem>>, vector<1x16xi32>,
      %get3A_170 = vector.shape_cast %get3A_169 : vector<1x16xi32> to vector<16xi32>
      %and3A_171 = arith.constant 16383 : i32
      %and3A_172 = vector.broadcast %and3A_171 : i32 to vector<16xi32>
      %and3A_173 = arith.andi %get3A_170, %and3A_172 : vector<16xi32>
      %add3A_174 = arith.constant 0 : i32
      %add3A_175 = vector.broadcast %add3A_174 : i32 to vector<16xi32>
      %add3A_176 = arith.addi %and3A_173, %add3A_175 : vector<16xi32>
      %swap3A_177 = arith.index_cast %scan3A_55 : i32 to index
      %swap3A_178 = arith.constant 80 : index
      %swap3A_179 = tpu.vector_load %arg6[%swap3A_177, %swap3A_178] {strides = array<i32>} : memref<79x128xi32, #tpu.memory_space<vmem>>, vector<1x16xi32>,
      %swap3A_180 = vector.shape_cast %swap3A_179 : vector<1x16xi32> to vector<16xi32>
      %swap3A_181 = vector.shape_cast %add3A_176 : vector<16xi32> to vector<1x16xi32>
      tpu.vector_store %arg6[%swap3A_177, %swap3A_178], %swap3A_181 {strides = array<i32>} : memref<79x128xi32, #tpu.memory_space<vmem>>, vector<1x16xi32>,
      %shift_right_logical3A_182 = arith.constant 14 : i32
      %shift_right_logical3A_183 = vector.broadcast %shift_right_logical3A_182 : i32 to vector<16xi32>
      %shift_right_logical3A_184 = arith.shrui %get3A_170, %shift_right_logical3A_183 : vector<16xi32>
      %swap3A_185 = arith.index_cast %scan3A_55 : i32 to index
      %swap3A_186 = arith.constant 80 : index
      %swap3A_187 = tpu.vector_load %arg7[%swap3A_185, %swap3A_186] {strides = array<i32>} : memref<79x128xi32, #tpu.memory_space<vmem>>, vector<1x16xi32>,
      %swap3A_188 = vector.shape_cast %swap3A_187 : vector<1x16xi32> to vector<16xi32>
      %swap3A_189 = vector.shape_cast %shift_right_logical3A_184 : vector<16xi32> to vector<1x16xi32>
      tpu.vector_store %arg7[%swap3A_185, %swap3A_186], %swap3A_189 {strides = array<i32>} : memref<79x128xi32, #tpu.memory_space<vmem>>, vector<1x16xi32>,
      %get3A_190 = arith.index_cast %scan3A_55 : i32 to index
      %get3A_191 = arith.constant 96 : index
      %get3A_192 = tpu.vector_load %arg5[%get3A_190, %get3A_191] {strides = array<i32>} : memref<79x128xi32, #tpu.memory_space<vmem>>, vector<1x16xi32>,
      %get3A_193 = vector.shape_cast %get3A_192 : vector<1x16xi32> to vector<16xi32>
      %and3A_194 = arith.constant 16383 : i32
      %and3A_195 = vector.broadcast %and3A_194 : i32 to vector<16xi32>
      %and3A_196 = arith.andi %get3A_193, %and3A_195 : vector<16xi32>
      %add3A_197 = arith.constant 0 : i32
      %add3A_198 = vector.broadcast %add3A_197 : i32 to vector<16xi32>
      %add3A_199 = arith.addi %and3A_196, %add3A_198 : vector<16xi32>
      %swap3A_200 = arith.index_cast %scan3A_55 : i32 to index
      %swap3A_201 = arith.constant 96 : index
      %swap3A_202 = tpu.vector_load %arg6[%swap3A_200, %swap3A_201] {strides = array<i32>} : memref<79x128xi32, #tpu.memory_space<vmem>>, vector<1x16xi32>,
      %swap3A_203 = vector.shape_cast %swap3A_202 : vector<1x16xi32> to vector<16xi32>
      %swap3A_204 = vector.shape_cast %add3A_199 : vector<16xi32> to vector<1x16xi32>
      tpu.vector_store %arg6[%swap3A_200, %swap3A_201], %swap3A_204 {strides = array<i32>} : memref<79x128xi32, #tpu.memory_space<vmem>>, vector<1x16xi32>,
      %shift_right_logical3A_205 = arith.constant 14 : i32
      %shift_right_logical3A_206 = vector.broadcast %shift_right_logical3A_205 : i32 to vector<16xi32>
      %shift_right_logical3A_207 = arith.shrui %get3A_193, %shift_right_logical3A_206 : vector<16xi32>
      %swap3A_208 = arith.index_cast %scan3A_55 : i32 to index
      %swap3A_209 = arith.constant 96 : index
      %swap3A_210 = tpu.vector_load %arg7[%swap3A_208, %swap3A_209] {strides = array<i32>} : memref<79x128xi32, #tpu.memory_space<vmem>>, vector<1x16xi32>,
      %swap3A_211 = vector.shape_cast %swap3A_210 : vector<1x16xi32> to vector<16xi32>
      %swap3A_212 = vector.shape_cast %shift_right_logical3A_207 : vector<16xi32> to vector<1x16xi32>
      tpu.vector_store %arg7[%swap3A_208, %swap3A_209], %swap3A_212 {strides = array<i32>} : memref<79x128xi32, #tpu.memory_space<vmem>>, vector<1x16xi32>,
      %get3A_213 = arith.index_cast %scan3A_55 : i32 to index
      %get3A_214 = arith.constant 112 : index
      %get3A_215 = tpu.vector_load %arg5[%get3A_213, %get3A_214] {strides = array<i32>} : memref<79x128xi32, #tpu.memory_space<vmem>>, vector<1x16xi32>,
      %get3A_216 = vector.shape_cast %get3A_215 : vector<1x16xi32> to vector<16xi32>
      %and3A_217 = arith.constant 16383 : i32
      %and3A_218 = vector.broadcast %and3A_217 : i32 to vector<16xi32>
      %and3A_219 = arith.andi %get3A_216, %and3A_218 : vector<16xi32>
      %add3A_220 = arith.constant 0 : i32
      %add3A_221 = vector.broadcast %add3A_220 : i32 to vector<16xi32>
      %add3A_222 = arith.addi %and3A_219, %add3A_221 : vector<16xi32>
      %swap3A_223 = arith.index_cast %scan3A_55 : i32 to index
      %swap3A_224 = arith.constant 112 : index
      %swap3A_225 = tpu.vector_load %arg6[%swap3A_223, %swap3A_224] {strides = array<i32>} : memref<79x128xi32, #tpu.memory_space<vmem>>, vector<1x16xi32>,
      %swap3A_226 = vector.shape_cast %swap3A_225 : vector<1x16xi32> to vector<16xi32>
      %swap3A_227 = vector.shape_cast %add3A_222 : vector<16xi32> to vector<1x16xi32>
      tpu.vector_store %arg6[%swap3A_223, %swap3A_224], %swap3A_227 {strides = array<i32>} : memref<79x128xi32, #tpu.memory_space<vmem>>, vector<1x16xi32>,
      %shift_right_logical3A_228 = arith.constant 14 : i32
      %shift_right_logical3A_229 = vector.broadcast %shift_right_logical3A_228 : i32 to vector<16xi32>
      %shift_right_logical3A_230 = arith.shrui %get3A_216, %shift_right_logical3A_229 : vector<16xi32>
      %swap3A_231 = arith.index_cast %scan3A_55 : i32 to index
      %swap3A_232 = arith.constant 112 : index
      %swap3A_233 = tpu.vector_load %arg7[%swap3A_231, %swap3A_232] {strides = array<i32>} : memref<79x128xi32, #tpu.memory_space<vmem>>, vector<1x16xi32>,
      %swap3A_234 = vector.shape_cast %swap3A_233 : vector<1x16xi32> to vector<16xi32>
      %swap3A_235 = vector.shape_cast %shift_right_logical3A_230 : vector<16xi32> to vector<1x16xi32>
      tpu.vector_store %arg7[%swap3A_231, %swap3A_232], %swap3A_235 {strides = array<i32>} : memref<79x128xi32, #tpu.memory_space<vmem>>, vector<1x16xi32>,
    }
    %scan3A_5 = arith.constant 79 : i32
    %scan3A_6 = arith.constant 0 : i32
    %scan3A_7 = arith.constant 0 : i32
    %scan3A_8 = arith.constant 128 : i32
    %scan3A_9 = arith.addi %scan3A_7, %scan3A_8 : i32
    %scan3A_10 = arith.constant 1 : i32
    scf.for %scan3A_55 = %scan3A_7 to %scan3A_9 step %scan3A_10  : i32 {
      %broadcast_in_dim3A = arith.constant 0.000000e+00 : f32
      %broadcast_in_dim3A_56 = vector.broadcast %broadcast_in_dim3A : f32 to vector<16xf32>
      %swap3A = arith.index_cast %scan3A_55 : i32 to index
      %swap3A_57 = arith.constant 0 : index
      %swap3A_58 = tpu.vector_load %arg10[%swap3A, %swap3A_57] {strides = array<i32>} : memref<128x16xf32, #tpu.memory_space<vmem>>, vector<1x16xf32>,
      %swap3A_59 = vector.shape_cast %swap3A_58 : vector<1x16xf32> to vector<16xf32>
      %swap3A_60 = vector.shape_cast %broadcast_in_dim3A_56 : vector<16xf32> to vector<1x16xf32>
      tpu.vector_store %arg10[%swap3A, %swap3A_57], %swap3A_60 {strides = array<i32>} : memref<128x16xf32, #tpu.memory_space<vmem>>, vector<1x16xf32>,
    }
    %scan3A_11 = arith.constant 128 : i32
    %mul3A_12 = arith.constant 640 : i32
    %mul3A_13 = arith.muli %arg1, %mul3A_12 : i32
    %add3A_14 = arith.constant 0 : i32
    %add3A_15 = arith.addi %mul3A_13, %add3A_14 : i32
    "tpu.region"() ({
      %run_scoped3A_55 = tpu.sem_alloc : memref<!tpu.dma_semaphore, #tpu.memory_space<semaphore_mem>>
      %dma_start3A_56 = arith.constant 0 : i32
      %dma_start3A_57 = tpu.memref_slice %arg11[%add3A_15, %dma_start3A_56] : memref<10240x16xf32, #tpu.memory_space<vmem_shared>> -> memref<128x16xf32, #tpu.memory_space<vmem_shared>>
      %dma_start3A_58 = arith.constant 0 : i32
      %dma_start3A_59 = tpu.memref_slice %arg11[%add3A_15, %dma_start3A_58] : memref<10240x16xf32, #tpu.memory_space<vmem_shared>> -> memref<128x16xf32, #tpu.memory_space<vmem_shared>>
      tpu.enqueue_dma source(%arg10 : memref<128x16xf32, #tpu.memory_space<vmem>>) target(%dma_start3A_59 : memref<128x16xf32, #tpu.memory_space<vmem_shared>>) target_semaphore(%run_scoped3A_55 : memref<!tpu.dma_semaphore, #tpu.memory_space<semaphore_mem>>)
      %dma_wait3A_60 = arith.constant 0 : i32
      %dma_wait3A_61 = tpu.memref_slice %arg11[%add3A_15, %dma_wait3A_60] : memref<10240x16xf32, #tpu.memory_space<vmem_shared>> -> memref<128x16xf32, #tpu.memory_space<vmem_shared>>
      %dma_wait3A_62 = arith.constant 0 : i32
      %dma_wait3A_63 = tpu.memref_slice %arg11[%add3A_15, %dma_wait3A_62] : memref<10240x16xf32, #tpu.memory_space<vmem_shared>> -> memref<128x16xf32, #tpu.memory_space<vmem_shared>>
      tpu.wait_dma2 semaphore(%run_scoped3A_55 : memref<!tpu.dma_semaphore, #tpu.memory_space<semaphore_mem>>) src(%arg10 : memref<128x16xf32, #tpu.memory_space<vmem>>) dst(%dma_wait3A_63 : memref<128x16xf32, #tpu.memory_space<vmem_shared>>)
      tpu.yield
    }) : () -> ()
    %mul3A_16 = arith.constant 640 : i32
    %mul3A_17 = arith.muli %arg1, %mul3A_16 : i32
    %add3A_18 = arith.constant 128 : i32
    %add3A_19 = arith.addi %mul3A_17, %add3A_18 : i32
    "tpu.region"() ({
      %run_scoped3A_55 = tpu.sem_alloc : memref<!tpu.dma_semaphore, #tpu.memory_space<semaphore_mem>>
      %dma_start3A_56 = arith.constant 0 : i32
      %dma_start3A_57 = tpu.memref_slice %arg11[%add3A_19, %dma_start3A_56] : memref<10240x16xf32, #tpu.memory_space<vmem_shared>> -> memref<128x16xf32, #tpu.memory_space<vmem_shared>>
      %dma_start3A_58 = arith.constant 0 : i32
      %dma_start3A_59 = tpu.memref_slice %arg11[%add3A_19, %dma_start3A_58] : memref<10240x16xf32, #tpu.memory_space<vmem_shared>> -> memref<128x16xf32, #tpu.memory_space<vmem_shared>>
      tpu.enqueue_dma source(%arg10 : memref<128x16xf32, #tpu.memory_space<vmem>>) target(%dma_start3A_59 : memref<128x16xf32, #tpu.memory_space<vmem_shared>>) target_semaphore(%run_scoped3A_55 : memref<!tpu.dma_semaphore, #tpu.memory_space<semaphore_mem>>)
      %dma_wait3A_60 = arith.constant 0 : i32
      %dma_wait3A_61 = tpu.memref_slice %arg11[%add3A_19, %dma_wait3A_60] : memref<10240x16xf32, #tpu.memory_space<vmem_shared>> -> memref<128x16xf32, #tpu.memory_space<vmem_shared>>
      %dma_wait3A_62 = arith.constant 0 : i32
      %dma_wait3A_63 = tpu.memref_slice %arg11[%add3A_19, %dma_wait3A_62] : memref<10240x16xf32, #tpu.memory_space<vmem_shared>> -> memref<128x16xf32, #tpu.memory_space<vmem_shared>>
      tpu.wait_dma2 semaphore(%run_scoped3A_55 : memref<!tpu.dma_semaphore, #tpu.memory_space<semaphore_mem>>) src(%arg10 : memref<128x16xf32, #tpu.memory_space<vmem>>) dst(%dma_wait3A_63 : memref<128x16xf32, #tpu.memory_space<vmem_shared>>)
      tpu.yield
    }) : () -> ()
    %mul3A_20 = arith.constant 640 : i32
    %mul3A_21 = arith.muli %arg1, %mul3A_20 : i32
    %add3A_22 = arith.constant 256 : i32
    %add3A_23 = arith.addi %mul3A_21, %add3A_22 : i32
    "tpu.region"() ({
      %run_scoped3A_55 = tpu.sem_alloc : memref<!tpu.dma_semaphore, #tpu.memory_space<semaphore_mem>>
      %dma_start3A_56 = arith.constant 0 : i32
      %dma_start3A_57 = tpu.memref_slice %arg11[%add3A_23, %dma_start3A_56] : memref<10240x16xf32, #tpu.memory_space<vmem_shared>> -> memref<128x16xf32, #tpu.memory_space<vmem_shared>>
      %dma_start3A_58 = arith.constant 0 : i32
      %dma_start3A_59 = tpu.memref_slice %arg11[%add3A_23, %dma_start3A_58] : memref<10240x16xf32, #tpu.memory_space<vmem_shared>> -> memref<128x16xf32, #tpu.memory_space<vmem_shared>>
      tpu.enqueue_dma source(%arg10 : memref<128x16xf32, #tpu.memory_space<vmem>>) target(%dma_start3A_59 : memref<128x16xf32, #tpu.memory_space<vmem_shared>>) target_semaphore(%run_scoped3A_55 : memref<!tpu.dma_semaphore, #tpu.memory_space<semaphore_mem>>)
      %dma_wait3A_60 = arith.constant 0 : i32
      %dma_wait3A_61 = tpu.memref_slice %arg11[%add3A_23, %dma_wait3A_60] : memref<10240x16xf32, #tpu.memory_space<vmem_shared>> -> memref<128x16xf32, #tpu.memory_space<vmem_shared>>
      %dma_wait3A_62 = arith.constant 0 : i32
      %dma_wait3A_63 = tpu.memref_slice %arg11[%add3A_23, %dma_wait3A_62] : memref<10240x16xf32, #tpu.memory_space<vmem_shared>> -> memref<128x16xf32, #tpu.memory_space<vmem_shared>>
      tpu.wait_dma2 semaphore(%run_scoped3A_55 : memref<!tpu.dma_semaphore, #tpu.memory_space<semaphore_mem>>) src(%arg10 : memref<128x16xf32, #tpu.memory_space<vmem>>) dst(%dma_wait3A_63 : memref<128x16xf32, #tpu.memory_space<vmem_shared>>)
      tpu.yield
    }) : () -> ()
    %mul3A_24 = arith.constant 640 : i32
    %mul3A_25 = arith.muli %arg1, %mul3A_24 : i32
    %add3A_26 = arith.constant 384 : i32
    %add3A_27 = arith.addi %mul3A_25, %add3A_26 : i32
    "tpu.region"() ({
      %run_scoped3A_55 = tpu.sem_alloc : memref<!tpu.dma_semaphore, #tpu.memory_space<semaphore_mem>>
      %dma_start3A_56 = arith.constant 0 : i32
      %dma_start3A_57 = tpu.memref_slice %arg11[%add3A_27, %dma_start3A_56] : memref<10240x16xf32, #tpu.memory_space<vmem_shared>> -> memref<128x16xf32, #tpu.memory_space<vmem_shared>>
      %dma_start3A_58 = arith.constant 0 : i32
      %dma_start3A_59 = tpu.memref_slice %arg11[%add3A_27, %dma_start3A_58] : memref<10240x16xf32, #tpu.memory_space<vmem_shared>> -> memref<128x16xf32, #tpu.memory_space<vmem_shared>>
      tpu.enqueue_dma source(%arg10 : memref<128x16xf32, #tpu.memory_space<vmem>>) target(%dma_start3A_59 : memref<128x16xf32, #tpu.memory_space<vmem_shared>>) target_semaphore(%run_scoped3A_55 : memref<!tpu.dma_semaphore, #tpu.memory_space<semaphore_mem>>)
      %dma_wait3A_60 = arith.constant 0 : i32
      %dma_wait3A_61 = tpu.memref_slice %arg11[%add3A_27, %dma_wait3A_60] : memref<10240x16xf32, #tpu.memory_space<vmem_shared>> -> memref<128x16xf32, #tpu.memory_space<vmem_shared>>
      %dma_wait3A_62 = arith.constant 0 : i32
      %dma_wait3A_63 = tpu.memref_slice %arg11[%add3A_27, %dma_wait3A_62] : memref<10240x16xf32, #tpu.memory_space<vmem_shared>> -> memref<128x16xf32, #tpu.memory_space<vmem_shared>>
      tpu.wait_dma2 semaphore(%run_scoped3A_55 : memref<!tpu.dma_semaphore, #tpu.memory_space<semaphore_mem>>) src(%arg10 : memref<128x16xf32, #tpu.memory_space<vmem>>) dst(%dma_wait3A_63 : memref<128x16xf32, #tpu.memory_space<vmem_shared>>)
      tpu.yield
    }) : () -> ()
    %mul3A_28 = arith.constant 640 : i32
    %mul3A_29 = arith.muli %arg1, %mul3A_28 : i32
    %add3A_30 = arith.constant 512 : i32
    %add3A_31 = arith.addi %mul3A_29, %add3A_30 : i32
    "tpu.region"() ({
      %run_scoped3A_55 = tpu.sem_alloc : memref<!tpu.dma_semaphore, #tpu.memory_space<semaphore_mem>>
      %dma_start3A_56 = arith.constant 0 : i32
      %dma_start3A_57 = tpu.memref_slice %arg11[%add3A_31, %dma_start3A_56] : memref<10240x16xf32, #tpu.memory_space<vmem_shared>> -> memref<128x16xf32, #tpu.memory_space<vmem_shared>>
      %dma_start3A_58 = arith.constant 0 : i32
      %dma_start3A_59 = tpu.memref_slice %arg11[%add3A_31, %dma_start3A_58] : memref<10240x16xf32, #tpu.memory_space<vmem_shared>> -> memref<128x16xf32, #tpu.memory_space<vmem_shared>>
      tpu.enqueue_dma source(%arg10 : memref<128x16xf32, #tpu.memory_space<vmem>>) target(%dma_start3A_59 : memref<128x16xf32, #tpu.memory_space<vmem_shared>>) target_semaphore(%run_scoped3A_55 : memref<!tpu.dma_semaphore, #tpu.memory_space<semaphore_mem>>)
      %dma_wait3A_60 = arith.constant 0 : i32
      %dma_wait3A_61 = tpu.memref_slice %arg11[%add3A_31, %dma_wait3A_60] : memref<10240x16xf32, #tpu.memory_space<vmem_shared>> -> memref<128x16xf32, #tpu.memory_space<vmem_shared>>
      %dma_wait3A_62 = arith.constant 0 : i32
      %dma_wait3A_63 = tpu.memref_slice %arg11[%add3A_31, %dma_wait3A_62] : memref<10240x16xf32, #tpu.memory_space<vmem_shared>> -> memref<128x16xf32, #tpu.memory_space<vmem_shared>>
      tpu.wait_dma2 semaphore(%run_scoped3A_55 : memref<!tpu.dma_semaphore, #tpu.memory_space<semaphore_mem>>) src(%arg10 : memref<128x16xf32, #tpu.memory_space<vmem>>) dst(%dma_wait3A_63 : memref<128x16xf32, #tpu.memory_space<vmem_shared>>)
      tpu.yield
    }) : () -> ()
    %barrier3A = arith.constant 0 : index
    tpu.barrier barrier_id(%barrier3A)
    %dma_start3A = arith.constant 0 : i32
    %dma_start3A_32 = arith.constant 0 : i32
    %dma_start3A_33 = tpu.memref_slice %arg6[%dma_start3A, %dma_start3A_32] : memref<79x128xi32, #tpu.memory_space<vmem>> -> memref<1x128xi32, #tpu.memory_space<vmem>>
    %dma_start3A_34 = tpu.memref_squeeze %dma_start3A_33 : memref<1x128xi32, #tpu.memory_space<vmem>> -> memref<128xi32, #tpu.memory_space<vmem>>
    %dma_start3A_35 = arith.constant 0 : i32
    %dma_start3A_36 = arith.constant 0 : i32
    %dma_start3A_37 = tpu.memref_slice %arg2[%dma_start3A_35, %dma_start3A_36] : memref<10240x16xf32, #tpu.memory_space<hbm>> -> memref<10240x16xf32, #tpu.memory_space<hbm>>
    tpu.enqueue_indirect_dma source(%dma_start3A_37 : memref<10240x16xf32, #tpu.memory_space<hbm>>) target(%arg8 : memref<128x16xf32, #tpu.memory_space<vmem>>) offsets(%dma_start3A_34 : memref<128xi32, #tpu.memory_space<vmem>>) semaphore(%arg12 : memref<!tpu.dma_semaphore, #tpu.memory_space<semaphore_mem>>)
    %scan3A_38 = arith.constant 0 : i32
    %scan3A_39 = arith.constant 0 : i32
    %scan3A_40 = arith.constant 39 : i32
    %scan3A_41 = arith.addi %scan3A_39, %scan3A_40 : i32
    %scan3A_42 = arith.constant 1 : i32
    scf.for %scan3A_55 = %scan3A_39 to %scan3A_41 step %scan3A_42  : i32 {
      %mul3A_56 = arith.constant 2 : i32
      %mul3A_57 = arith.muli %mul3A_56, %scan3A_55 : i32
      %add3A_58 = arith.constant 1 : i32
      %add3A_59 = arith.addi %mul3A_57, %add3A_58 : i32
      %dma_start3A_60 = arith.constant 0 : i32
      %dma_start3A_61 = tpu.memref_slice %arg6[%add3A_59, %dma_start3A_60] : memref<79x128xi32, #tpu.memory_space<vmem>> -> memref<1x128xi32, #tpu.memory_space<vmem>>
      %dma_start3A_62 = tpu.memref_squeeze %dma_start3A_61 : memref<1x128xi32, #tpu.memory_space<vmem>> -> memref<128xi32, #tpu.memory_space<vmem>>
      %dma_start3A_63 = arith.constant 0 : i32
      %dma_start3A_64 = arith.constant 0 : i32
      %dma_start3A_65 = tpu.memref_slice %arg2[%dma_start3A_63, %dma_start3A_64] : memref<10240x16xf32, #tpu.memory_space<hbm>> -> memref<10240x16xf32, #tpu.memory_space<hbm>>
      tpu.enqueue_indirect_dma source(%dma_start3A_65 : memref<10240x16xf32, #tpu.memory_space<hbm>>) target(%arg9 : memref<128x16xf32, #tpu.memory_space<vmem>>) offsets(%dma_start3A_62 : memref<128xi32, #tpu.memory_space<vmem>>) semaphore(%arg13 : memref<!tpu.dma_semaphore, #tpu.memory_space<semaphore_mem>>)
      %dma_wait3A_66 = arith.constant 0 : i32
      %dma_wait3A_67 = tpu.memref_slice %arg6[%mul3A_57, %dma_wait3A_66] : memref<79x128xi32, #tpu.memory_space<vmem>> -> memref<1x128xi32, #tpu.memory_space<vmem>>
      %dma_wait3A_68 = tpu.memref_squeeze %dma_wait3A_67 : memref<1x128xi32, #tpu.memory_space<vmem>> -> memref<128xi32, #tpu.memory_space<vmem>>
      %dma_wait3A_69 = arith.constant 0 : i32
      %dma_wait3A_70 = arith.constant 0 : i32
      %dma_wait3A_71 = tpu.memref_slice %arg2[%dma_wait3A_69, %dma_wait3A_70] : memref<10240x16xf32, #tpu.memory_space<hbm>> -> memref<10240x16xf32, #tpu.memory_space<hbm>>
      tpu.wait_indirect_dma semaphore(%arg12 : memref<!tpu.dma_semaphore, #tpu.memory_space<semaphore_mem>>) src(%dma_wait3A_71 : memref<10240x16xf32, #tpu.memory_space<hbm>>) dst(%arg8 : memref<128x16xf32, #tpu.memory_space<vmem>>)
      "tpu.region"() ({
        %run_scoped3A_86 = tpu.sem_alloc : memref<!tpu.dma_semaphore, #tpu.memory_space<semaphore_mem>>
        %dma_start3A_87 = arith.constant 0 : i32
        %dma_start3A_88 = tpu.memref_slice %arg7[%mul3A_57, %dma_start3A_87] : memref<79x128xi32, #tpu.memory_space<vmem>> -> memref<1x128xi32, #tpu.memory_space<vmem>>
        %dma_start3A_89 = tpu.memref_squeeze %dma_start3A_88 : memref<1x128xi32, #tpu.memory_space<vmem>> -> memref<128xi32, #tpu.memory_space<vmem>>
        %dma_start3A_90 = arith.constant 0 : i32
        %dma_start3A_91 = arith.constant 0 : i32
        %dma_start3A_92 = tpu.memref_slice %arg11[%dma_start3A_90, %dma_start3A_91] : memref<10240x16xf32, #tpu.memory_space<vmem_shared>> -> memref<10240x16xf32, #tpu.memory_space<vmem_shared>>
        tpu.enqueue_indirect_dma source(%arg8 : memref<128x16xf32, #tpu.memory_space<vmem>>) target(%dma_start3A_92 : memref<10240x16xf32, #tpu.memory_space<vmem_shared>>) offsets(%dma_start3A_89 : memref<128xi32, #tpu.memory_space<vmem>>) semaphore(%run_scoped3A_86 : memref<!tpu.dma_semaphore, #tpu.memory_space<semaphore_mem>>) {add = true}
        %dma_wait3A_93 = arith.constant 0 : i32
        %dma_wait3A_94 = tpu.memref_slice %arg7[%mul3A_57, %dma_wait3A_93] : memref<79x128xi32, #tpu.memory_space<vmem>> -> memref<1x128xi32, #tpu.memory_space<vmem>>
        %dma_wait3A_95 = tpu.memref_squeeze %dma_wait3A_94 : memref<1x128xi32, #tpu.memory_space<vmem>> -> memref<128xi32, #tpu.memory_space<vmem>>
        %dma_wait3A_96 = arith.constant 0 : i32
        %dma_wait3A_97 = arith.constant 0 : i32
        %dma_wait3A_98 = tpu.memref_slice %arg11[%dma_wait3A_96, %dma_wait3A_97] : memref<10240x16xf32, #tpu.memory_space<vmem_shared>> -> memref<10240x16xf32, #tpu.memory_space<vmem_shared>>
        tpu.wait_indirect_dma semaphore(%run_scoped3A_86 : memref<!tpu.dma_semaphore, #tpu.memory_space<semaphore_mem>>) src(%arg8 : memref<128x16xf32, #tpu.memory_space<vmem>>) dst(%dma_wait3A_98 : memref<10240x16xf32, #tpu.memory_space<vmem_shared>>)
        tpu.yield
      }) : () -> ()
      %add3A_72 = arith.constant 2 : i32
      %add3A_73 = arith.addi %mul3A_57, %add3A_72 : i32
      %lt3A = arith.constant 79 : i32
      %lt3A_74 = arith.cmpi slt, %add3A_73, %lt3A : i32
      %convert_element_type3A = arith.extui %lt3A_74 : i1 to i32
      %cond3A = arith.constant 0 : i32
      %cond3A_75 = arith.cmpi ne, %convert_element_type3A, %cond3A : i32
      scf.if %cond3A_75 {
        %add3A_86 = arith.constant 2 : i32
        %add3A_87 = arith.addi %mul3A_57, %add3A_86 : i32
        %dma_start3A_88 = arith.constant 0 : i32
        %dma_start3A_89 = tpu.memref_slice %arg6[%add3A_87, %dma_start3A_88] : memref<79x128xi32, #tpu.memory_space<vmem>> -> memref<1x128xi32, #tpu.memory_space<vmem>>
        %dma_start3A_90 = tpu.memref_squeeze %dma_start3A_89 : memref<1x128xi32, #tpu.memory_space<vmem>> -> memref<128xi32, #tpu.memory_space<vmem>>
        %dma_start3A_91 = arith.constant 0 : i32
        %dma_start3A_92 = arith.constant 0 : i32
        %dma_start3A_93 = tpu.memref_slice %arg2[%dma_start3A_91, %dma_start3A_92] : memref<10240x16xf32, #tpu.memory_space<hbm>> -> memref<10240x16xf32, #tpu.memory_space<hbm>>
        tpu.enqueue_indirect_dma source(%dma_start3A_93 : memref<10240x16xf32, #tpu.memory_space<hbm>>) target(%arg8 : memref<128x16xf32, #tpu.memory_space<vmem>>) offsets(%dma_start3A_90 : memref<128xi32, #tpu.memory_space<vmem>>) semaphore(%arg12 : memref<!tpu.dma_semaphore, #tpu.memory_space<semaphore_mem>>)
      } else {
      }
      %add3A_76 = arith.constant 1 : i32
      %add3A_77 = arith.addi %mul3A_57, %add3A_76 : i32
      %dma_wait3A_78 = arith.constant 0 : i32
      %dma_wait3A_79 = tpu.memref_slice %arg6[%add3A_77, %dma_wait3A_78] : memref<79x128xi32, #tpu.memory_space<vmem>> -> memref<1x128xi32, #tpu.memory_space<vmem>>
      %dma_wait3A_80 = tpu.memref_squeeze %dma_wait3A_79 : memref<1x128xi32, #tpu.memory_space<vmem>> -> memref<128xi32, #tpu.memory_space<vmem>>
      %dma_wait3A_81 = arith.constant 0 : i32
      %dma_wait3A_82 = arith.constant 0 : i32
      %dma_wait3A_83 = tpu.memref_slice %arg2[%dma_wait3A_81, %dma_wait3A_82] : memref<10240x16xf32, #tpu.memory_space<hbm>> -> memref<10240x16xf32, #tpu.memory_space<hbm>>
      tpu.wait_indirect_dma semaphore(%arg13 : memref<!tpu.dma_semaphore, #tpu.memory_space<semaphore_mem>>) src(%dma_wait3A_83 : memref<10240x16xf32, #tpu.memory_space<hbm>>) dst(%arg9 : memref<128x16xf32, #tpu.memory_space<vmem>>)
      %add3A_84 = arith.constant 1 : i32
      %add3A_85 = arith.addi %mul3A_57, %add3A_84 : i32
      "tpu.region"() ({
        %run_scoped3A_86 = tpu.sem_alloc : memref<!tpu.dma_semaphore, #tpu.memory_space<semaphore_mem>>
        %dma_start3A_87 = arith.constant 0 : i32
        %dma_start3A_88 = tpu.memref_slice %arg7[%add3A_85, %dma_start3A_87] : memref<79x128xi32, #tpu.memory_space<vmem>> -> memref<1x128xi32, #tpu.memory_space<vmem>>
        %dma_start3A_89 = tpu.memref_squeeze %dma_start3A_88 : memref<1x128xi32, #tpu.memory_space<vmem>> -> memref<128xi32, #tpu.memory_space<vmem>>
        %dma_start3A_90 = arith.constant 0 : i32
        %dma_start3A_91 = arith.constant 0 : i32
        %dma_start3A_92 = tpu.memref_slice %arg11[%dma_start3A_90, %dma_start3A_91] : memref<10240x16xf32, #tpu.memory_space<vmem_shared>> -> memref<10240x16xf32, #tpu.memory_space<vmem_shared>>
        tpu.enqueue_indirect_dma source(%arg9 : memref<128x16xf32, #tpu.memory_space<vmem>>) target(%dma_start3A_92 : memref<10240x16xf32, #tpu.memory_space<vmem_shared>>) offsets(%dma_start3A_89 : memref<128xi32, #tpu.memory_space<vmem>>) semaphore(%run_scoped3A_86 : memref<!tpu.dma_semaphore, #tpu.memory_space<semaphore_mem>>) {add = true}
        %dma_wait3A_93 = arith.constant 0 : i32
        %dma_wait3A_94 = tpu.memref_slice %arg7[%add3A_85, %dma_wait3A_93] : memref<79x128xi32, #tpu.memory_space<vmem>> -> memref<1x128xi32, #tpu.memory_space<vmem>>
        %dma_wait3A_95 = tpu.memref_squeeze %dma_wait3A_94 : memref<1x128xi32, #tpu.memory_space<vmem>> -> memref<128xi32, #tpu.memory_space<vmem>>
        %dma_wait3A_96 = arith.constant 0 : i32
        %dma_wait3A_97 = arith.constant 0 : i32
        %dma_wait3A_98 = tpu.memref_slice %arg11[%dma_wait3A_96, %dma_wait3A_97] : memref<10240x16xf32, #tpu.memory_space<vmem_shared>> -> memref<10240x16xf32, #tpu.memory_space<vmem_shared>>
        tpu.wait_indirect_dma semaphore(%run_scoped3A_86 : memref<!tpu.dma_semaphore, #tpu.memory_space<semaphore_mem>>) src(%arg9 : memref<128x16xf32, #tpu.memory_space<vmem>>) dst(%dma_wait3A_98 : memref<10240x16xf32, #tpu.memory_space<vmem_shared>>)
        tpu.yield
      }) : () -> ()
    }
    %scan3A_43 = arith.constant 39 : i32
    %dma_wait3A = arith.constant 78 : i32
    %dma_wait3A_44 = arith.constant 0 : i32
    %dma_wait3A_45 = tpu.memref_slice %arg6[%dma_wait3A, %dma_wait3A_44] : memref<79x128xi32, #tpu.memory_space<vmem>> -> memref<1x128xi32, #tpu.memory_space<vmem>>
    %dma_wait3A_46 = tpu.memref_squeeze %dma_wait3A_45 : memref<1x128xi32, #tpu.memory_space<vmem>> -> memref<128xi32, #tpu.memory_space<vmem>>
    %dma_wait3A_47 = arith.constant 0 : i32
    %dma_wait3A_48 = arith.constant 0 : i32
    %dma_wait3A_49 = tpu.memref_slice %arg2[%dma_wait3A_47, %dma_wait3A_48] : memref<10240x16xf32, #tpu.memory_space<hbm>> -> memref<10240x16xf32, #tpu.memory_space<hbm>>
    tpu.wait_indirect_dma semaphore(%arg12 : memref<!tpu.dma_semaphore, #tpu.memory_space<semaphore_mem>>) src(%dma_wait3A_49 : memref<10240x16xf32, #tpu.memory_space<hbm>>) dst(%arg8 : memref<128x16xf32, #tpu.memory_space<vmem>>)
    %run_scoped3A = arith.constant 78 : i32
    "tpu.region"() ({
      %run_scoped3A_55 = tpu.sem_alloc : memref<!tpu.dma_semaphore, #tpu.memory_space<semaphore_mem>>
      %dma_start3A_56 = arith.constant 0 : i32
      %dma_start3A_57 = tpu.memref_slice %arg7[%run_scoped3A, %dma_start3A_56] : memref<79x128xi32, #tpu.memory_space<vmem>> -> memref<1x128xi32, #tpu.memory_space<vmem>>
      %dma_start3A_58 = tpu.memref_squeeze %dma_start3A_57 : memref<1x128xi32, #tpu.memory_space<vmem>> -> memref<128xi32, #tpu.memory_space<vmem>>
      %dma_start3A_59 = arith.constant 0 : i32
      %dma_start3A_60 = arith.constant 0 : i32
      %dma_start3A_61 = tpu.memref_slice %arg11[%dma_start3A_59, %dma_start3A_60] : memref<10240x16xf32, #tpu.memory_space<vmem_shared>> -> memref<10240x16xf32, #tpu.memory_space<vmem_shared>>
      tpu.enqueue_indirect_dma source(%arg8 : memref<128x16xf32, #tpu.memory_space<vmem>>) target(%dma_start3A_61 : memref<10240x16xf32, #tpu.memory_space<vmem_shared>>) offsets(%dma_start3A_58 : memref<128xi32, #tpu.memory_space<vmem>>) semaphore(%run_scoped3A_55 : memref<!tpu.dma_semaphore, #tpu.memory_space<semaphore_mem>>) {add = true}
      %dma_wait3A_62 = arith.constant 0 : i32
      %dma_wait3A_63 = tpu.memref_slice %arg7[%run_scoped3A, %dma_wait3A_62] : memref<79x128xi32, #tpu.memory_space<vmem>> -> memref<1x128xi32, #tpu.memory_space<vmem>>
      %dma_wait3A_64 = tpu.memref_squeeze %dma_wait3A_63 : memref<1x128xi32, #tpu.memory_space<vmem>> -> memref<128xi32, #tpu.memory_space<vmem>>
      %dma_wait3A_65 = arith.constant 0 : i32
      %dma_wait3A_66 = arith.constant 0 : i32
      %dma_wait3A_67 = tpu.memref_slice %arg11[%dma_wait3A_65, %dma_wait3A_66] : memref<10240x16xf32, #tpu.memory_space<vmem_shared>> -> memref<10240x16xf32, #tpu.memory_space<vmem_shared>>
      tpu.wait_indirect_dma semaphore(%run_scoped3A_55 : memref<!tpu.dma_semaphore, #tpu.memory_space<semaphore_mem>>) src(%arg8 : memref<128x16xf32, #tpu.memory_space<vmem>>) dst(%dma_wait3A_67 : memref<10240x16xf32, #tpu.memory_space<vmem_shared>>)
      tpu.yield
    }) : () -> ()
    %barrier3A_50 = arith.constant 0 : index
    tpu.barrier barrier_id(%barrier3A_50)
    %mul3A_51 = arith.constant 640 : i32
    %mul3A_52 = arith.muli %arg1, %mul3A_51 : i32
    %mul3A_53 = arith.constant 640 : i32
    %mul3A_54 = arith.muli %arg1, %mul3A_53 : i32
    "tpu.region"() ({
      %run_scoped3A_55 = tpu.sem_alloc : memref<!tpu.dma_semaphore, #tpu.memory_space<semaphore_mem>>
      %dma_start3A_56 = arith.constant 0 : i32
      %dma_start3A_57 = tpu.memref_slice %arg4[%arg0, %mul3A_54, %dma_start3A_56] : memref<2x10240x16xf32, #tpu.memory_space<hbm>> -> memref<1x640x16xf32, #tpu.memory_space<hbm>>
      %dma_start3A_58 = tpu.memref_squeeze %dma_start3A_57 : memref<1x640x16xf32, #tpu.memory_space<hbm>> -> memref<640x16xf32, #tpu.memory_space<hbm>>
      %dma_start3A_59 = arith.constant 0 : i32
      %dma_start3A_60 = tpu.memref_slice %arg11[%mul3A_52, %dma_start3A_59] : memref<10240x16xf32, #tpu.memory_space<vmem_shared>> -> memref<640x16xf32, #tpu.memory_space<vmem_shared>>
      tpu.enqueue_dma source(%dma_start3A_60 : memref<640x16xf32, #tpu.memory_space<vmem_shared>>) target(%dma_start3A_58 : memref<640x16xf32, #tpu.memory_space<hbm>>) target_semaphore(%run_scoped3A_55 : memref<!tpu.dma_semaphore, #tpu.memory_space<semaphore_mem>>)
      %dma_wait3A_61 = arith.constant 0 : i32
      %dma_wait3A_62 = tpu.memref_slice %arg4[%arg0, %mul3A_54, %dma_wait3A_61] : memref<2x10240x16xf32, #tpu.memory_space<hbm>> -> memref<1x640x16xf32, #tpu.memory_space<hbm>>
      %dma_wait3A_63 = tpu.memref_squeeze %dma_wait3A_62 : memref<1x640x16xf32, #tpu.memory_space<hbm>> -> memref<640x16xf32, #tpu.memory_space<hbm>>
      %dma_wait3A_64 = arith.constant 0 : i32
      %dma_wait3A_65 = tpu.memref_slice %arg11[%mul3A_52, %dma_wait3A_64] : memref<10240x16xf32, #tpu.memory_space<vmem_shared>> -> memref<640x16xf32, #tpu.memory_space<vmem_shared>>
      tpu.wait_dma2 semaphore(%run_scoped3A_55 : memref<!tpu.dma_semaphore, #tpu.memory_space<semaphore_mem>>) src(%dma_wait3A_65 : memref<640x16xf32, #tpu.memory_space<vmem_shared>>) dst(%dma_wait3A_63 : memref<640x16xf32, #tpu.memory_space<hbm>>)
      tpu.yield
    }) : () -> ()
    return
  }
}

#map = affine_map<(d0, d1) -> (0, 0)>
#map1 = affine_map<(d0, d1) -> (0, 0, 0)>
module attributes {stable_mosaic.version = 14 : i64} {
  func.func @prop(%arg0: i32, %arg1: i32, %arg2: memref<20480x64xf32, #tpu.memory_space<hbm>>, %arg3: memref<16x158x128xi32, #tpu.memory_space<hbm>>, %arg4: memref<2x10240x64xf32, #tpu.memory_space<hbm>>, %arg5: memref<158x128xi32, #tpu.memory_space<vmem>>, %arg6: memref<158x128xi32, #tpu.memory_space<vmem>>, %arg7: memref<158x128xi32, #tpu.memory_space<vmem>>, %arg8: memref<128x64xf32, #tpu.memory_space<vmem>>, %arg9: memref<128x64xf32, #tpu.memory_space<vmem>>, %arg10: memref<128x64xf32, #tpu.memory_space<vmem>>, %arg11: memref<10240x64xf32, #tpu.memory_space<vmem_shared>>, %arg12: memref<!tpu.dma_semaphore, #tpu.memory_space<semaphore_mem>>, %arg13: memref<!tpu.dma_semaphore, #tpu.memory_space<semaphore_mem>>) attributes {dimension_semantics = [#tpu.dimension_semantics<core_parallel>, #tpu.dimension_semantics<subcore_parallel>], iteration_bounds = array<i64: 2, 16>, scalar_prefetch = 0 : i64, scratch_operands = 9 : i64, tpu.core_type = #tpu.core_type<sc_vector_subcore>, window_params = [{transform_indices = #map}, {transform_indices = #map1}, {transform_indices = #map1}]} {
    "tpu.region"() ({
      %run_scoped3A = tpu.sem_alloc : memref<!tpu.dma_semaphore, #tpu.memory_space<semaphore_mem>>
      %dma_start3A_48 = arith.constant 0 : i32
      %dma_start3A_49 = arith.constant 0 : i32
      %dma_start3A_50 = tpu.memref_slice %arg3[%arg1, %dma_start3A_48, %dma_start3A_49] : memref<16x158x128xi32, #tpu.memory_space<hbm>> -> memref<1x158x128xi32, #tpu.memory_space<hbm>>
      %dma_start3A_51 = tpu.memref_squeeze %dma_start3A_50 : memref<1x158x128xi32, #tpu.memory_space<hbm>> -> memref<158x128xi32, #tpu.memory_space<hbm>>
      %dma_start3A_52 = arith.constant 0 : i32
      %dma_start3A_53 = arith.constant 0 : i32
      %dma_start3A_54 = tpu.memref_slice %arg3[%arg1, %dma_start3A_52, %dma_start3A_53] : memref<16x158x128xi32, #tpu.memory_space<hbm>> -> memref<1x158x128xi32, #tpu.memory_space<hbm>>
      %dma_start3A_55 = tpu.memref_squeeze %dma_start3A_54 : memref<1x158x128xi32, #tpu.memory_space<hbm>> -> memref<158x128xi32, #tpu.memory_space<hbm>>
      tpu.enqueue_dma source(%dma_start3A_55 : memref<158x128xi32, #tpu.memory_space<hbm>>) target(%arg5 : memref<158x128xi32, #tpu.memory_space<vmem>>) target_semaphore(%run_scoped3A : memref<!tpu.dma_semaphore, #tpu.memory_space<semaphore_mem>>)
      %dma_wait3A = arith.constant 0 : i32
      %dma_wait3A_56 = arith.constant 0 : i32
      %dma_wait3A_57 = tpu.memref_slice %arg3[%arg1, %dma_wait3A, %dma_wait3A_56] : memref<16x158x128xi32, #tpu.memory_space<hbm>> -> memref<1x158x128xi32, #tpu.memory_space<hbm>>
      %dma_wait3A_58 = tpu.memref_squeeze %dma_wait3A_57 : memref<1x158x128xi32, #tpu.memory_space<hbm>> -> memref<158x128xi32, #tpu.memory_space<hbm>>
      %dma_wait3A_59 = arith.constant 0 : i32
      %dma_wait3A_60 = arith.constant 0 : i32
      %dma_wait3A_61 = tpu.memref_slice %arg3[%arg1, %dma_wait3A_59, %dma_wait3A_60] : memref<16x158x128xi32, #tpu.memory_space<hbm>> -> memref<1x158x128xi32, #tpu.memory_space<hbm>>
      %dma_wait3A_62 = tpu.memref_squeeze %dma_wait3A_61 : memref<1x158x128xi32, #tpu.memory_space<hbm>> -> memref<158x128xi32, #tpu.memory_space<hbm>>
      tpu.wait_dma2 semaphore(%run_scoped3A : memref<!tpu.dma_semaphore, #tpu.memory_space<semaphore_mem>>) src(%dma_wait3A_62 : memref<158x128xi32, #tpu.memory_space<hbm>>) dst(%arg5 : memref<158x128xi32, #tpu.memory_space<vmem>>)
      tpu.yield
    }) : () -> ()
    %mul3A = arith.constant 10240 : i32
    %mul3A_0 = arith.muli %arg0, %mul3A : i32
    %scan3A = arith.constant 0 : i32
    %scan3A_1 = arith.constant 0 : i32
    %scan3A_2 = arith.constant 158 : i32
    %scan3A_3 = arith.addi %scan3A_1, %scan3A_2 : i32
    %scan3A_4 = arith.constant 1 : i32
    scf.for %scan3A_48 = %scan3A_1 to %scan3A_3 step %scan3A_4  : i32 {
      %get3A = arith.index_cast %scan3A_48 : i32 to index
      %get3A_49 = arith.constant 0 : index
      %get3A_50 = tpu.vector_load %arg5[%get3A, %get3A_49] {strides = array<i32>} : memref<158x128xi32, #tpu.memory_space<vmem>>, vector<1x16xi32>,
      %get3A_51 = vector.shape_cast %get3A_50 : vector<1x16xi32> to vector<16xi32>
      %and3A = arith.constant 16383 : i32
      %and3A_52 = vector.broadcast %and3A : i32 to vector<16xi32>
      %and3A_53 = arith.andi %get3A_51, %and3A_52 : vector<16xi32>
      %add3A_54 = vector.broadcast %mul3A_0 : i32 to vector<16xi32>
      %add3A_55 = arith.addi %and3A_53, %add3A_54 : vector<16xi32>
      %swap3A = arith.index_cast %scan3A_48 : i32 to index
      %swap3A_56 = arith.constant 0 : index
      %swap3A_57 = tpu.vector_load %arg6[%swap3A, %swap3A_56] {strides = array<i32>} : memref<158x128xi32, #tpu.memory_space<vmem>>, vector<1x16xi32>,
      %swap3A_58 = vector.shape_cast %swap3A_57 : vector<1x16xi32> to vector<16xi32>
      %swap3A_59 = vector.shape_cast %add3A_55 : vector<16xi32> to vector<1x16xi32>
      tpu.vector_store %arg6[%swap3A, %swap3A_56], %swap3A_59 {strides = array<i32>} : memref<158x128xi32, #tpu.memory_space<vmem>>, vector<1x16xi32>,
      %shift_right_logical3A = arith.constant 14 : i32
      %shift_right_logical3A_60 = vector.broadcast %shift_right_logical3A : i32 to vector<16xi32>
      %shift_right_logical3A_61 = arith.shrui %get3A_51, %shift_right_logical3A_60 : vector<16xi32>
      %swap3A_62 = arith.index_cast %scan3A_48 : i32 to index
      %swap3A_63 = arith.constant 0 : index
      %swap3A_64 = tpu.vector_load %arg7[%swap3A_62, %swap3A_63] {strides = array<i32>} : memref<158x128xi32, #tpu.memory_space<vmem>>, vector<1x16xi32>,
      %swap3A_65 = vector.shape_cast %swap3A_64 : vector<1x16xi32> to vector<16xi32>
      %swap3A_66 = vector.shape_cast %shift_right_logical3A_61 : vector<16xi32> to vector<1x16xi32>
      tpu.vector_store %arg7[%swap3A_62, %swap3A_63], %swap3A_66 {strides = array<i32>} : memref<158x128xi32, #tpu.memory_space<vmem>>, vector<1x16xi32>,
      %get3A_67 = arith.index_cast %scan3A_48 : i32 to index
      %get3A_68 = arith.constant 16 : index
      %get3A_69 = tpu.vector_load %arg5[%get3A_67, %get3A_68] {strides = array<i32>} : memref<158x128xi32, #tpu.memory_space<vmem>>, vector<1x16xi32>,
      %get3A_70 = vector.shape_cast %get3A_69 : vector<1x16xi32> to vector<16xi32>
      %and3A_71 = arith.constant 16383 : i32
      %and3A_72 = vector.broadcast %and3A_71 : i32 to vector<16xi32>
      %and3A_73 = arith.andi %get3A_70, %and3A_72 : vector<16xi32>
      %add3A_74 = vector.broadcast %mul3A_0 : i32 to vector<16xi32>
      %add3A_75 = arith.addi %and3A_73, %add3A_74 : vector<16xi32>
      %swap3A_76 = arith.index_cast %scan3A_48 : i32 to index
      %swap3A_77 = arith.constant 16 : index
      %swap3A_78 = tpu.vector_load %arg6[%swap3A_76, %swap3A_77] {strides = array<i32>} : memref<158x128xi32, #tpu.memory_space<vmem>>, vector<1x16xi32>,
      %swap3A_79 = vector.shape_cast %swap3A_78 : vector<1x16xi32> to vector<16xi32>
      %swap3A_80 = vector.shape_cast %add3A_75 : vector<16xi32> to vector<1x16xi32>
      tpu.vector_store %arg6[%swap3A_76, %swap3A_77], %swap3A_80 {strides = array<i32>} : memref<158x128xi32, #tpu.memory_space<vmem>>, vector<1x16xi32>,
      %shift_right_logical3A_81 = arith.constant 14 : i32
      %shift_right_logical3A_82 = vector.broadcast %shift_right_logical3A_81 : i32 to vector<16xi32>
      %shift_right_logical3A_83 = arith.shrui %get3A_70, %shift_right_logical3A_82 : vector<16xi32>
      %swap3A_84 = arith.index_cast %scan3A_48 : i32 to index
      %swap3A_85 = arith.constant 16 : index
      %swap3A_86 = tpu.vector_load %arg7[%swap3A_84, %swap3A_85] {strides = array<i32>} : memref<158x128xi32, #tpu.memory_space<vmem>>, vector<1x16xi32>,
      %swap3A_87 = vector.shape_cast %swap3A_86 : vector<1x16xi32> to vector<16xi32>
      %swap3A_88 = vector.shape_cast %shift_right_logical3A_83 : vector<16xi32> to vector<1x16xi32>
      tpu.vector_store %arg7[%swap3A_84, %swap3A_85], %swap3A_88 {strides = array<i32>} : memref<158x128xi32, #tpu.memory_space<vmem>>, vector<1x16xi32>,
      %get3A_89 = arith.index_cast %scan3A_48 : i32 to index
      %get3A_90 = arith.constant 32 : index
      %get3A_91 = tpu.vector_load %arg5[%get3A_89, %get3A_90] {strides = array<i32>} : memref<158x128xi32, #tpu.memory_space<vmem>>, vector<1x16xi32>,
      %get3A_92 = vector.shape_cast %get3A_91 : vector<1x16xi32> to vector<16xi32>
      %and3A_93 = arith.constant 16383 : i32
      %and3A_94 = vector.broadcast %and3A_93 : i32 to vector<16xi32>
      %and3A_95 = arith.andi %get3A_92, %and3A_94 : vector<16xi32>
      %add3A_96 = vector.broadcast %mul3A_0 : i32 to vector<16xi32>
      %add3A_97 = arith.addi %and3A_95, %add3A_96 : vector<16xi32>
      %swap3A_98 = arith.index_cast %scan3A_48 : i32 to index
      %swap3A_99 = arith.constant 32 : index
      %swap3A_100 = tpu.vector_load %arg6[%swap3A_98, %swap3A_99] {strides = array<i32>} : memref<158x128xi32, #tpu.memory_space<vmem>>, vector<1x16xi32>,
      %swap3A_101 = vector.shape_cast %swap3A_100 : vector<1x16xi32> to vector<16xi32>
      %swap3A_102 = vector.shape_cast %add3A_97 : vector<16xi32> to vector<1x16xi32>
      tpu.vector_store %arg6[%swap3A_98, %swap3A_99], %swap3A_102 {strides = array<i32>} : memref<158x128xi32, #tpu.memory_space<vmem>>, vector<1x16xi32>,
      %shift_right_logical3A_103 = arith.constant 14 : i32
      %shift_right_logical3A_104 = vector.broadcast %shift_right_logical3A_103 : i32 to vector<16xi32>
      %shift_right_logical3A_105 = arith.shrui %get3A_92, %shift_right_logical3A_104 : vector<16xi32>
      %swap3A_106 = arith.index_cast %scan3A_48 : i32 to index
      %swap3A_107 = arith.constant 32 : index
      %swap3A_108 = tpu.vector_load %arg7[%swap3A_106, %swap3A_107] {strides = array<i32>} : memref<158x128xi32, #tpu.memory_space<vmem>>, vector<1x16xi32>,
      %swap3A_109 = vector.shape_cast %swap3A_108 : vector<1x16xi32> to vector<16xi32>
      %swap3A_110 = vector.shape_cast %shift_right_logical3A_105 : vector<16xi32> to vector<1x16xi32>
      tpu.vector_store %arg7[%swap3A_106, %swap3A_107], %swap3A_110 {strides = array<i32>} : memref<158x128xi32, #tpu.memory_space<vmem>>, vector<1x16xi32>,
      %get3A_111 = arith.index_cast %scan3A_48 : i32 to index
      %get3A_112 = arith.constant 48 : index
      %get3A_113 = tpu.vector_load %arg5[%get3A_111, %get3A_112] {strides = array<i32>} : memref<158x128xi32, #tpu.memory_space<vmem>>, vector<1x16xi32>,
      %get3A_114 = vector.shape_cast %get3A_113 : vector<1x16xi32> to vector<16xi32>
      %and3A_115 = arith.constant 16383 : i32
      %and3A_116 = vector.broadcast %and3A_115 : i32 to vector<16xi32>
      %and3A_117 = arith.andi %get3A_114, %and3A_116 : vector<16xi32>
      %add3A_118 = vector.broadcast %mul3A_0 : i32 to vector<16xi32>
      %add3A_119 = arith.addi %and3A_117, %add3A_118 : vector<16xi32>
      %swap3A_120 = arith.index_cast %scan3A_48 : i32 to index
      %swap3A_121 = arith.constant 48 : index
      %swap3A_122 = tpu.vector_load %arg6[%swap3A_120, %swap3A_121] {strides = array<i32>} : memref<158x128xi32, #tpu.memory_space<vmem>>, vector<1x16xi32>,
      %swap3A_123 = vector.shape_cast %swap3A_122 : vector<1x16xi32> to vector<16xi32>
      %swap3A_124 = vector.shape_cast %add3A_119 : vector<16xi32> to vector<1x16xi32>
      tpu.vector_store %arg6[%swap3A_120, %swap3A_121], %swap3A_124 {strides = array<i32>} : memref<158x128xi32, #tpu.memory_space<vmem>>, vector<1x16xi32>,
      %shift_right_logical3A_125 = arith.constant 14 : i32
      %shift_right_logical3A_126 = vector.broadcast %shift_right_logical3A_125 : i32 to vector<16xi32>
      %shift_right_logical3A_127 = arith.shrui %get3A_114, %shift_right_logical3A_126 : vector<16xi32>
      %swap3A_128 = arith.index_cast %scan3A_48 : i32 to index
      %swap3A_129 = arith.constant 48 : index
      %swap3A_130 = tpu.vector_load %arg7[%swap3A_128, %swap3A_129] {strides = array<i32>} : memref<158x128xi32, #tpu.memory_space<vmem>>, vector<1x16xi32>,
      %swap3A_131 = vector.shape_cast %swap3A_130 : vector<1x16xi32> to vector<16xi32>
      %swap3A_132 = vector.shape_cast %shift_right_logical3A_127 : vector<16xi32> to vector<1x16xi32>
      tpu.vector_store %arg7[%swap3A_128, %swap3A_129], %swap3A_132 {strides = array<i32>} : memref<158x128xi32, #tpu.memory_space<vmem>>, vector<1x16xi32>,
      %get3A_133 = arith.index_cast %scan3A_48 : i32 to index
      %get3A_134 = arith.constant 64 : index
      %get3A_135 = tpu.vector_load %arg5[%get3A_133, %get3A_134] {strides = array<i32>} : memref<158x128xi32, #tpu.memory_space<vmem>>, vector<1x16xi32>,
      %get3A_136 = vector.shape_cast %get3A_135 : vector<1x16xi32> to vector<16xi32>
      %and3A_137 = arith.constant 16383 : i32
      %and3A_138 = vector.broadcast %and3A_137 : i32 to vector<16xi32>
      %and3A_139 = arith.andi %get3A_136, %and3A_138 : vector<16xi32>
      %add3A_140 = vector.broadcast %mul3A_0 : i32 to vector<16xi32>
      %add3A_141 = arith.addi %and3A_139, %add3A_140 : vector<16xi32>
      %swap3A_142 = arith.index_cast %scan3A_48 : i32 to index
      %swap3A_143 = arith.constant 64 : index
      %swap3A_144 = tpu.vector_load %arg6[%swap3A_142, %swap3A_143] {strides = array<i32>} : memref<158x128xi32, #tpu.memory_space<vmem>>, vector<1x16xi32>,
      %swap3A_145 = vector.shape_cast %swap3A_144 : vector<1x16xi32> to vector<16xi32>
      %swap3A_146 = vector.shape_cast %add3A_141 : vector<16xi32> to vector<1x16xi32>
      tpu.vector_store %arg6[%swap3A_142, %swap3A_143], %swap3A_146 {strides = array<i32>} : memref<158x128xi32, #tpu.memory_space<vmem>>, vector<1x16xi32>,
      %shift_right_logical3A_147 = arith.constant 14 : i32
      %shift_right_logical3A_148 = vector.broadcast %shift_right_logical3A_147 : i32 to vector<16xi32>
      %shift_right_logical3A_149 = arith.shrui %get3A_136, %shift_right_logical3A_148 : vector<16xi32>
      %swap3A_150 = arith.index_cast %scan3A_48 : i32 to index
      %swap3A_151 = arith.constant 64 : index
      %swap3A_152 = tpu.vector_load %arg7[%swap3A_150, %swap3A_151] {strides = array<i32>} : memref<158x128xi32, #tpu.memory_space<vmem>>, vector<1x16xi32>,
      %swap3A_153 = vector.shape_cast %swap3A_152 : vector<1x16xi32> to vector<16xi32>
      %swap3A_154 = vector.shape_cast %shift_right_logical3A_149 : vector<16xi32> to vector<1x16xi32>
      tpu.vector_store %arg7[%swap3A_150, %swap3A_151], %swap3A_154 {strides = array<i32>} : memref<158x128xi32, #tpu.memory_space<vmem>>, vector<1x16xi32>,
      %get3A_155 = arith.index_cast %scan3A_48 : i32 to index
      %get3A_156 = arith.constant 80 : index
      %get3A_157 = tpu.vector_load %arg5[%get3A_155, %get3A_156] {strides = array<i32>} : memref<158x128xi32, #tpu.memory_space<vmem>>, vector<1x16xi32>,
      %get3A_158 = vector.shape_cast %get3A_157 : vector<1x16xi32> to vector<16xi32>
      %and3A_159 = arith.constant 16383 : i32
      %and3A_160 = vector.broadcast %and3A_159 : i32 to vector<16xi32>
      %and3A_161 = arith.andi %get3A_158, %and3A_160 : vector<16xi32>
      %add3A_162 = vector.broadcast %mul3A_0 : i32 to vector<16xi32>
      %add3A_163 = arith.addi %and3A_161, %add3A_162 : vector<16xi32>
      %swap3A_164 = arith.index_cast %scan3A_48 : i32 to index
      %swap3A_165 = arith.constant 80 : index
      %swap3A_166 = tpu.vector_load %arg6[%swap3A_164, %swap3A_165] {strides = array<i32>} : memref<158x128xi32, #tpu.memory_space<vmem>>, vector<1x16xi32>,
      %swap3A_167 = vector.shape_cast %swap3A_166 : vector<1x16xi32> to vector<16xi32>
      %swap3A_168 = vector.shape_cast %add3A_163 : vector<16xi32> to vector<1x16xi32>
      tpu.vector_store %arg6[%swap3A_164, %swap3A_165], %swap3A_168 {strides = array<i32>} : memref<158x128xi32, #tpu.memory_space<vmem>>, vector<1x16xi32>,
      %shift_right_logical3A_169 = arith.constant 14 : i32
      %shift_right_logical3A_170 = vector.broadcast %shift_right_logical3A_169 : i32 to vector<16xi32>
      %shift_right_logical3A_171 = arith.shrui %get3A_158, %shift_right_logical3A_170 : vector<16xi32>
      %swap3A_172 = arith.index_cast %scan3A_48 : i32 to index
      %swap3A_173 = arith.constant 80 : index
      %swap3A_174 = tpu.vector_load %arg7[%swap3A_172, %swap3A_173] {strides = array<i32>} : memref<158x128xi32, #tpu.memory_space<vmem>>, vector<1x16xi32>,
      %swap3A_175 = vector.shape_cast %swap3A_174 : vector<1x16xi32> to vector<16xi32>
      %swap3A_176 = vector.shape_cast %shift_right_logical3A_171 : vector<16xi32> to vector<1x16xi32>
      tpu.vector_store %arg7[%swap3A_172, %swap3A_173], %swap3A_176 {strides = array<i32>} : memref<158x128xi32, #tpu.memory_space<vmem>>, vector<1x16xi32>,
      %get3A_177 = arith.index_cast %scan3A_48 : i32 to index
      %get3A_178 = arith.constant 96 : index
      %get3A_179 = tpu.vector_load %arg5[%get3A_177, %get3A_178] {strides = array<i32>} : memref<158x128xi32, #tpu.memory_space<vmem>>, vector<1x16xi32>,
      %get3A_180 = vector.shape_cast %get3A_179 : vector<1x16xi32> to vector<16xi32>
      %and3A_181 = arith.constant 16383 : i32
      %and3A_182 = vector.broadcast %and3A_181 : i32 to vector<16xi32>
      %and3A_183 = arith.andi %get3A_180, %and3A_182 : vector<16xi32>
      %add3A_184 = vector.broadcast %mul3A_0 : i32 to vector<16xi32>
      %add3A_185 = arith.addi %and3A_183, %add3A_184 : vector<16xi32>
      %swap3A_186 = arith.index_cast %scan3A_48 : i32 to index
      %swap3A_187 = arith.constant 96 : index
      %swap3A_188 = tpu.vector_load %arg6[%swap3A_186, %swap3A_187] {strides = array<i32>} : memref<158x128xi32, #tpu.memory_space<vmem>>, vector<1x16xi32>,
      %swap3A_189 = vector.shape_cast %swap3A_188 : vector<1x16xi32> to vector<16xi32>
      %swap3A_190 = vector.shape_cast %add3A_185 : vector<16xi32> to vector<1x16xi32>
      tpu.vector_store %arg6[%swap3A_186, %swap3A_187], %swap3A_190 {strides = array<i32>} : memref<158x128xi32, #tpu.memory_space<vmem>>, vector<1x16xi32>,
      %shift_right_logical3A_191 = arith.constant 14 : i32
      %shift_right_logical3A_192 = vector.broadcast %shift_right_logical3A_191 : i32 to vector<16xi32>
      %shift_right_logical3A_193 = arith.shrui %get3A_180, %shift_right_logical3A_192 : vector<16xi32>
      %swap3A_194 = arith.index_cast %scan3A_48 : i32 to index
      %swap3A_195 = arith.constant 96 : index
      %swap3A_196 = tpu.vector_load %arg7[%swap3A_194, %swap3A_195] {strides = array<i32>} : memref<158x128xi32, #tpu.memory_space<vmem>>, vector<1x16xi32>,
      %swap3A_197 = vector.shape_cast %swap3A_196 : vector<1x16xi32> to vector<16xi32>
      %swap3A_198 = vector.shape_cast %shift_right_logical3A_193 : vector<16xi32> to vector<1x16xi32>
      tpu.vector_store %arg7[%swap3A_194, %swap3A_195], %swap3A_198 {strides = array<i32>} : memref<158x128xi32, #tpu.memory_space<vmem>>, vector<1x16xi32>,
      %get3A_199 = arith.index_cast %scan3A_48 : i32 to index
      %get3A_200 = arith.constant 112 : index
      %get3A_201 = tpu.vector_load %arg5[%get3A_199, %get3A_200] {strides = array<i32>} : memref<158x128xi32, #tpu.memory_space<vmem>>, vector<1x16xi32>,
      %get3A_202 = vector.shape_cast %get3A_201 : vector<1x16xi32> to vector<16xi32>
      %and3A_203 = arith.constant 16383 : i32
      %and3A_204 = vector.broadcast %and3A_203 : i32 to vector<16xi32>
      %and3A_205 = arith.andi %get3A_202, %and3A_204 : vector<16xi32>
      %add3A_206 = vector.broadcast %mul3A_0 : i32 to vector<16xi32>
      %add3A_207 = arith.addi %and3A_205, %add3A_206 : vector<16xi32>
      %swap3A_208 = arith.index_cast %scan3A_48 : i32 to index
      %swap3A_209 = arith.constant 112 : index
      %swap3A_210 = tpu.vector_load %arg6[%swap3A_208, %swap3A_209] {strides = array<i32>} : memref<158x128xi32, #tpu.memory_space<vmem>>, vector<1x16xi32>,
      %swap3A_211 = vector.shape_cast %swap3A_210 : vector<1x16xi32> to vector<16xi32>
      %swap3A_212 = vector.shape_cast %add3A_207 : vector<16xi32> to vector<1x16xi32>
      tpu.vector_store %arg6[%swap3A_208, %swap3A_209], %swap3A_212 {strides = array<i32>} : memref<158x128xi32, #tpu.memory_space<vmem>>, vector<1x16xi32>,
      %shift_right_logical3A_213 = arith.constant 14 : i32
      %shift_right_logical3A_214 = vector.broadcast %shift_right_logical3A_213 : i32 to vector<16xi32>
      %shift_right_logical3A_215 = arith.shrui %get3A_202, %shift_right_logical3A_214 : vector<16xi32>
      %swap3A_216 = arith.index_cast %scan3A_48 : i32 to index
      %swap3A_217 = arith.constant 112 : index
      %swap3A_218 = tpu.vector_load %arg7[%swap3A_216, %swap3A_217] {strides = array<i32>} : memref<158x128xi32, #tpu.memory_space<vmem>>, vector<1x16xi32>,
      %swap3A_219 = vector.shape_cast %swap3A_218 : vector<1x16xi32> to vector<16xi32>
      %swap3A_220 = vector.shape_cast %shift_right_logical3A_215 : vector<16xi32> to vector<1x16xi32>
      tpu.vector_store %arg7[%swap3A_216, %swap3A_217], %swap3A_220 {strides = array<i32>} : memref<158x128xi32, #tpu.memory_space<vmem>>, vector<1x16xi32>,
    }
    %scan3A_5 = arith.constant 158 : i32
    %scan3A_6 = arith.constant 0 : i32
    %scan3A_7 = arith.constant 0 : i32
    %scan3A_8 = arith.constant 128 : i32
    %scan3A_9 = arith.addi %scan3A_7, %scan3A_8 : i32
    %scan3A_10 = arith.constant 1 : i32
    scf.for %scan3A_48 = %scan3A_7 to %scan3A_9 step %scan3A_10  : i32 {
      %broadcast_in_dim3A = arith.constant 0.000000e+00 : f32
      %broadcast_in_dim3A_49 = vector.broadcast %broadcast_in_dim3A : f32 to vector<16xf32>
      %swap3A = arith.index_cast %scan3A_48 : i32 to index
      %swap3A_50 = arith.constant 0 : index
      %swap3A_51 = tpu.vector_load %arg10[%swap3A, %swap3A_50] {strides = array<i32>} : memref<128x64xf32, #tpu.memory_space<vmem>>, vector<1x16xf32>,
      %swap3A_52 = vector.shape_cast %swap3A_51 : vector<1x16xf32> to vector<16xf32>
      %swap3A_53 = vector.shape_cast %broadcast_in_dim3A_49 : vector<16xf32> to vector<1x16xf32>
      tpu.vector_store %arg10[%swap3A, %swap3A_50], %swap3A_53 {strides = array<i32>} : memref<128x64xf32, #tpu.memory_space<vmem>>, vector<1x16xf32>,
      %broadcast_in_dim3A_54 = arith.constant 0.000000e+00 : f32
      %broadcast_in_dim3A_55 = vector.broadcast %broadcast_in_dim3A_54 : f32 to vector<16xf32>
      %swap3A_56 = arith.index_cast %scan3A_48 : i32 to index
      %swap3A_57 = arith.constant 16 : index
      %swap3A_58 = tpu.vector_load %arg10[%swap3A_56, %swap3A_57] {strides = array<i32>} : memref<128x64xf32, #tpu.memory_space<vmem>>, vector<1x16xf32>,
      %swap3A_59 = vector.shape_cast %swap3A_58 : vector<1x16xf32> to vector<16xf32>
      %swap3A_60 = vector.shape_cast %broadcast_in_dim3A_55 : vector<16xf32> to vector<1x16xf32>
      tpu.vector_store %arg10[%swap3A_56, %swap3A_57], %swap3A_60 {strides = array<i32>} : memref<128x64xf32, #tpu.memory_space<vmem>>, vector<1x16xf32>,
      %broadcast_in_dim3A_61 = arith.constant 0.000000e+00 : f32
      %broadcast_in_dim3A_62 = vector.broadcast %broadcast_in_dim3A_61 : f32 to vector<16xf32>
      %swap3A_63 = arith.index_cast %scan3A_48 : i32 to index
      %swap3A_64 = arith.constant 32 : index
      %swap3A_65 = tpu.vector_load %arg10[%swap3A_63, %swap3A_64] {strides = array<i32>} : memref<128x64xf32, #tpu.memory_space<vmem>>, vector<1x16xf32>,
      %swap3A_66 = vector.shape_cast %swap3A_65 : vector<1x16xf32> to vector<16xf32>
      %swap3A_67 = vector.shape_cast %broadcast_in_dim3A_62 : vector<16xf32> to vector<1x16xf32>
      tpu.vector_store %arg10[%swap3A_63, %swap3A_64], %swap3A_67 {strides = array<i32>} : memref<128x64xf32, #tpu.memory_space<vmem>>, vector<1x16xf32>,
      %broadcast_in_dim3A_68 = arith.constant 0.000000e+00 : f32
      %broadcast_in_dim3A_69 = vector.broadcast %broadcast_in_dim3A_68 : f32 to vector<16xf32>
      %swap3A_70 = arith.index_cast %scan3A_48 : i32 to index
      %swap3A_71 = arith.constant 48 : index
      %swap3A_72 = tpu.vector_load %arg10[%swap3A_70, %swap3A_71] {strides = array<i32>} : memref<128x64xf32, #tpu.memory_space<vmem>>, vector<1x16xf32>,
      %swap3A_73 = vector.shape_cast %swap3A_72 : vector<1x16xf32> to vector<16xf32>
      %swap3A_74 = vector.shape_cast %broadcast_in_dim3A_69 : vector<16xf32> to vector<1x16xf32>
      tpu.vector_store %arg10[%swap3A_70, %swap3A_71], %swap3A_74 {strides = array<i32>} : memref<128x64xf32, #tpu.memory_space<vmem>>, vector<1x16xf32>,
    }
    %scan3A_11 = arith.constant 128 : i32
    %mul3A_12 = arith.constant 640 : i32
    %mul3A_13 = arith.muli %arg1, %mul3A_12 : i32
    %add3A = arith.constant 0 : i32
    %add3A_14 = arith.addi %mul3A_13, %add3A : i32
    "tpu.region"() ({
      %run_scoped3A = tpu.sem_alloc : memref<!tpu.dma_semaphore, #tpu.memory_space<semaphore_mem>>
      %dma_start3A_48 = arith.constant 0 : i32
      %dma_start3A_49 = tpu.memref_slice %arg11[%add3A_14, %dma_start3A_48] : memref<10240x64xf32, #tpu.memory_space<vmem_shared>> -> memref<128x64xf32, #tpu.memory_space<vmem_shared>>
      %dma_start3A_50 = arith.constant 0 : i32
      %dma_start3A_51 = tpu.memref_slice %arg11[%add3A_14, %dma_start3A_50] : memref<10240x64xf32, #tpu.memory_space<vmem_shared>> -> memref<128x64xf32, #tpu.memory_space<vmem_shared>>
      tpu.enqueue_dma source(%arg10 : memref<128x64xf32, #tpu.memory_space<vmem>>) target(%dma_start3A_51 : memref<128x64xf32, #tpu.memory_space<vmem_shared>>) target_semaphore(%run_scoped3A : memref<!tpu.dma_semaphore, #tpu.memory_space<semaphore_mem>>)
      %dma_wait3A = arith.constant 0 : i32
      %dma_wait3A_52 = tpu.memref_slice %arg11[%add3A_14, %dma_wait3A] : memref<10240x64xf32, #tpu.memory_space<vmem_shared>> -> memref<128x64xf32, #tpu.memory_space<vmem_shared>>
      %dma_wait3A_53 = arith.constant 0 : i32
      %dma_wait3A_54 = tpu.memref_slice %arg11[%add3A_14, %dma_wait3A_53] : memref<10240x64xf32, #tpu.memory_space<vmem_shared>> -> memref<128x64xf32, #tpu.memory_space<vmem_shared>>
      tpu.wait_dma2 semaphore(%run_scoped3A : memref<!tpu.dma_semaphore, #tpu.memory_space<semaphore_mem>>) src(%arg10 : memref<128x64xf32, #tpu.memory_space<vmem>>) dst(%dma_wait3A_54 : memref<128x64xf32, #tpu.memory_space<vmem_shared>>)
      tpu.yield
    }) : () -> ()
    %mul3A_15 = arith.constant 640 : i32
    %mul3A_16 = arith.muli %arg1, %mul3A_15 : i32
    %add3A_17 = arith.constant 128 : i32
    %add3A_18 = arith.addi %mul3A_16, %add3A_17 : i32
    "tpu.region"() ({
      %run_scoped3A = tpu.sem_alloc : memref<!tpu.dma_semaphore, #tpu.memory_space<semaphore_mem>>
      %dma_start3A_48 = arith.constant 0 : i32
      %dma_start3A_49 = tpu.memref_slice %arg11[%add3A_18, %dma_start3A_48] : memref<10240x64xf32, #tpu.memory_space<vmem_shared>> -> memref<128x64xf32, #tpu.memory_space<vmem_shared>>
      %dma_start3A_50 = arith.constant 0 : i32
      %dma_start3A_51 = tpu.memref_slice %arg11[%add3A_18, %dma_start3A_50] : memref<10240x64xf32, #tpu.memory_space<vmem_shared>> -> memref<128x64xf32, #tpu.memory_space<vmem_shared>>
      tpu.enqueue_dma source(%arg10 : memref<128x64xf32, #tpu.memory_space<vmem>>) target(%dma_start3A_51 : memref<128x64xf32, #tpu.memory_space<vmem_shared>>) target_semaphore(%run_scoped3A : memref<!tpu.dma_semaphore, #tpu.memory_space<semaphore_mem>>)
      %dma_wait3A = arith.constant 0 : i32
      %dma_wait3A_52 = tpu.memref_slice %arg11[%add3A_18, %dma_wait3A] : memref<10240x64xf32, #tpu.memory_space<vmem_shared>> -> memref<128x64xf32, #tpu.memory_space<vmem_shared>>
      %dma_wait3A_53 = arith.constant 0 : i32
      %dma_wait3A_54 = tpu.memref_slice %arg11[%add3A_18, %dma_wait3A_53] : memref<10240x64xf32, #tpu.memory_space<vmem_shared>> -> memref<128x64xf32, #tpu.memory_space<vmem_shared>>
      tpu.wait_dma2 semaphore(%run_scoped3A : memref<!tpu.dma_semaphore, #tpu.memory_space<semaphore_mem>>) src(%arg10 : memref<128x64xf32, #tpu.memory_space<vmem>>) dst(%dma_wait3A_54 : memref<128x64xf32, #tpu.memory_space<vmem_shared>>)
      tpu.yield
    }) : () -> ()
    %mul3A_19 = arith.constant 640 : i32
    %mul3A_20 = arith.muli %arg1, %mul3A_19 : i32
    %add3A_21 = arith.constant 256 : i32
    %add3A_22 = arith.addi %mul3A_20, %add3A_21 : i32
    "tpu.region"() ({
      %run_scoped3A = tpu.sem_alloc : memref<!tpu.dma_semaphore, #tpu.memory_space<semaphore_mem>>
      %dma_start3A_48 = arith.constant 0 : i32
      %dma_start3A_49 = tpu.memref_slice %arg11[%add3A_22, %dma_start3A_48] : memref<10240x64xf32, #tpu.memory_space<vmem_shared>> -> memref<128x64xf32, #tpu.memory_space<vmem_shared>>
      %dma_start3A_50 = arith.constant 0 : i32
      %dma_start3A_51 = tpu.memref_slice %arg11[%add3A_22, %dma_start3A_50] : memref<10240x64xf32, #tpu.memory_space<vmem_shared>> -> memref<128x64xf32, #tpu.memory_space<vmem_shared>>
      tpu.enqueue_dma source(%arg10 : memref<128x64xf32, #tpu.memory_space<vmem>>) target(%dma_start3A_51 : memref<128x64xf32, #tpu.memory_space<vmem_shared>>) target_semaphore(%run_scoped3A : memref<!tpu.dma_semaphore, #tpu.memory_space<semaphore_mem>>)
      %dma_wait3A = arith.constant 0 : i32
      %dma_wait3A_52 = tpu.memref_slice %arg11[%add3A_22, %dma_wait3A] : memref<10240x64xf32, #tpu.memory_space<vmem_shared>> -> memref<128x64xf32, #tpu.memory_space<vmem_shared>>
      %dma_wait3A_53 = arith.constant 0 : i32
      %dma_wait3A_54 = tpu.memref_slice %arg11[%add3A_22, %dma_wait3A_53] : memref<10240x64xf32, #tpu.memory_space<vmem_shared>> -> memref<128x64xf32, #tpu.memory_space<vmem_shared>>
      tpu.wait_dma2 semaphore(%run_scoped3A : memref<!tpu.dma_semaphore, #tpu.memory_space<semaphore_mem>>) src(%arg10 : memref<128x64xf32, #tpu.memory_space<vmem>>) dst(%dma_wait3A_54 : memref<128x64xf32, #tpu.memory_space<vmem_shared>>)
      tpu.yield
    }) : () -> ()
    %mul3A_23 = arith.constant 640 : i32
    %mul3A_24 = arith.muli %arg1, %mul3A_23 : i32
    %add3A_25 = arith.constant 384 : i32
    %add3A_26 = arith.addi %mul3A_24, %add3A_25 : i32
    "tpu.region"() ({
      %run_scoped3A = tpu.sem_alloc : memref<!tpu.dma_semaphore, #tpu.memory_space<semaphore_mem>>
      %dma_start3A_48 = arith.constant 0 : i32
      %dma_start3A_49 = tpu.memref_slice %arg11[%add3A_26, %dma_start3A_48] : memref<10240x64xf32, #tpu.memory_space<vmem_shared>> -> memref<128x64xf32, #tpu.memory_space<vmem_shared>>
      %dma_start3A_50 = arith.constant 0 : i32
      %dma_start3A_51 = tpu.memref_slice %arg11[%add3A_26, %dma_start3A_50] : memref<10240x64xf32, #tpu.memory_space<vmem_shared>> -> memref<128x64xf32, #tpu.memory_space<vmem_shared>>
      tpu.enqueue_dma source(%arg10 : memref<128x64xf32, #tpu.memory_space<vmem>>) target(%dma_start3A_51 : memref<128x64xf32, #tpu.memory_space<vmem_shared>>) target_semaphore(%run_scoped3A : memref<!tpu.dma_semaphore, #tpu.memory_space<semaphore_mem>>)
      %dma_wait3A = arith.constant 0 : i32
      %dma_wait3A_52 = tpu.memref_slice %arg11[%add3A_26, %dma_wait3A] : memref<10240x64xf32, #tpu.memory_space<vmem_shared>> -> memref<128x64xf32, #tpu.memory_space<vmem_shared>>
      %dma_wait3A_53 = arith.constant 0 : i32
      %dma_wait3A_54 = tpu.memref_slice %arg11[%add3A_26, %dma_wait3A_53] : memref<10240x64xf32, #tpu.memory_space<vmem_shared>> -> memref<128x64xf32, #tpu.memory_space<vmem_shared>>
      tpu.wait_dma2 semaphore(%run_scoped3A : memref<!tpu.dma_semaphore, #tpu.memory_space<semaphore_mem>>) src(%arg10 : memref<128x64xf32, #tpu.memory_space<vmem>>) dst(%dma_wait3A_54 : memref<128x64xf32, #tpu.memory_space<vmem_shared>>)
      tpu.yield
    }) : () -> ()
    %mul3A_27 = arith.constant 640 : i32
    %mul3A_28 = arith.muli %arg1, %mul3A_27 : i32
    %add3A_29 = arith.constant 512 : i32
    %add3A_30 = arith.addi %mul3A_28, %add3A_29 : i32
    "tpu.region"() ({
      %run_scoped3A = tpu.sem_alloc : memref<!tpu.dma_semaphore, #tpu.memory_space<semaphore_mem>>
      %dma_start3A_48 = arith.constant 0 : i32
      %dma_start3A_49 = tpu.memref_slice %arg11[%add3A_30, %dma_start3A_48] : memref<10240x64xf32, #tpu.memory_space<vmem_shared>> -> memref<128x64xf32, #tpu.memory_space<vmem_shared>>
      %dma_start3A_50 = arith.constant 0 : i32
      %dma_start3A_51 = tpu.memref_slice %arg11[%add3A_30, %dma_start3A_50] : memref<10240x64xf32, #tpu.memory_space<vmem_shared>> -> memref<128x64xf32, #tpu.memory_space<vmem_shared>>
      tpu.enqueue_dma source(%arg10 : memref<128x64xf32, #tpu.memory_space<vmem>>) target(%dma_start3A_51 : memref<128x64xf32, #tpu.memory_space<vmem_shared>>) target_semaphore(%run_scoped3A : memref<!tpu.dma_semaphore, #tpu.memory_space<semaphore_mem>>)
      %dma_wait3A = arith.constant 0 : i32
      %dma_wait3A_52 = tpu.memref_slice %arg11[%add3A_30, %dma_wait3A] : memref<10240x64xf32, #tpu.memory_space<vmem_shared>> -> memref<128x64xf32, #tpu.memory_space<vmem_shared>>
      %dma_wait3A_53 = arith.constant 0 : i32
      %dma_wait3A_54 = tpu.memref_slice %arg11[%add3A_30, %dma_wait3A_53] : memref<10240x64xf32, #tpu.memory_space<vmem_shared>> -> memref<128x64xf32, #tpu.memory_space<vmem_shared>>
      tpu.wait_dma2 semaphore(%run_scoped3A : memref<!tpu.dma_semaphore, #tpu.memory_space<semaphore_mem>>) src(%arg10 : memref<128x64xf32, #tpu.memory_space<vmem>>) dst(%dma_wait3A_54 : memref<128x64xf32, #tpu.memory_space<vmem_shared>>)
      tpu.yield
    }) : () -> ()
    %barrier3A = arith.constant 0 : index
    tpu.barrier barrier_id(%barrier3A)
    %dma_start3A = arith.constant 0 : i32
    %dma_start3A_31 = arith.constant 0 : i32
    %dma_start3A_32 = tpu.memref_slice %arg6[%dma_start3A, %dma_start3A_31] : memref<158x128xi32, #tpu.memory_space<vmem>> -> memref<1x128xi32, #tpu.memory_space<vmem>>
    %dma_start3A_33 = tpu.memref_squeeze %dma_start3A_32 : memref<1x128xi32, #tpu.memory_space<vmem>> -> memref<128xi32, #tpu.memory_space<vmem>>
    %dma_start3A_34 = arith.constant 0 : i32
    %dma_start3A_35 = arith.constant 0 : i32
    %dma_start3A_36 = tpu.memref_slice %arg2[%dma_start3A_34, %dma_start3A_35] : memref<20480x64xf32, #tpu.memory_space<hbm>> -> memref<20480x64xf32, #tpu.memory_space<hbm>>
    tpu.enqueue_indirect_dma source(%dma_start3A_36 : memref<20480x64xf32, #tpu.memory_space<hbm>>) target(%arg8 : memref<128x64xf32, #tpu.memory_space<vmem>>) offsets(%dma_start3A_33 : memref<128xi32, #tpu.memory_space<vmem>>) semaphore(%arg12 : memref<!tpu.dma_semaphore, #tpu.memory_space<semaphore_mem>>)
    %scan3A_37 = arith.constant 0 : i32
    %scan3A_38 = arith.constant 0 : i32
    %scan3A_39 = arith.constant 79 : i32
    %scan3A_40 = arith.addi %scan3A_38, %scan3A_39 : i32
    %scan3A_41 = arith.constant 1 : i32
    scf.for %scan3A_48 = %scan3A_38 to %scan3A_40 step %scan3A_41  : i32 {
      %mul3A_49 = arith.constant 2 : i32
      %mul3A_50 = arith.muli %mul3A_49, %scan3A_48 : i32
      %add3A_51 = arith.constant 1 : i32
      %add3A_52 = arith.addi %mul3A_50, %add3A_51 : i32
      %dma_start3A_53 = arith.constant 0 : i32
      %dma_start3A_54 = tpu.memref_slice %arg6[%add3A_52, %dma_start3A_53] : memref<158x128xi32, #tpu.memory_space<vmem>> -> memref<1x128xi32, #tpu.memory_space<vmem>>
      %dma_start3A_55 = tpu.memref_squeeze %dma_start3A_54 : memref<1x128xi32, #tpu.memory_space<vmem>> -> memref<128xi32, #tpu.memory_space<vmem>>
      %dma_start3A_56 = arith.constant 0 : i32
      %dma_start3A_57 = arith.constant 0 : i32
      %dma_start3A_58 = tpu.memref_slice %arg2[%dma_start3A_56, %dma_start3A_57] : memref<20480x64xf32, #tpu.memory_space<hbm>> -> memref<20480x64xf32, #tpu.memory_space<hbm>>
      tpu.enqueue_indirect_dma source(%dma_start3A_58 : memref<20480x64xf32, #tpu.memory_space<hbm>>) target(%arg9 : memref<128x64xf32, #tpu.memory_space<vmem>>) offsets(%dma_start3A_55 : memref<128xi32, #tpu.memory_space<vmem>>) semaphore(%arg13 : memref<!tpu.dma_semaphore, #tpu.memory_space<semaphore_mem>>)
      %dma_wait3A = arith.constant 0 : i32
      %dma_wait3A_59 = tpu.memref_slice %arg6[%mul3A_50, %dma_wait3A] : memref<158x128xi32, #tpu.memory_space<vmem>> -> memref<1x128xi32, #tpu.memory_space<vmem>>
      %dma_wait3A_60 = tpu.memref_squeeze %dma_wait3A_59 : memref<1x128xi32, #tpu.memory_space<vmem>> -> memref<128xi32, #tpu.memory_space<vmem>>
      %dma_wait3A_61 = arith.constant 0 : i32
      %dma_wait3A_62 = arith.constant 0 : i32
      %dma_wait3A_63 = tpu.memref_slice %arg2[%dma_wait3A_61, %dma_wait3A_62] : memref<20480x64xf32, #tpu.memory_space<hbm>> -> memref<20480x64xf32, #tpu.memory_space<hbm>>
      tpu.wait_indirect_dma semaphore(%arg12 : memref<!tpu.dma_semaphore, #tpu.memory_space<semaphore_mem>>) src(%dma_wait3A_63 : memref<20480x64xf32, #tpu.memory_space<hbm>>) dst(%arg8 : memref<128x64xf32, #tpu.memory_space<vmem>>)
      "tpu.region"() ({
        %run_scoped3A = tpu.sem_alloc : memref<!tpu.dma_semaphore, #tpu.memory_space<semaphore_mem>>
        %dma_start3A_78 = arith.constant 0 : i32
        %dma_start3A_79 = tpu.memref_slice %arg7[%mul3A_50, %dma_start3A_78] : memref<158x128xi32, #tpu.memory_space<vmem>> -> memref<1x128xi32, #tpu.memory_space<vmem>>
        %dma_start3A_80 = tpu.memref_squeeze %dma_start3A_79 : memref<1x128xi32, #tpu.memory_space<vmem>> -> memref<128xi32, #tpu.memory_space<vmem>>
        %dma_start3A_81 = arith.constant 0 : i32
        %dma_start3A_82 = arith.constant 0 : i32
        %dma_start3A_83 = tpu.memref_slice %arg11[%dma_start3A_81, %dma_start3A_82] : memref<10240x64xf32, #tpu.memory_space<vmem_shared>> -> memref<10240x64xf32, #tpu.memory_space<vmem_shared>>
        tpu.enqueue_indirect_dma source(%arg8 : memref<128x64xf32, #tpu.memory_space<vmem>>) target(%dma_start3A_83 : memref<10240x64xf32, #tpu.memory_space<vmem_shared>>) offsets(%dma_start3A_80 : memref<128xi32, #tpu.memory_space<vmem>>) semaphore(%run_scoped3A : memref<!tpu.dma_semaphore, #tpu.memory_space<semaphore_mem>>) {add = true}
        %dma_wait3A_84 = arith.constant 0 : i32
        %dma_wait3A_85 = tpu.memref_slice %arg7[%mul3A_50, %dma_wait3A_84] : memref<158x128xi32, #tpu.memory_space<vmem>> -> memref<1x128xi32, #tpu.memory_space<vmem>>
        %dma_wait3A_86 = tpu.memref_squeeze %dma_wait3A_85 : memref<1x128xi32, #tpu.memory_space<vmem>> -> memref<128xi32, #tpu.memory_space<vmem>>
        %dma_wait3A_87 = arith.constant 0 : i32
        %dma_wait3A_88 = arith.constant 0 : i32
        %dma_wait3A_89 = tpu.memref_slice %arg11[%dma_wait3A_87, %dma_wait3A_88] : memref<10240x64xf32, #tpu.memory_space<vmem_shared>> -> memref<10240x64xf32, #tpu.memory_space<vmem_shared>>
        tpu.wait_indirect_dma semaphore(%run_scoped3A : memref<!tpu.dma_semaphore, #tpu.memory_space<semaphore_mem>>) src(%arg8 : memref<128x64xf32, #tpu.memory_space<vmem>>) dst(%dma_wait3A_89 : memref<10240x64xf32, #tpu.memory_space<vmem_shared>>)
        tpu.yield
      }) : () -> ()
      %add3A_64 = arith.constant 2 : i32
      %add3A_65 = arith.addi %mul3A_50, %add3A_64 : i32
      %lt3A = arith.constant 158 : i32
      %lt3A_66 = arith.cmpi slt, %add3A_65, %lt3A : i32
      %convert_element_type3A = arith.extui %lt3A_66 : i1 to i32
      %cond3A = arith.constant 0 : i32
      %cond3A_67 = arith.cmpi ne, %convert_element_type3A, %cond3A : i32
      scf.if %cond3A_67 {
        %add3A_78 = arith.constant 2 : i32
        %add3A_79 = arith.addi %mul3A_50, %add3A_78 : i32
        %dma_start3A_80 = arith.constant 0 : i32
        %dma_start3A_81 = tpu.memref_slice %arg6[%add3A_79, %dma_start3A_80] : memref<158x128xi32, #tpu.memory_space<vmem>> -> memref<1x128xi32, #tpu.memory_space<vmem>>
        %dma_start3A_82 = tpu.memref_squeeze %dma_start3A_81 : memref<1x128xi32, #tpu.memory_space<vmem>> -> memref<128xi32, #tpu.memory_space<vmem>>
        %dma_start3A_83 = arith.constant 0 : i32
        %dma_start3A_84 = arith.constant 0 : i32
        %dma_start3A_85 = tpu.memref_slice %arg2[%dma_start3A_83, %dma_start3A_84] : memref<20480x64xf32, #tpu.memory_space<hbm>> -> memref<20480x64xf32, #tpu.memory_space<hbm>>
        tpu.enqueue_indirect_dma source(%dma_start3A_85 : memref<20480x64xf32, #tpu.memory_space<hbm>>) target(%arg8 : memref<128x64xf32, #tpu.memory_space<vmem>>) offsets(%dma_start3A_82 : memref<128xi32, #tpu.memory_space<vmem>>) semaphore(%arg12 : memref<!tpu.dma_semaphore, #tpu.memory_space<semaphore_mem>>)
      } else {
      }
      %add3A_68 = arith.constant 1 : i32
      %add3A_69 = arith.addi %mul3A_50, %add3A_68 : i32
      %dma_wait3A_70 = arith.constant 0 : i32
      %dma_wait3A_71 = tpu.memref_slice %arg6[%add3A_69, %dma_wait3A_70] : memref<158x128xi32, #tpu.memory_space<vmem>> -> memref<1x128xi32, #tpu.memory_space<vmem>>
      %dma_wait3A_72 = tpu.memref_squeeze %dma_wait3A_71 : memref<1x128xi32, #tpu.memory_space<vmem>> -> memref<128xi32, #tpu.memory_space<vmem>>
      %dma_wait3A_73 = arith.constant 0 : i32
      %dma_wait3A_74 = arith.constant 0 : i32
      %dma_wait3A_75 = tpu.memref_slice %arg2[%dma_wait3A_73, %dma_wait3A_74] : memref<20480x64xf32, #tpu.memory_space<hbm>> -> memref<20480x64xf32, #tpu.memory_space<hbm>>
      tpu.wait_indirect_dma semaphore(%arg13 : memref<!tpu.dma_semaphore, #tpu.memory_space<semaphore_mem>>) src(%dma_wait3A_75 : memref<20480x64xf32, #tpu.memory_space<hbm>>) dst(%arg9 : memref<128x64xf32, #tpu.memory_space<vmem>>)
      %add3A_76 = arith.constant 1 : i32
      %add3A_77 = arith.addi %mul3A_50, %add3A_76 : i32
      "tpu.region"() ({
        %run_scoped3A = tpu.sem_alloc : memref<!tpu.dma_semaphore, #tpu.memory_space<semaphore_mem>>
        %dma_start3A_78 = arith.constant 0 : i32
        %dma_start3A_79 = tpu.memref_slice %arg7[%add3A_77, %dma_start3A_78] : memref<158x128xi32, #tpu.memory_space<vmem>> -> memref<1x128xi32, #tpu.memory_space<vmem>>
        %dma_start3A_80 = tpu.memref_squeeze %dma_start3A_79 : memref<1x128xi32, #tpu.memory_space<vmem>> -> memref<128xi32, #tpu.memory_space<vmem>>
        %dma_start3A_81 = arith.constant 0 : i32
        %dma_start3A_82 = arith.constant 0 : i32
        %dma_start3A_83 = tpu.memref_slice %arg11[%dma_start3A_81, %dma_start3A_82] : memref<10240x64xf32, #tpu.memory_space<vmem_shared>> -> memref<10240x64xf32, #tpu.memory_space<vmem_shared>>
        tpu.enqueue_indirect_dma source(%arg9 : memref<128x64xf32, #tpu.memory_space<vmem>>) target(%dma_start3A_83 : memref<10240x64xf32, #tpu.memory_space<vmem_shared>>) offsets(%dma_start3A_80 : memref<128xi32, #tpu.memory_space<vmem>>) semaphore(%run_scoped3A : memref<!tpu.dma_semaphore, #tpu.memory_space<semaphore_mem>>) {add = true}
        %dma_wait3A_84 = arith.constant 0 : i32
        %dma_wait3A_85 = tpu.memref_slice %arg7[%add3A_77, %dma_wait3A_84] : memref<158x128xi32, #tpu.memory_space<vmem>> -> memref<1x128xi32, #tpu.memory_space<vmem>>
        %dma_wait3A_86 = tpu.memref_squeeze %dma_wait3A_85 : memref<1x128xi32, #tpu.memory_space<vmem>> -> memref<128xi32, #tpu.memory_space<vmem>>
        %dma_wait3A_87 = arith.constant 0 : i32
        %dma_wait3A_88 = arith.constant 0 : i32
        %dma_wait3A_89 = tpu.memref_slice %arg11[%dma_wait3A_87, %dma_wait3A_88] : memref<10240x64xf32, #tpu.memory_space<vmem_shared>> -> memref<10240x64xf32, #tpu.memory_space<vmem_shared>>
        tpu.wait_indirect_dma semaphore(%run_scoped3A : memref<!tpu.dma_semaphore, #tpu.memory_space<semaphore_mem>>) src(%arg9 : memref<128x64xf32, #tpu.memory_space<vmem>>) dst(%dma_wait3A_89 : memref<10240x64xf32, #tpu.memory_space<vmem_shared>>)
        tpu.yield
      }) : () -> ()
    }
    %scan3A_42 = arith.constant 79 : i32
    %barrier3A_43 = arith.constant 0 : index
    tpu.barrier barrier_id(%barrier3A_43)
    %mul3A_44 = arith.constant 640 : i32
    %mul3A_45 = arith.muli %arg1, %mul3A_44 : i32
    %mul3A_46 = arith.constant 640 : i32
    %mul3A_47 = arith.muli %arg1, %mul3A_46 : i32
    "tpu.region"() ({
      %run_scoped3A = tpu.sem_alloc : memref<!tpu.dma_semaphore, #tpu.memory_space<semaphore_mem>>
      %dma_start3A_48 = arith.constant 0 : i32
      %dma_start3A_49 = tpu.memref_slice %arg4[%arg0, %mul3A_47, %dma_start3A_48] : memref<2x10240x64xf32, #tpu.memory_space<hbm>> -> memref<1x640x64xf32, #tpu.memory_space<hbm>>
      %dma_start3A_50 = tpu.memref_squeeze %dma_start3A_49 : memref<1x640x64xf32, #tpu.memory_space<hbm>> -> memref<640x64xf32, #tpu.memory_space<hbm>>
      %dma_start3A_51 = arith.constant 0 : i32
      %dma_start3A_52 = tpu.memref_slice %arg11[%mul3A_45, %dma_start3A_51] : memref<10240x64xf32, #tpu.memory_space<vmem_shared>> -> memref<640x64xf32, #tpu.memory_space<vmem_shared>>
      tpu.enqueue_dma source(%dma_start3A_52 : memref<640x64xf32, #tpu.memory_space<vmem_shared>>) target(%dma_start3A_50 : memref<640x64xf32, #tpu.memory_space<hbm>>) target_semaphore(%run_scoped3A : memref<!tpu.dma_semaphore, #tpu.memory_space<semaphore_mem>>)
      %dma_wait3A = arith.constant 0 : i32
      %dma_wait3A_53 = tpu.memref_slice %arg4[%arg0, %mul3A_47, %dma_wait3A] : memref<2x10240x64xf32, #tpu.memory_space<hbm>> -> memref<1x640x64xf32, #tpu.memory_space<hbm>>
      %dma_wait3A_54 = tpu.memref_squeeze %dma_wait3A_53 : memref<1x640x64xf32, #tpu.memory_space<hbm>> -> memref<640x64xf32, #tpu.memory_space<hbm>>
      %dma_wait3A_55 = arith.constant 0 : i32
      %dma_wait3A_56 = tpu.memref_slice %arg11[%mul3A_45, %dma_wait3A_55] : memref<10240x64xf32, #tpu.memory_space<vmem_shared>> -> memref<640x64xf32, #tpu.memory_space<vmem_shared>>
      tpu.wait_dma2 semaphore(%run_scoped3A : memref<!tpu.dma_semaphore, #tpu.memory_space<semaphore_mem>>) src(%dma_wait3A_56 : memref<640x64xf32, #tpu.memory_space<vmem_shared>>) dst(%dma_wait3A_54 : memref<640x64xf32, #tpu.memory_space<hbm>>)
      tpu.yield
    }) : () -> ()
    return
  }
}

module attributes {stable_mosaic.version = 14 : i64} {
  func.func @_tc0_body(%arg0: i32, %arg1: memref<512x128xf32, #tpu.memory_space<vmem>>, %arg2: memref<512x2xf32, #tpu.memory_space<vmem>>, %arg3: memref<2x512x64xf32, #tpu.memory_space<vmem>>) attributes {dimension_semantics = [#tpu.dimension_semantics<arbitrary>], iteration_bounds = array<i64: 20>, scalar_prefetch = 0 : i64, scratch_operands = 0 : i64, tpu.core_type = #tpu.core_type<tc>, window_params = [{transform_indices = @transform_0, window_bounds = array<i64: 512, 128>}, {transform_indices = @transform_1, window_bounds = array<i64: 512, 2>}, {transform_indices = @transform_2, window_bounds = array<i64: 2, 512, 64>}]} {
    %get3A = arith.constant 0 : index
    %get3A_0 = arith.constant 0 : index
    %get3A_1 = vector.load %arg1[%get3A, %get3A_0] : memref<512x128xf32, #tpu.memory_space<vmem>>, vector<512x128xf32>
    %get3A_2 = arith.constant 0 : index
    %get3A_3 = arith.constant 0 : index
    %get3A_4 = vector.load %arg2[%get3A_2, %get3A_3] : memref<512x2xf32, #tpu.memory_space<vmem>>, vector<512x1xf32>
    %get3A_5 = arith.constant 0 : index
    %get3A_6 = arith.constant 1 : index
    %get3A_7 = vector.load %arg2[%get3A_5, %get3A_6] : memref<512x2xf32, #tpu.memory_space<vmem>>, vector<512x1xf32>
    %add3A = arith.addf %get3A_4, %get3A_7 : vector<512x1xf32>
    %add3A_8 = arith.constant 1.000000e+00 : f32
    %add3A_9 = vector.broadcast %add3A_8 : f32 to vector<512x1xf32>
    %add3A_10 = arith.addf %add3A, %add3A_9 : vector<512x1xf32>
    %max3A = arith.constant 1.000000e+00 : f32
    %max3A_11 = vector.broadcast %max3A : f32 to vector<512x1xf32>
    %max3A_12 = arith.maximumf %add3A_10, %max3A_11 : vector<512x1xf32>
    %rsqrt3A = math.rsqrt %max3A_12 : vector<512x1xf32>
    %mul3A = vector.broadcast %rsqrt3A : vector<512x1xf32> to vector<512x128xf32>
    %mul3A_13 = arith.mulf %get3A_1, %mul3A : vector<512x128xf32>
    %slice3A = vector.extract_strided_slice %mul3A_13 {offsets = [0, 0], sizes = [512, 64], strides = [1, 1]} : vector<512x128xf32> to vector<512x64xf32>
    %swap3A = arith.constant 0 : index
    %swap3A_14 = arith.constant 0 : index
    %swap3A_15 = arith.constant 0 : index
    %swap3A_16 = vector.load %arg3[%swap3A, %swap3A_14, %swap3A_15] : memref<2x512x64xf32, #tpu.memory_space<vmem>>, vector<1x512x64xf32>
    %swap3A_17 = vector.shape_cast %swap3A_16 : vector<1x512x64xf32> to vector<512x64xf32>
    %swap3A_18 = vector.shape_cast %slice3A : vector<512x64xf32> to vector<1x512x64xf32>
    tpu.vector_store %arg3[%swap3A, %swap3A_14, %swap3A_15], %swap3A_18 {strides = array<i32>} : memref<2x512x64xf32, #tpu.memory_space<vmem>>, vector<1x512x64xf32>,
    %slice3A_19 = vector.extract_strided_slice %mul3A_13 {offsets = [0, 64], sizes = [512, 64], strides = [1, 1]} : vector<512x128xf32> to vector<512x64xf32>
    %swap3A_20 = arith.constant 1 : index
    %swap3A_21 = arith.constant 0 : index
    %swap3A_22 = arith.constant 0 : index
    %swap3A_23 = vector.load %arg3[%swap3A_20, %swap3A_21, %swap3A_22] : memref<2x512x64xf32, #tpu.memory_space<vmem>>, vector<1x512x64xf32>
    %swap3A_24 = vector.shape_cast %swap3A_23 : vector<1x512x64xf32> to vector<512x64xf32>
    %swap3A_25 = vector.shape_cast %slice3A_19 : vector<512x64xf32> to vector<1x512x64xf32>
    tpu.vector_store %arg3[%swap3A_20, %swap3A_21, %swap3A_22], %swap3A_25 {strides = array<i32>} : memref<2x512x64xf32, #tpu.memory_space<vmem>>, vector<1x512x64xf32>,
    return
  }
  func.func @transform_0(%arg0: i32) -> (i32, i32) {
    %c0_i32 = arith.constant 0 : i32
    %c0_i32_0 = arith.constant 0 : i32
    return %arg0, %c0_i32 : i32, i32
  }
  func.func @transform_1(%arg0: i32) -> (i32, i32) {
    %c0_i32 = arith.constant 0 : i32
    %c0_i32_0 = arith.constant 0 : i32
    return %arg0, %c0_i32 : i32, i32
  }
  func.func @transform_2(%arg0: i32) -> (i32, i32, i32) {
    %c0_i32 = arith.constant 0 : i32
    %c0_i32_0 = arith.constant 0 : i32
    %c0_i32_1 = arith.constant 0 : i32
    return %c0_i32, %arg0, %c0_i32_0 : i32, i32, i32
  }
}

module attributes {stable_mosaic.version = 14 : i64} {
  func.func @body(%arg0: i32, %arg1: memref<2x512x64xf32, #tpu.memory_space<vmem>>, %arg2: memref<2x512x64xf32, #tpu.memory_space<vmem>>, %arg3: memref<512x2xf32, #tpu.memory_space<vmem>>, %arg4: memref<1x16xf32, #tpu.memory_space<vmem>>, %arg5: memref<64x16xf32, #tpu.memory_space<vmem>>, %arg6: memref<64x16xf32, #tpu.memory_space<vmem>>, %arg7: memref<512x16xf32, #tpu.memory_space<vmem>>) attributes {dimension_semantics = [#tpu.dimension_semantics<arbitrary>], iteration_bounds = array<i64: 20>, scalar_prefetch = 0 : i64, scratch_operands = 0 : i64, tpu.core_type = #tpu.core_type<tc>, window_params = [{transform_indices = @transform_0, window_bounds = array<i64: 2, 512, 64>}, {transform_indices = @transform_1, window_bounds = array<i64: 2, 512, 64>}, {transform_indices = @transform_2, window_bounds = array<i64: 512, 2>}, {pipeline_mode = #tpu.pipeline_mode<synchronous>, transform_indices = @transform_3, window_bounds = array<i64: 1, 16>}, {pipeline_mode = #tpu.pipeline_mode<synchronous>, transform_indices = @transform_4, window_bounds = array<i64: 64, 16>}, {pipeline_mode = #tpu.pipeline_mode<synchronous>, transform_indices = @transform_5, window_bounds = array<i64: 64, 16>}, {transform_indices = @transform_6, window_bounds = array<i64: 512, 16>}]} {
    %get3A = arith.constant 0 : index
    %get3A_0 = arith.constant 0 : index
    %get3A_1 = vector.load %arg3[%get3A, %get3A_0] : memref<512x2xf32, #tpu.memory_space<vmem>>, vector<512x1xf32>
    %get3A_2 = arith.constant 0 : index
    %get3A_3 = arith.constant 1 : index
    %get3A_4 = vector.load %arg3[%get3A_2, %get3A_3] : memref<512x2xf32, #tpu.memory_space<vmem>>, vector<512x1xf32>
    %add3A = arith.addf %get3A_1, %get3A_4 : vector<512x1xf32>
    %add3A_5 = arith.constant 1.000000e+00 : f32
    %add3A_6 = vector.broadcast %add3A_5 : f32 to vector<512x1xf32>
    %add3A_7 = arith.addf %add3A, %add3A_6 : vector<512x1xf32>
    %max3A = arith.constant 1.000000e+00 : f32
    %max3A_8 = vector.broadcast %max3A : f32 to vector<512x1xf32>
    %max3A_9 = arith.maximumf %add3A_7, %max3A_8 : vector<512x1xf32>
    %rsqrt3A = math.rsqrt %max3A_9 : vector<512x1xf32>
    %get3A_10 = arith.constant 0 : index
    %get3A_11 = arith.constant 0 : index
    %get3A_12 = arith.constant 0 : index
    %get3A_13 = vector.load %arg1[%get3A_10, %get3A_11, %get3A_12] : memref<2x512x64xf32, #tpu.memory_space<vmem>>, vector<1x512x64xf32>
    %get3A_14 = vector.shape_cast %get3A_13 : vector<1x512x64xf32> to vector<512x64xf32>
    %get3A_15 = arith.constant 0 : index
    %get3A_16 = arith.constant 0 : index
    %get3A_17 = arith.constant 0 : index
    %get3A_18 = vector.load %arg2[%get3A_15, %get3A_16, %get3A_17] : memref<2x512x64xf32, #tpu.memory_space<vmem>>, vector<1x512x64xf32>
    %get3A_19 = vector.shape_cast %get3A_18 : vector<1x512x64xf32> to vector<512x64xf32>
    %add3A_20 = arith.addf %get3A_14, %get3A_19 : vector<512x64xf32>
    %mul3A = vector.broadcast %rsqrt3A : vector<512x1xf32> to vector<512x64xf32>
    %mul3A_21 = arith.mulf %add3A_20, %mul3A : vector<512x64xf32>
    %get3A_22 = arith.constant 1 : index
    %get3A_23 = arith.constant 0 : index
    %get3A_24 = arith.constant 0 : index
    %get3A_25 = vector.load %arg1[%get3A_22, %get3A_23, %get3A_24] : memref<2x512x64xf32, #tpu.memory_space<vmem>>, vector<1x512x64xf32>
    %get3A_26 = vector.shape_cast %get3A_25 : vector<1x512x64xf32> to vector<512x64xf32>
    %get3A_27 = arith.constant 1 : index
    %get3A_28 = arith.constant 0 : index
    %get3A_29 = arith.constant 0 : index
    %get3A_30 = vector.load %arg2[%get3A_27, %get3A_28, %get3A_29] : memref<2x512x64xf32, #tpu.memory_space<vmem>>, vector<1x512x64xf32>
    %get3A_31 = vector.shape_cast %get3A_30 : vector<1x512x64xf32> to vector<512x64xf32>
    %add3A_32 = arith.addf %get3A_26, %get3A_31 : vector<512x64xf32>
    %mul3A_33 = vector.broadcast %rsqrt3A : vector<512x1xf32> to vector<512x64xf32>
    %mul3A_34 = arith.mulf %add3A_32, %mul3A_33 : vector<512x64xf32>
    %get3A_35 = arith.constant 0 : index
    %get3A_36 = arith.constant 0 : index
    %get3A_37 = vector.load %arg5[%get3A_35, %get3A_36] : memref<64x16xf32, #tpu.memory_space<vmem>>, vector<64x16xf32>
    %dot_general3A = arith.constant dense<0.000000e+00> : vector<512x16xf32>
    %dot_general3A_38 = tpu.matmul %mul3A_21, %get3A_37, %dot_general3A {dimension_numbers = #tpu.dot_dimension_numbers<[1], [0], [0], [1], [0, 0, 1, 1], [], []>, transpose_lhs_hint = false} : vector<512x64xf32>, vector<64x16xf32>, vector<512x16xf32> -> vector<512x16xf32>
    %get3A_39 = arith.constant 0 : index
    %get3A_40 = arith.constant 0 : index
    %get3A_41 = vector.load %arg6[%get3A_39, %get3A_40] : memref<64x16xf32, #tpu.memory_space<vmem>>, vector<64x16xf32>
    %dot_general3A_42 = arith.constant dense<0.000000e+00> : vector<512x16xf32>
    %dot_general3A_43 = tpu.matmul %mul3A_34, %get3A_41, %dot_general3A_42 {dimension_numbers = #tpu.dot_dimension_numbers<[1], [0], [0], [1], [0, 0, 1, 1], [], []>, transpose_lhs_hint = false} : vector<512x64xf32>, vector<64x16xf32>, vector<512x16xf32> -> vector<512x16xf32>
    %add3A_44 = arith.addf %dot_general3A_38, %dot_general3A_43 : vector<512x16xf32>
    %get3A_45 = arith.constant 0 : index
    %get3A_46 = arith.constant 0 : index
    %get3A_47 = vector.load %arg4[%get3A_45, %get3A_46] : memref<1x16xf32, #tpu.memory_space<vmem>>, vector<1x16xf32>
    %add3A_48 = vector.broadcast %get3A_47 : vector<1x16xf32> to vector<512x16xf32>
    %add3A_49 = arith.addf %add3A_44, %add3A_48 : vector<512x16xf32>
    %max3A_50 = arith.constant 0.000000e+00 : f32
    %max3A_51 = vector.broadcast %max3A_50 : f32 to vector<512x16xf32>
    %max3A_52 = arith.maximumf %add3A_49, %max3A_51 : vector<512x16xf32>
    %mul3A_53 = vector.broadcast %rsqrt3A : vector<512x1xf32> to vector<512x16xf32>
    %mul3A_54 = arith.mulf %max3A_52, %mul3A_53 : vector<512x16xf32>
    %iota3A = tpu.iota {dimensions = array<i32: 0>} : vector<512x1xi32>
    %mul3A_55 = arith.constant 512 : i32
    %mul3A_56 = arith.muli %arg0, %mul3A_55 : i32
    %add3A_57 = vector.broadcast %mul3A_56 : i32 to vector<512x1xi32>
    %add3A_58 = arith.addi %iota3A, %add3A_57 : vector<512x1xi32>
    %lt3A = arith.constant 10000 : i32
    %lt3A_59 = vector.broadcast %lt3A : i32 to vector<512x1xi32>
    %lt3A_60 = arith.cmpi slt, %add3A_58, %lt3A_59 : vector<512x1xi32>
    %jit3A = arith.constant 0.000000e+00 : f32
    %broadcast_in_dim3A = vector.shape_cast %lt3A_60 : vector<512x1xi1> to vector<512x1xi1>
    %broadcast_in_dim3A_61 = vector.broadcast %broadcast_in_dim3A : vector<512x1xi1> to vector<512x16xi1>
    %broadcast_in_dim3A_62 = vector.broadcast %jit3A : f32 to vector<512x16xf32>
    %select_n3A = arith.select %broadcast_in_dim3A_61, %mul3A_54, %broadcast_in_dim3A_62 : vector<512x16xi1>, vector<512x16xf32>
    %swap3A = arith.constant 0 : index
    %swap3A_63 = arith.constant 0 : index
    %swap3A_64 = vector.load %arg7[%swap3A, %swap3A_63] : memref<512x16xf32, #tpu.memory_space<vmem>>, vector<512x16xf32>
    tpu.vector_store %arg7[%swap3A, %swap3A_63], %select_n3A {strides = array<i32>} : memref<512x16xf32, #tpu.memory_space<vmem>>, vector<512x16xf32>,
    return
  }
  func.func @transform_0(%arg0: i32) -> (i32, i32, i32) {
    %c0_i32 = arith.constant 0 : i32
    %c0_i32_0 = arith.constant 0 : i32
    %c0_i32_1 = arith.constant 0 : i32
    return %c0_i32, %arg0, %c0_i32_0 : i32, i32, i32
  }
  func.func @transform_1(%arg0: i32) -> (i32, i32, i32) {
    %c0_i32 = arith.constant 0 : i32
    %c0_i32_0 = arith.constant 0 : i32
    %c0_i32_1 = arith.constant 0 : i32
    return %c0_i32, %arg0, %c0_i32_0 : i32, i32, i32
  }
  func.func @transform_2(%arg0: i32) -> (i32, i32) {
    %c0_i32 = arith.constant 0 : i32
    %c0_i32_0 = arith.constant 0 : i32
    return %arg0, %c0_i32 : i32, i32
  }
  func.func @transform_3(%arg0: i32) -> (i32, i32) {
    %c0_i32 = arith.constant 0 : i32
    %c0_i32_0 = arith.constant 0 : i32
    %c0_i32_1 = arith.constant 0 : i32
    return %c0_i32, %c0_i32_0 : i32, i32
  }
  func.func @transform_4(%arg0: i32) -> (i32, i32) {
    %c0_i32 = arith.constant 0 : i32
    %c0_i32_0 = arith.constant 0 : i32
    %c0_i32_1 = arith.constant 0 : i32
    return %c0_i32, %c0_i32_0 : i32, i32
  }
  func.func @transform_5(%arg0: i32) -> (i32, i32) {
    %c0_i32 = arith.constant 0 : i32
    %c0_i32_0 = arith.constant 0 : i32
    %c0_i32_1 = arith.constant 0 : i32
    return %c0_i32, %c0_i32_0 : i32, i32
  }
  func.func @transform_6(%arg0: i32) -> (i32, i32) {
    %c0_i32 = arith.constant 0 : i32
    %c0_i32_0 = arith.constant 0 : i32
    return %arg0, %c0_i32 : i32, i32
  }
}

module attributes {stable_mosaic.version = 14 : i64} {
  func.func @_tc2_body(%arg0: i32, %arg1: memref<2x512x16xf32, #tpu.memory_space<vmem>>, %arg2: memref<512x16xf32, #tpu.memory_space<vmem>>, %arg3: memref<512x2xf32, #tpu.memory_space<vmem>>, %arg4: memref<1x16xf32, #tpu.memory_space<vmem>>, %arg5: memref<16x16xf32, #tpu.memory_space<vmem>>, %arg6: memref<16x1xf32, #tpu.memory_space<vmem>>, %arg7: memref<1x1xf32, #tpu.memory_space<vmem>>, %arg8: memref<512x1xf32, #tpu.memory_space<vmem>>) attributes {dimension_semantics = [#tpu.dimension_semantics<arbitrary>], iteration_bounds = array<i64: 20>, scalar_prefetch = 0 : i64, scratch_operands = 0 : i64, tpu.core_type = #tpu.core_type<tc>, window_params = [{transform_indices = @transform_0, window_bounds = array<i64: 2, 512, 16>}, {transform_indices = @transform_1, window_bounds = array<i64: 512, 16>}, {transform_indices = @transform_2, window_bounds = array<i64: 512, 2>}, {pipeline_mode = #tpu.pipeline_mode<synchronous>, transform_indices = @transform_3, window_bounds = array<i64: 1, 16>}, {pipeline_mode = #tpu.pipeline_mode<synchronous>, transform_indices = @transform_4, window_bounds = array<i64: 16, 16>}, {pipeline_mode = #tpu.pipeline_mode<synchronous>, transform_indices = @transform_5, window_bounds = array<i64: 16, 1>}, {pipeline_mode = #tpu.pipeline_mode<synchronous>, transform_indices = @transform_6, window_bounds = array<i64: 1, 1>}, {transform_indices = @transform_7, window_bounds = array<i64: 512, 1>}]} {
    %get3A = arith.constant 0 : index
    %get3A_0 = arith.constant 0 : index
    %get3A_1 = vector.load %arg3[%get3A, %get3A_0] : memref<512x2xf32, #tpu.memory_space<vmem>>, vector<512x1xf32>
    %get3A_2 = arith.constant 0 : index
    %get3A_3 = arith.constant 1 : index
    %get3A_4 = vector.load %arg3[%get3A_2, %get3A_3] : memref<512x2xf32, #tpu.memory_space<vmem>>, vector<512x1xf32>
    %add3A = arith.addf %get3A_1, %get3A_4 : vector<512x1xf32>
    %add3A_5 = arith.constant 1.000000e+00 : f32
    %add3A_6 = vector.broadcast %add3A_5 : f32 to vector<512x1xf32>
    %add3A_7 = arith.addf %add3A, %add3A_6 : vector<512x1xf32>
    %max3A = arith.constant 1.000000e+00 : f32
    %max3A_8 = vector.broadcast %max3A : f32 to vector<512x1xf32>
    %max3A_9 = arith.maximumf %add3A_7, %max3A_8 : vector<512x1xf32>
    %rsqrt3A = math.rsqrt %max3A_9 : vector<512x1xf32>
    %get3A_10 = arith.constant 0 : index
    %get3A_11 = arith.constant 0 : index
    %get3A_12 = arith.constant 0 : index
    %get3A_13 = vector.load %arg1[%get3A_10, %get3A_11, %get3A_12] : memref<2x512x16xf32, #tpu.memory_space<vmem>>, vector<1x512x16xf32>
    %get3A_14 = vector.shape_cast %get3A_13 : vector<1x512x16xf32> to vector<512x16xf32>
    %get3A_15 = arith.constant 1 : index
    %get3A_16 = arith.constant 0 : index
    %get3A_17 = arith.constant 0 : index
    %get3A_18 = vector.load %arg1[%get3A_15, %get3A_16, %get3A_17] : memref<2x512x16xf32, #tpu.memory_space<vmem>>, vector<1x512x16xf32>
    %get3A_19 = vector.shape_cast %get3A_18 : vector<1x512x16xf32> to vector<512x16xf32>
    %add3A_20 = arith.addf %get3A_14, %get3A_19 : vector<512x16xf32>
    %get3A_21 = arith.constant 0 : index
    %get3A_22 = arith.constant 0 : index
    %get3A_23 = vector.load %arg2[%get3A_21, %get3A_22] : memref<512x16xf32, #tpu.memory_space<vmem>>, vector<512x16xf32>
    %add3A_24 = arith.addf %add3A_20, %get3A_23 : vector<512x16xf32>
    %mul3A = vector.broadcast %rsqrt3A : vector<512x1xf32> to vector<512x16xf32>
    %mul3A_25 = arith.mulf %add3A_24, %mul3A : vector<512x16xf32>
    %get3A_26 = arith.constant 0 : index
    %get3A_27 = arith.constant 0 : index
    %get3A_28 = vector.load %arg5[%get3A_26, %get3A_27] : memref<16x16xf32, #tpu.memory_space<vmem>>, vector<16x16xf32>
    %dot_general3A = arith.constant dense<0.000000e+00> : vector<512x16xf32>
    %dot_general3A_29 = tpu.matmul %mul3A_25, %get3A_28, %dot_general3A {dimension_numbers = #tpu.dot_dimension_numbers<[1], [0], [0], [1], [0, 0, 1, 1], [], []>, transpose_lhs_hint = false} : vector<512x16xf32>, vector<16x16xf32>, vector<512x16xf32> -> vector<512x16xf32>
    %get3A_30 = arith.constant 0 : index
    %get3A_31 = arith.constant 0 : index
    %get3A_32 = vector.load %arg4[%get3A_30, %get3A_31] : memref<1x16xf32, #tpu.memory_space<vmem>>, vector<1x16xf32>
    %add3A_33 = vector.broadcast %get3A_32 : vector<1x16xf32> to vector<512x16xf32>
    %add3A_34 = arith.addf %dot_general3A_29, %add3A_33 : vector<512x16xf32>
    %max3A_35 = arith.constant 0.000000e+00 : f32
    %max3A_36 = vector.broadcast %max3A_35 : f32 to vector<512x16xf32>
    %max3A_37 = arith.maximumf %add3A_34, %max3A_36 : vector<512x16xf32>
    %get3A_38 = arith.constant 0 : index
    %get3A_39 = arith.constant 0 : index
    %get3A_40 = vector.load %arg6[%get3A_38, %get3A_39] : memref<16x1xf32, #tpu.memory_space<vmem>>, vector<16x1xf32>
    %dot_general3A_41 = arith.constant dense<0.000000e+00> : vector<512x1xf32>
    %dot_general3A_42 = tpu.matmul %max3A_37, %get3A_40, %dot_general3A_41 {dimension_numbers = #tpu.dot_dimension_numbers<[1], [0], [0], [1], [0, 0, 1, 1], [], []>, transpose_lhs_hint = false} : vector<512x16xf32>, vector<16x1xf32>, vector<512x1xf32> -> vector<512x1xf32>
    %get3A_43 = arith.constant 0 : index
    %get3A_44 = arith.constant 0 : index
    %get3A_45 = vector.load %arg7[%get3A_43, %get3A_44] : memref<1x1xf32, #tpu.memory_space<vmem>>, vector<1x1xf32>
    %add3A_46 = vector.broadcast %get3A_45 : vector<1x1xf32> to vector<512x1xf32>
    %add3A_47 = arith.addf %dot_general3A_42, %add3A_46 : vector<512x1xf32>
    %swap3A = arith.constant 0 : index
    %swap3A_48 = arith.constant 0 : index
    %swap3A_49 = vector.load %arg8[%swap3A, %swap3A_48] : memref<512x1xf32, #tpu.memory_space<vmem>>, vector<512x1xf32>
    tpu.vector_store %arg8[%swap3A, %swap3A_48], %add3A_47 {strides = array<i32>} : memref<512x1xf32, #tpu.memory_space<vmem>>, vector<512x1xf32>,
    return
  }
  func.func @transform_0(%arg0: i32) -> (i32, i32, i32) {
    %c0_i32 = arith.constant 0 : i32
    %c0_i32_0 = arith.constant 0 : i32
    %c0_i32_1 = arith.constant 0 : i32
    return %c0_i32, %arg0, %c0_i32_0 : i32, i32, i32
  }
  func.func @transform_1(%arg0: i32) -> (i32, i32) {
    %c0_i32 = arith.constant 0 : i32
    %c0_i32_0 = arith.constant 0 : i32
    return %arg0, %c0_i32 : i32, i32
  }
  func.func @transform_2(%arg0: i32) -> (i32, i32) {
    %c0_i32 = arith.constant 0 : i32
    %c0_i32_0 = arith.constant 0 : i32
    return %arg0, %c0_i32 : i32, i32
  }
  func.func @transform_3(%arg0: i32) -> (i32, i32) {
    %c0_i32 = arith.constant 0 : i32
    %c0_i32_0 = arith.constant 0 : i32
    %c0_i32_1 = arith.constant 0 : i32
    return %c0_i32, %c0_i32_0 : i32, i32
  }
  func.func @transform_4(%arg0: i32) -> (i32, i32) {
    %c0_i32 = arith.constant 0 : i32
    %c0_i32_0 = arith.constant 0 : i32
    %c0_i32_1 = arith.constant 0 : i32
    return %c0_i32, %c0_i32_0 : i32, i32
  }
  func.func @transform_5(%arg0: i32) -> (i32, i32) {
    %c0_i32 = arith.constant 0 : i32
    %c0_i32_0 = arith.constant 0 : i32
    %c0_i32_1 = arith.constant 0 : i32
    return %c0_i32, %c0_i32_0 : i32, i32
  }
  func.func @transform_6(%arg0: i32) -> (i32, i32) {
    %c0_i32 = arith.constant 0 : i32
    %c0_i32_0 = arith.constant 0 : i32
    %c0_i32_1 = arith.constant 0 : i32
    return %c0_i32, %c0_i32_0 : i32, i32
  }
  func.func @transform_7(%arg0: i32) -> (i32, i32) {
    %c0_i32 = arith.constant 0 : i32
    %c0_i32_0 = arith.constant 0 : i32
    return %arg0, %c0_i32 : i32, i32
  }
}

</mosaic_0001>

<sc_bundles>
// kernel: kernel.11.cloned.1.call-start
scs
__scs_entry_jumppad:
0x0: {  	(pc) =	sbr.rel $0x88, $3  }
0x1: {  	(tag) =	ssettag $0x0;
	lr =	simm.s32 $0x1  }
0x2: {  	[smem:$0x3F99] =	sst lr;
	_ =	strace $0xD0000000  }
0x3: {  	_ = 	snop  }
0x4: {  	_ = 	snop  }
0x5: {  	_ = 	snop  }
0x6: {  	_ = 	snop  }
0x7: {  	_ = 	snop  }
__scs_overlays_trampoline_lowered:
0x8: {  	[smem:$0x3FA8] =	sst s0  }
0x9: {  	[smem:$0x3FA9] =	sst s1  }
0xa: {  	[smem:$0x3FAA] =	sst s2  }
0xb: {  	[smem:$0x3FAB] =	sst s3  }
0xc: {  	[smem:$0x3FAC] =	sst s4  }
0xd: {  	[smem:$0x3FAD] =	sst s5  }
0xe: {  	[smem:$0x3FAE] =	sst s6  }
0xf: {  	[smem:$0x3FAF] =	sst s7  }
0x10: {  	[smem:$0x3FB0] =	sst s8  }
0x11: {  	[smem:$0x3FB1] =	sst s9;
	s0 =	simm.s32 @!p0 $0x0  }
0x12: {  	s1 =	sld [smem:$0x3F97];
	s0 =	simm.s32 @p0 $0x1  }
0x13: {  	[smem:$0x3FB2] =	sst s0;
	s0 =	simm.s32 @!p1 $0x0  }
0x14: {  	s2 =	sld [smem:$0x3F96];
	s0 =	simm.s32 @p1 $0x1  }
0x15: {  	[smem:$0x3FB3] =	sst s0;
	s0 =	simm.s32 @!p2 $0x0  }
0x16: {  	s3 =	sld [smem:$0x3FDB];
	s0 =	simm.s32 @p2 $0x1  }
0x17: {  	s4 =	simm.s32 $0x1BF5;
	[smem:$0x3FB5] =	sst s0  }
0x18: {  	s0 =	sld [smem:$0x3F98];
	_ =	swait.ge [sflag:s4], $0x0  }
0x19: {  	s7 =	sld [smem:$0x3F99]  }
0x1a: {  	s8 =	sadd.s32 $0xFFFFE003, lr  }
0x1b: {  	s9 =	sadd.s32 $0xFFFFFEF7, lr;
	s5 =	simm.s32 $0xFFFFFFFF;
	p2 =	slt.u32 s8, $0xFFFFF086  }
0x1c: {  	p1 =	slt.u32 s9, $0xF7A;
	s5 =	simm.s32 @!p2 $0x0  }
0x1d: {  	s5 =	simm.s32 @p1 $0x1;
	p0 =	seq.s32 s7, s2  }
0x1e: {  	s7 =	smul.u32 @!p0 $0xF7A, s2;
	p2 =	seq.s32 @!p0 s5, $0x0  }
0x1f: {  	s9 =	smul.u32 $0xF7A, s1;
	s8 =	simm.s32 @!p0 $0x1BF5;
	p2 =	por !p2, p0  }
0x20: {  	[sflag:s8] =	ssyncset.s32 @!p0 $0xFFFFF086;
	s6 =	sadd.s32 @!p0 s3, s7;
	s7 =	simm.s32 @!p0 $0x108  }
0x21: {  	s3 =	sadd.s32 s3, s9;
	s6 =	sadd.s32 @!p0 $0x88, s6;
	s7 =	simm.s32 @p2 $0x1082  }
0x22: {  	[simem:s7], [sflag:s8] =	dma.local @!p0 [hbm:s6], $0xF7A  }
0x23: {  	s9 =	sor.u32 $0xD0000000, s2;
	s6 =	simm.s32 $0x108;
	_ =	swait.ge @!p0 [sflag:s8], $0x0  }
0x24: {  	s3 =	sadd.s32 $0x88, s3;
	s6 =	simm.s32 @!p1 $0x1082;
	[sflag:s4] =	ssyncset.s32 $0xFFFFF086  }
0x25: {  	[simem:s6], [sflag:s4] =	dma.local [hbm:s3], $0xF7A  }
0x26: {  	[smem:$0x3F99] =	sst s1;
	(tag) =	ssettag s2;
	_ =	strace s9  }
0x27: {  	s1 =	sld [smem:$0x3FA9]  }
0x28: {  	s2 =	sld [smem:$0x3FAA]  }
0x29: {  	s4 =	sld [smem:$0x3FAC]  }
0x2a: {  	p0 =	seq.s32 s5, $0x0;
	s5 =	sld [smem:$0x3FAD]  }
0x2b: {  	s6 =	sld [smem:$0x3FAE]  }
0x2c: {  	s7 =	sld [smem:$0x3FAF]  }
0x2d: {  	s3 =	simm.s32 $0x108;
	s8 =	sld [smem:$0x3FB0]  }
0x2e: {  	s3 =	simm.s32 @!p0 $0x1082;
	s9 =	sld [smem:$0x3FB1]  }
0x2f: {  	lr =	sadd.s32 s0, s3;
	s0 =	sld [smem:$0x3FA8]  }
0x30: {  	s3 =	sld [smem:$0x3FAB]  }
0x31: {  	[smem:$0x3FB4] =	sst s10  }
0x32: {  	s10 =	sld [smem:$0x3FB2];
	_ =	sdelay $0x3  }
0x33: {  	p0 =	seq.s32 s10, $0x1;
	s10 =	sld [smem:$0x3FB4];
	_ =	sdelay $0x3  }
0x34: {  	[smem:$0x3FB4] =	sst s10  }
0x35: {  	s10 =	sld [smem:$0x3FB3];
	_ =	sdelay $0x3  }
0x36: {  	p1 =	seq.s32 s10, $0x1;
	s10 =	sld [smem:$0x3FB4];
	_ =	sdelay $0x3  }
0x37: {  	[smem:$0x3FB4] =	sst s10  }
0x38: {  	s10 =	sld [smem:$0x3FB5]  }
0x39: {  	_ = 	snop;
	(pc) =	sbr.ind lr, $3  }
0x3a: {  	_ = 	snop  }
0x3b: {  	_ = 	snop  }
0x3c: {  	p2 =	seq.s32 s10, $0x1;
	s10 =	sld [smem:$0x3FB4]  }
0x3d: {  	_ =	shalt  }
0x3e: {  	_ =	shalt  }
0x3f: {  	_ =	shalt  }
0x40: {  	_ =	shalt  }
0x41: {  	_ =	shalt  }
0x42: {  	_ =	shalt  }
0x43: {  	_ =	shalt  }
0x44: {  	_ =	shalt  }
0x45: {  	_ =	shalt  }
0x46: {  	_ =	shalt  }
0x47: {  	_ =	shalt  }
0x48: {  	_ =	shalt  }
0x49: {  	_ =	shalt  }
0x4a: {  	_ =	shalt  }
0x4b: {  	_ =	shalt  }
0x4c: {  	_ =	shalt  }
0x4d: {  	_ =	shalt  }
0x4e: {  	_ =	shalt  }
0x4f: {  	_ =	shalt  }
0x50: {  	_ =	shalt  }
0x51: {  	_ =	shalt  }
0x52: {  	_ =	shalt  }
0x53: {  	_ =	shalt  }
0x54: {  	_ =	shalt  }
0x55: {  	_ =	shalt  }
0x56: {  	_ =	shalt  }
0x57: {  	_ =	shalt  }
0x58: {  	_ =	shalt  }
0x59: {  	_ =	shalt  }
0x5a: {  	_ =	shalt  }
0x5b: {  	_ =	shalt  }
0x5c: {  	_ =	shalt  }
0x5d: {  	_ =	shalt  }
0x5e: {  	_ =	shalt  }
0x5f: {  	_ =	shalt  }
0x60: {  	_ =	shalt  }
0x61: {  	_ =	shalt  }
0x62: {  	_ =	shalt  }
0x63: {  	_ =	shalt  }
0x64: {  	_ =	shalt  }
0x65: {  	_ =	shalt  }
0x66: {  	_ =	shalt  }
0x67: {  	_ =	shalt  }
0x68: {  	_ =	shalt  }
0x69: {  	_ =	shalt  }
0x6a: {  	_ =	shalt  }
0x6b: {  	_ =	shalt  }
0x6c: {  	_ =	shalt  }
0x6d: {  	_ =	shalt  }
0x6e: {  	_ =	shalt  }
0x6f: {  	_ =	shalt  }
0x70: {  	_ =	shalt  }
0x71: {  	_ =	shalt  }
0x72: {  	_ =	shalt  }
0x73: {  	_ =	shalt  }
0x74: {  	_ =	shalt  }
0x75: {  	_ =	shalt  }
0x76: {  	_ =	shalt  }
0x77: {  	_ =	shalt  }
0x78: {  	_ =	shalt  }
0x79: {  	_ =	shalt  }
0x7a: {  	_ =	shalt  }
0x7b: {  	_ =	shalt  }
0x7c: {  	_ =	shalt  }
0x7d: {  	_ =	shalt  }
0x7e: {  	_ =	shalt  }
0x7f: {  	_ =	shalt  }
0x80: {  	_ =	shalt  }
0x81: {  	_ =	shalt  }
0x82: {  	_ =	shalt  }
0x83: {  	_ =	shalt  }
0x84: {  	_ =	shalt  }
0x85: {  	_ =	shalt  }
0x86: {  	_ =	shalt  }
0x87: {  	_ =	shalt  }
.Lfunc_end0:
.L_simem_size_0:
called_computation.1_lowered:
.L_overlay_start_0:
0x88: {  	s2 =	sld [smem:$0x3FD9]  }
0x89: {  	s3 =	sld [smem:$0x3FFE];
	_ =	sdelay $0x1  }
0x8a: {  	s1 =	srdreg.scid  }
0x8b: {  	s0 =	sand.u32 $0x1, s1  }
0x8c: {  	s16 =	sshll.u32 s0, $0xA;
	s2 =	sadd.s32 s3, s2  }
0x8d: {  	s2 =	sadd.s32 s2, s16  }
0x8e: {  	[smem:$0x3FC0] =	sst s2  }
0x8f: {  	_ = 	snop  }
0x90: {  	(tm) =	ssettm $0x1  }
0x91: {  	s17 =	sld [smem:$0x3FFB];
	_ =	sdelay $0x3  }
0x92: {  	_ =	strace s17  }
0x93: {  	s2 =	sld [smem:$0x3FFC];
	_ =	sdelay $0x3  }
0x94: {  	_ =	strace s2  }
0x95: {  	s2 =	sld [smem:$0x3FFD];
	_ =	sdelay $0x3  }
0x96: {  	_ =	strace s2  }
0x97: {  	_ =	strace $0x8FFFFFFF  }
0x98: {  	s18 =	sld [smem:$0x3FDB];
	_ =	sdelay $0x1  }
0x99: {  	s19 =	simm.s32 $_scs_section_size  }
0x9a: {  	s4 =	simm.s32 $_size__tile_overlayer_lowered;
	s5 =	simm.s32 $_tile_overlayer_lowered  }
0x9b: {  	s22 =	simm.s32 $0x1BFF;
	s21 =	sshll.u32 s5, $0x1;
	s2 =	sadd.s32 s19, s18  }
0x9c: {  	s6 =	simm.s32 $0x0;
	s20 =	sshll.u32 s4, $0x1;
	s4 =	sadd.s32 s21, s2  }
0x9d: {  	[timem:s6], [sflag:s22] =	dma.local [hbm:s4], s20  }
0x9e: {  	_ =	swait.ge [sflag:s22], s20  }
0x9f: {  	s3 =	ssub.s32 $0x0, s20;
	[sflag:s22] =	ssyncset.done $0x0  }
0xa0: {  	[sflag:s22] =	ssyncadd.s32 s3;
	_ =	sdelay $0x1  }
0xa1: {  	s23 =	simm.s32 $0x1B8B  }
0xa2: {  	_ =	swait.ge [sflag:s23], $0x1  }
0xa3: {  	[sflag:s23] =	ssyncset.done $0x0  }
0xa4: {  	s25 =	simm.s32 $0x1B8E;
	s24 =	sld [smem:$0x3FFE];
	[sflag:s23] =	ssyncadd.s32 $0xFFFFFFFF  }
0xa5: {  	s26 =	simm.s32 $execute0_lowered;
	[smem:$0x3FD2] =	sst s25  }
0xa6: {  	s4 =	sshll.u32 s26, $0x1;
	_ =	strace $0x80000049;
	[dreg:$0x1] =	wrdreg $0xFFFFFFFF  }
0xa7: {  	s28 =	simm.s32 $_size_execute0_lowered;
	s2 =	sadd.s32 s2, s4;
	[dreg:$0x0] =	wrdreg $0x0  }
0xa8: {  	s4 =	sshll.u32 s28, $0x1;
	[dreg:$0x2] =	wrdreg s2  }
0xa9: {  	[dreg:$0x3] =	wrdreg s4  }
0xaa: {  	[dreg:$0x4] =	wrdreg $0xC0  }
0xab: {  	_ =	task [dreg:s6], $0x5FFFF  }
0xac: {  	[dreg:$0x1] =	wrdreg $0xFFFFFFFF  }
0xad: {  	[dreg:$0x0] =	wrdreg $0x60  }
0xae: {  	[dreg:$0x2] =	wrdreg s24  }
0xaf: {  	[dreg:$0x3] =	wrdreg $0x14D000  }
0xb0: {  	[dreg:$0x4] =	wrdreg $0x9  }
0xb1: {  	_ =	task.clear_ibuf [dreg:s6], $0x5FFFF;
	_ =	strace $0x90000049  }
0xb2: {  	s29 =	simm.s32 $0x9;
	_ =	strace $0x8000004B  }
0xb3: {  	_ =	swait.ge [sflag:s29], $0x1  }
0xb4: {  	[sflag:s29] =	ssyncadd.s32 $0xFFFFFFFF  }
0xb5: {  	_ =	strace $0x9000004B  }
0xb6: {  	_ =	sfence  }
0xb7: {  	s30 =	sld [smem:$0x0];
	_ =	sdelay $0x2  }
0xb8: {  	s31 =	sshll.u32 s1, $0xD;
	s1 =	sshrl.u32 s1, $0x2  }
0xb9: {  	s3 =	sand.u32 $0x4000, s31;
	s1 =	sadd.s32 s1, s30  }
0xba: {  	s0 =	sor.u32 s3, s0;
	s1 =	sshll.u32 s1, $0x11  }
0xbb: {  	s0 =	sor.u32 s1, s0  }
0xbc: {  	s0 =	sadd.s32 $0x8F2B, s0  }
0xbd: {  	[sflag:s0] =	ssyncadd.remote.s32 $0x1  }
0xbe: {  	_ =	sfence.sel $0xFFFF  }
0xbf: {  	[dreg:$0x0] =	wrdreg $0xFFFFFFFF;
	(pc) =	sbr.abs _section_cstart, $3  }
0xc0: {  	[dreg:$0x1] =	wrdreg $0xFFFFFFFF  }
0xc1: {  	_ =	task.clear_ibuf [dreg:s6], $0x2FFFF;
	_ =	strace $0x9FFFFFFF  }
0xc2: {  	(tm) =	ssettm $0x7FFFFFFF  }
0xc3: {  	_ =	shalt  }
tec
execute0_lowered:
.L_overlay_start_1:
0x0: {  	(tag) =	ssettag $0x1  }
0x1: {  	s5 =	rddreg [dreg:$0x0]  }
0x2: {  	s2 =	rddreg [dreg:$0x1]  }
0x3: {  	s0 =	rddreg [dreg:$0x2]  }
0x4: {  	s1 =	stileid.u32;
	s4 =	srdreg.scid  }
0x5: {  	s3 =	simm.s32 $0x0;
	s14 =	simm.s32 $0x12D00;
	s15 =	simm.s32 $0x80  }
0x6: {  	s16 =	simm.s32 $0x4F00;
	s17 =	simm.s32 $0xED00;
	s18 =	simm.s32 $0x10D00  }
0x7: {  	s19 =	simm.s32 $0x1;
	s20 =	simm.s32 $0x2;
	s7 =	smul.u32 $0xA000, s1  }
0x8: {  	s21 =	simm.s32 $0x9D80;
	s23 =	simm.s32 $0xEC80;
	s9 =	smul.u32 $0x9E0, s1  }
0x9: {  	s24 =	simm.s32 $0x0;
	s6 =	sand.u32 $0x1, s4;
	s11 =	smul.u32 $0x28000, s1  }
0xa: {  	[smem:$0x7FF] =	sst s3;
	s4 =	sadd.s32 $0x84000, s5;
	s8 =	smul.u32 $0xA0000, s6  }
0xb: {  	_ =	strace $0x8000004A;
	s10 =	ssub.s32 $0x2, s6;
	s22 =	smul.u32 $0x2800, s6  }
0xc: {  	s9 =	sadd.s32 s9, s5;
	s29 =	sshrl.u32 s10, $0x1;
	s30 =	sshrl.u32 s11, $0x2  }
0xd: {  	s6 =	sadd.s32 s7, s2;
	s8 =	sadd.s32 s7, s8;
	s13 =	ssub.s32 s10, s29  }
0xe: {  	s31 =	sadd.s32 s30, s2;
	v0 =	vmov s22;
	s22 =	simm.s32 $0xEC00;
	s8 =	sshrl.u32 s8, $0x3  }
0xf: {  	s7 =	sadd.s32 $0x2000, s31;
	s10 =	sadd.s32 $0x8000, s31;
	s12 =	sadd.s32 s8, s5  }
0x10: {  	s5 =	sadd.s32 $0x2200, s9;
	s8 =	sadd.s32 $0x4000, s31;
	s9 =	sadd.s32 $0x6000, s31  }
0x11: {  	v1 =	vimm.f32 $0.0e+00;
	s11 =	sadd.s32 $0xAC000, s12;
	s12 =	smax.u32 s13, $0x1;
	s13 =	simm.s32 $0x3  }
.LBB2_1:
0x12: {  	[tilespmem:s3], [sflag:$0x3] =	stream.linear.gather [hbm4b:s5+s3], $0x4F00, $0x38;
	[tilespmem:$0x1ED00] =	vst v63  }
0x13: {  	_ =	swait.ge [sflag:s13], $0x4F00  }
0x14: {  	[sflag:s13] =	ssyncset.done $0x0  }
0x15: {  	s25 =	simm.s32 $0x0;
	[sflag:s13] =	ssyncadd.s32 $0xFFFFB100  }
0x16: {  	v2 =	vld [tilespmem:s25+$0x70]  }
0x17: {  	v3 =	vld [tilespmem:s25+$0x0];
	_ =	sdelay $0x1  }
0x18: {  	v4 =	vld [tilespmem:s25+$0x10]  }
0x19: {  	v5 =	vld [tilespmem:s25+$0x20]  }
0x1a: {  	v6 =	vld [tilespmem:s25+$0x30];
	v8 =	vshrl.u32 v2, $0xE  }
0x1b: {  	v7 =	vld [tilespmem:s25+$0x40];
	v2 =	vand.u32 $0x3FFF, v2;
	v63 =	vshrl.u32 v3, $0xE;
	[tilespmem:s25+$0x9E70] =	vst v8  }
0x1c: {  	v9 =	vld [tilespmem:s25+$0x50];
	v8 =	vand.u32 $0x3FFF, v3;
	v2 =	vadd.s32 v0, v2;
	[tilespmem:s25+$0x9E00] =	vst v63  }
0x1d: {  	v10 =	vld [tilespmem:s25+$0x60];
	v11 =	vand.u32 $0x3FFF, v4;
	v8 =	vadd.s32 v0, v8;
	[tilespmem:s25+$0x4F70] =	vst v2  }
0x1e: {  	v2 =	vadd.s32 v0, v11;
	[tilespmem:s25+$0x4F00] =	vst v8;
	v8 =	vand.u32 $0x3FFF, v5  }
0x1f: {  	[tilespmem:s25+$0x4F10] =	vst v2;
	v2 =	vadd.s32 v0, v8;
	v8 =	vand.u32 $0x3FFF, v6  }
0x20: {  	[tilespmem:s25+$0x4F20] =	vst v2;
	v2 =	vadd.s32 v0, v8;
	v8 =	vand.u32 $0x3FFF, v7  }
0x21: {  	[tilespmem:s25+$0x4F30] =	vst v2;
	v2 =	vadd.s32 v0, v8;
	v8 =	vand.u32 $0x3FFF, v9  }
0x22: {  	v3 =	vshrl.u32 v5, $0xE;
	[tilespmem:s25+$0x4F40] =	vst v2;
	v2 =	vadd.s32 v0, v8;
	v8 =	vand.u32 $0x3FFF, v10  }
0x23: {  	v5 =	vshrl.u32 v7, $0xE;
	v7 =	vshrl.u32 v9, $0xE;
	[tilespmem:s25+$0x4F50] =	vst v2;
	v8 =	vadd.s32 v0, v8  }
0x24: {  	s26 =	simm.s32 $0x80;
	s28 =	simm.s32 $0x400;
	v2 =	vshrl.u32 v4, $0xE;
	v4 =	vshrl.u32 v6, $0xE;
	v6 =	vshrl.u32 v10, $0xE;
	[tilespmem:s25+$0x4F60] =	vst v8  }
.LBB2_2:
0x25: {  	p0 =	sne.s32 s28, $0x13A00;
	v8 =	vld [tilespmem:s26+$0x70];
	[tilespmem:s25+$0x9E10] =	vst v2  }
0x26: {  	v2 =	vld [tilespmem:s26+$0x0];
	[tilespmem:s25+$0x9E20] =	vst v3  }
0x27: {  	v3 =	vld [tilespmem:s26+$0x10];
	[tilespmem:s25+$0x9E30] =	vst v4  }
0x28: {  	v4 =	vld [tilespmem:s26+$0x20];
	[tilespmem:s25+$0x9E40] =	vst v5  }
0x29: {  	v5 =	vld [tilespmem:s26+$0x30];
	[tilespmem:s25+$0x9E50] =	vst v7  }
0x2a: {  	v7 =	vld [tilespmem:s26+$0x40];
	v9 =	vand.u32 $0x3FFF, v8;
	v8 =	vshrl.u32 v8, $0xE;
	[tilespmem:s25+$0x9E60] =	vst v6;
	s25 =	smov.u32 s26  }
0x2b: {  	v6 =	vand.u32 $0x3FFF, v2;
	v10 =	vshrl.u32 v2, $0xE;
	v11 =	vld [tilespmem:s25+$0x50];
	v9 =	vadd.s32 v0, v9;
	[tilespmem:s25+$0x9E70] =	vst v8  }
0x2c: {  	v6 =	vadd.s32 v0, v6;
	v8 =	vand.u32 $0x3FFF, v3;
	v2 =	vshrl.u32 v3, $0xE;
	v12 =	vld [tilespmem:s25+$0x60];
	[tilespmem:s25+$0x4F70] =	vst v9  }
0x2d: {  	[tilespmem:s25+$0x4F00] =	vst v6;
	v6 =	vadd.s32 v0, v8;
	v8 =	vand.u32 $0x3FFF, v4;
	v3 =	vshrl.u32 v4, $0xE  }
0x2e: {  	[tilespmem:s25+$0x4F10] =	vst v6;
	v6 =	vadd.s32 v0, v8;
	v8 =	vand.u32 $0x3FFF, v5;
	v4 =	vshrl.u32 v5, $0xE  }
0x2f: {  	[tilespmem:s25+$0x4F20] =	vst v6;
	v6 =	vadd.s32 v0, v8;
	v8 =	vand.u32 $0x3FFF, v7;
	v5 =	vshrl.u32 v7, $0xE  }
.Ltmp0:
0x30: {  	[tilespmem:s25+$0x4F30] =	vst v6;
	v6 =	vadd.s32 v0, v8;
	v8 =	vand.u32 $0x3FFF, v11;
	v7 =	vshrl.u32 v11, $0xE;
	(pc) =	sbr.rel @p0 .LBB2_2-.Ltmp0, $4  }
0x31: {  	[tilespmem:s25+$0x4F40] =	vst v6;
	v8 =	vadd.s32 v0, v8;
	v9 =	vand.u32 $0x3FFF, v12;
	v6 =	vshrl.u32 v12, $0xE  }
0x32: {  	[tilespmem:s25+$0x4F50] =	vst v8;
	v8 =	vadd.s32 v0, v9  }
0x33: {  	[tilespmem:s25+$0x4F60] =	vst v8  }
0x34: {  	s26 =	sshra.s32 s28, $0x2;
	s28 =	sadd.s32 $0x200, s28;
	[tilespmem:s25+$0x9E00] =	vst v10  }
0x35: {  	v8 =	vld [tilespmem:s26+$0x70];
	[tilespmem:s25+$0x9E10] =	vst v2  }
0x36: {  	v2 =	vld [tilespmem:s26+$0x0];
	[tilespmem:s25+$0x9E20] =	vst v3  }
0x37: {  	v3 =	vld [tilespmem:s26+$0x10];
	[tilespmem:s25+$0x9E30] =	vst v4  }
0x38: {  	v4 =	vld [tilespmem:s26+$0x20];
	[tilespmem:s25+$0x9E40] =	vst v5  }
0x39: {  	v5 =	vld [tilespmem:s26+$0x30];
	[tilespmem:s25+$0x9E50] =	vst v7  }
0x3a: {  	v7 =	vld [tilespmem:s26+$0x40];
	[tilespmem:s25+$0x9E60] =	vst v6;
	v51 =	vshrl.u32 v8, $0xE;
	v8 =	vand.u32 $0x3FFF, v8  }
0x3b: {  	[tilespmem:s26+$0x9E70] =	vst v51;
	v8 =	vadd.s32 v0, v8  }
0x3c: {  	v52 =	vand.u32 $0x3FFF, v2;
	v2 =	vshrl.u32 v2, $0xE;
	[tilespmem:s26+$0x4F70] =	vst v8  }
0x3d: {  	v6 =	vadd.s32 v0, v52;
	[tilespmem:s26+$0x9E00] =	vst v2  }
0x3e: {  	v11 =	vand.u32 $0x3FFF, v3;
	v3 =	vshrl.u32 v3, $0xE;
	[tilespmem:s26+$0x4F00] =	vst v6  }
0x3f: {  	v53 =	vadd.s32 v0, v11;
	[tilespmem:s26+$0x9E10] =	vst v3  }
0x40: {  	v54 =	vand.u32 $0x3FFF, v4;
	v2 =	vshrl.u32 v4, $0xE;
	[tilespmem:s26+$0x4F10] =	vst v53  }
0x41: {  	v9 =	vld [tilespmem:s26+$0x50];
	v55 =	vadd.s32 v0, v54;
	[tilespmem:s26+$0x9E20] =	vst v2  }
0x42: {  	v10 =	vld [tilespmem:s26+$0x60];
	v56 =	vand.u32 $0x3FFF, v5;
	v3 =	vshrl.u32 v5, $0xE;
	[tilespmem:s26+$0x4F20] =	vst v55  }
0x43: {  	v57 =	vadd.s32 v0, v56;
	[tilespmem:s26+$0x9E30] =	vst v3  }
0x44: {  	v58 =	vand.u32 $0x3FFF, v7;
	v2 =	vshrl.u32 v7, $0xE;
	[tilespmem:s26+$0x4F30] =	vst v57  }
0x45: {  	v59 =	vadd.s32 v0, v58;
	[tilespmem:s26+$0x9E40] =	vst v2  }
0x46: {  	v3 =	vshrl.u32 v9, $0xE;
	[tilespmem:s26+$0x4F40] =	vst v59  }
0x47: {  	v60 =	vand.u32 $0x3FFF, v9;
	v2 =	vshrl.u32 v10, $0xE;
	[tilespmem:s26+$0x9E50] =	vst v3  }
0x48: {  	v62 =	vand.u32 $0x3FFF, v10;
	v61 =	vadd.s32 v0, v60;
	[tilespmem:s26+$0x9E60] =	vst v2  }
0x49: {  	v63 =	vadd.s32 v0, v62;
	[tilespmem:s26+$0x4F50] =	vst v61  }
0x4a: {  	s25 =	simm.s32 $0x0;
	[tilespmem:s26+$0x4F60] =	vst v63;
	s26 =	simm.s32 $0x100  }
.LBB2_4:
0x4b: {  	p0 =	sne.s32 s26, $0x7F00;
	[tilespmem:s25+$0x12D30] =	vst v1;
	s28 =	smov.u32 s26;
	s26 =	sadd.s32 $0x100, s26  }
.Ltmp1:
0x4c: {  	[tilespmem:s25+$0x12D20] =	vst v1;
	(pc) =	sbr.rel @p0 .LBB2_4-.Ltmp1, $3  }
0x4d: {  	[tilespmem:s25+$0x12D00] =	vst v1  }
0x4e: {  	[tilespmem:s25+$0x12D10] =	vst v1;
	_ =	sdelay $0x1  }
0x4f: {  	s25 =	sshra.s32 s28, $0x2  }
0x50: {  	[tilespmem:s25+$0x12D30] =	vst v1  }
0x51: {  	[tilespmem:s25+$0x12D20] =	vst v1  }
0x52: {  	[tilespmem:s25+$0x12D00] =	vst v1  }
0x53: {  	[tilespmem:s25+$0x12D10] =	vst v1  }
0x54: {  	[spmem:s6] =	stream.linear.scatter [tilespmem:s14], [sflag:$0x3], $0x2000, $0x38;
	[tilespmem:$0x1ED00] =	vst v63  }
0x55: {  	_ =	swait.ge [sflag:s13], $0x2000  }
0x56: {  	[sflag:s13] =	ssyncset.done $0x0  }
0x57: {  	[sflag:s13] =	ssyncadd.s32 $0xFFFFE000  }
0x58: {  	[spmem:s7] =	stream.linear.scatter [tilespmem:s14], [sflag:$0x3], $0x2000, $0x38;
	[tilespmem:$0x1ED00] =	vst v63  }
0x59: {  	_ =	swait.ge [sflag:s13], $0x2000  }
0x5a: {  	[sflag:s13] =	ssyncset.done $0x0  }
0x5b: {  	[sflag:s13] =	ssyncadd.s32 $0xFFFFE000  }
0x5c: {  	[spmem:s8] =	stream.linear.scatter [tilespmem:s14], [sflag:$0x3], $0x2000, $0x38;
	[tilespmem:$0x1ED00] =	vst v63  }
0x5d: {  	_ =	swait.ge [sflag:s13], $0x2000  }
0x5e: {  	[sflag:s13] =	ssyncset.done $0x0  }
0x5f: {  	[sflag:s13] =	ssyncadd.s32 $0xFFFFE000  }
0x60: {  	[spmem:s9] =	stream.linear.scatter [tilespmem:s14], [sflag:$0x3], $0x2000, $0x38;
	[tilespmem:$0x1ED00] =	vst v63  }
0x61: {  	_ =	swait.ge [sflag:s13], $0x2000  }
0x62: {  	[sflag:s13] =	ssyncset.done $0x0  }
0x63: {  	[sflag:s13] =	ssyncadd.s32 $0xFFFFE000  }
0x64: {  	[spmem:s10] =	stream.linear.scatter [tilespmem:s14], [sflag:$0x3], $0x2000, $0x38;
	[tilespmem:$0x1ED00] =	vst v63  }
0x65: {  	_ =	swait.ge [sflag:s13], $0x2000  }
0x66: {  	[sflag:s13] =	ssyncset.done $0x0  }
0x67: {  	[sflag:s13] =	ssyncadd.s32 $0xFFFFE000  }
0x68: {  	[bflag:$0x0] =	sbarrier.arrive $0xFFFF  }
0x69: {  	[tilespmem:s17], [sflag:$0x1] =	stream.indirect.gather [hbm4b:s4+s15], $0x40, s16, s15, $0xb8;
	[tilespmem:$0x1ED00] =	vst v63  }
0x6a: {  	s28 =	simm.s32 $0x4F80  }
0x6b: {  	[tilespmem:s18], [sflag:$0x2] =	stream.indirect.gather [hbm4b:s4+s15], $0x40, s28, s15, $0xb8;
	[tilespmem:$0x1ED00] =	vst v63  }
0x6c: {  	_ =	swait.ge [sflag:s19], $0x2000  }
0x6d: {  	[sflag:s19] =	ssyncset.done $0x0  }
0x6e: {  	s29 =	simm.s32 $0x9E00;
	[sflag:s19] =	ssyncadd.s32 $0xFFFFE000  }
0x6f: {  	[spmem:s2] =	stream.indirect.scatter.add.f32 [tilespmem:s17], [sflag:$0x3], $0x40, s29, s15, $0xb8;
	[tilespmem:$0x1ED00] =	vst v63  }
0x70: {  	_ =	swait.ge [sflag:s13], $0x2000  }
0x71: {  	[sflag:s13] =	ssyncset.done $0x0  }
0x72: {  	s30 =	simm.s32 $0x5000;
	[sflag:s13] =	ssyncadd.s32 $0xFFFFE000  }
0x73: {  	[tilespmem:s17], [sflag:$0x1] =	stream.indirect.gather [hbm4b:s4+s15], $0x40, s30, s15, $0xb8;
	[tilespmem:$0x1ED00] =	vst v63  }
0x74: {  	_ =	swait.ge [sflag:s20], $0x2000  }
0x75: {  	[sflag:s20] =	ssyncset.done $0x0  }
0x76: {  	s31 =	simm.s32 $0x9E80;
	[sflag:s20] =	ssyncadd.s32 $0xFFFFE000  }
0x77: {  	[spmem:s2] =	stream.indirect.scatter.add.f32 [tilespmem:s18], [sflag:$0x3], $0x40, s31, s15, $0xb8;
	[tilespmem:$0x1ED00] =	vst v63  }
0x78: {  	_ =	swait.ge [sflag:s13], $0x2000  }
0x79: {  	s26 =	simm.s32 $0x800;
	s25 =	simm.s32 $0x100;
	[sflag:s13] =	ssyncset.done $0x0  }
.LBB2_6:
0x7a: {  	s28 =	sadd.s32 $0x4F80, s25  }
0x7b: {  	[sflag:s13] =	ssyncadd.s32 $0xFFFFE000;
	s29 =	smov.u32 s26;
	s30 =	sadd.s32 $0x400, s26  }
0x7c: {  	[tilespmem:s18], [sflag:$0x2] =	stream.indirect.gather [hbm4b:s4+s15], $0x40, s28, s15, $0xb8;
	[tilespmem:$0x1ED00] =	vst v63  }
0x7d: {  	p0 =	sne.s32 s26, $0x13400;
	_ =	swait.ge [sflag:s19], $0x2000  }
0x7e: {  	[sflag:s19] =	ssyncset.done $0x0  }
0x7f: {  	s26 =	sadd.s32 $0x9E00, s25;
	[sflag:s19] =	ssyncadd.s32 $0xFFFFE000  }
0x80: {  	[spmem:s2] =	stream.indirect.scatter.add.f32 [tilespmem:s17], [sflag:$0x3], $0x40, s26, s15, $0xb8;
	[tilespmem:$0x1ED00] =	vst v63  }
0x81: {  	_ =	swait.ge [sflag:s13], $0x2000  }
0x82: {  	[sflag:s13] =	ssyncset.done $0x0  }
0x83: {  	s26 =	sadd.s32 $0x5000, s25;
	[sflag:s13] =	ssyncadd.s32 $0xFFFFE000  }
0x84: {  	[tilespmem:s17], [sflag:$0x1] =	stream.indirect.gather [hbm4b:s4+s15], $0x40, s26, s15, $0xb8;
	[tilespmem:$0x1ED00] =	vst v63  }
0x85: {  	_ =	swait.ge [sflag:s20], $0x2000  }
.Ltmp2:
0x86: {  	[sflag:s20] =	ssyncset.done $0x0;
	(pc) =	sbr.rel @p0 .LBB2_6-.Ltmp2, $4  }
0x87: {  	s25 =	sadd.s32 $0x9E80, s25;
	[sflag:s20] =	ssyncadd.s32 $0xFFFFE000  }
0x88: {  	[spmem:s2] =	stream.indirect.scatter.add.f32 [tilespmem:s18], [sflag:$0x3], $0x40, s25, s15, $0xb8;
	[tilespmem:$0x1ED00] =	vst v63  }
0x89: {  	_ =	swait.ge [sflag:s13], $0x2000  }
0x8a: {  	s26 =	smov.u32 s30;
	s25 =	sshra.s32 s29, $0x2;
	[sflag:s13] =	ssyncset.done $0x0  }
0x8b: {  	s26 =	sadd.s32 $0x4F80, s25;
	[sflag:s13] =	ssyncadd.s32 $0xFFFFE000  }
0x8c: {  	[tilespmem:s18], [sflag:$0x2] =	stream.indirect.gather [hbm4b:s4+s15], $0x40, s26, s15, $0xb8;
	[tilespmem:$0x1ED00] =	vst v63  }
0x8d: {  	_ =	swait.ge [sflag:s19], $0x2000  }
0x8e: {  	[sflag:s19] =	ssyncset.done $0x0  }
0x8f: {  	s31 =	sadd.s32 $0x9E00, s25;
	[sflag:s19] =	ssyncadd.s32 $0xFFFFE000  }
0x90: {  	[spmem:s2] =	stream.indirect.scatter.add.f32 [tilespmem:s17], [sflag:$0x3], $0x40, s31, s15, $0xb8;
	[tilespmem:$0x1ED00] =	vst v63  }
0x91: {  	_ =	swait.ge [sflag:s13], $0x2000  }
0x92: {  	[sflag:s13] =	ssyncset.done $0x0  }
0x93: {  	s28 =	sadd.s32 $0x5000, s25;
	[sflag:s13] =	ssyncadd.s32 $0xFFFFE000  }
0x94: {  	[tilespmem:s17], [sflag:$0x1] =	stream.indirect.gather [hbm4b:s4+s15], $0x40, s28, s15, $0xb8;
	[tilespmem:$0x1ED00] =	vst v63  }
0x95: {  	_ =	swait.ge [sflag:s20], $0x2000  }
0x96: {  	[sflag:s20] =	ssyncset.done $0x0  }
0x97: {  	s29 =	sadd.s32 $0x9E80, s25;
	[sflag:s20] =	ssyncadd.s32 $0xFFFFE000  }
0x98: {  	[spmem:s2] =	stream.indirect.scatter.add.f32 [tilespmem:s18], [sflag:$0x3], $0x40, s29, s15, $0xb8;
	[tilespmem:$0x1ED00] =	vst v63  }
0x99: {  	_ =	swait.ge [sflag:s13], $0x2000  }
0x9a: {  	[sflag:s13] =	ssyncset.done $0x0  }
0x9b: {  	[sflag:s13] =	ssyncadd.s32 $0xFFFFE000  }
0x9c: {  	[tilespmem:s18], [sflag:$0x2] =	stream.indirect.gather [hbm4b:s4+s15], $0x40, s21, s15, $0xb8;
	[tilespmem:$0x1ED00] =	vst v63  }
0x9d: {  	_ =	swait.ge [sflag:s19], $0x2000  }
0x9e: {  	[sflag:s19] =	ssyncset.done $0x0  }
0x9f: {  	[sflag:s19] =	ssyncadd.s32 $0xFFFFE000  }
0xa0: {  	[spmem:s2] =	stream.indirect.scatter.add.f32 [tilespmem:s17], [sflag:$0x3], $0x40, s22, s15, $0xb8;
	[tilespmem:$0x1ED00] =	vst v63  }
0xa1: {  	_ =	swait.ge [sflag:s13], $0x2000  }
0xa2: {  	[sflag:s13] =	ssyncset.done $0x0  }
0xa3: {  	[sflag:s13] =	ssyncadd.s32 $0xFFFFE000  }
0xa4: {  	_ =	swait.ge [sflag:s20], $0x2000  }
0xa5: {  	[sflag:s20] =	ssyncset.done $0x0  }
0xa6: {  	[sflag:s20] =	ssyncadd.s32 $0xFFFFE000  }
0xa7: {  	[spmem:s2] =	stream.indirect.scatter.add.f32 [tilespmem:s18], [sflag:$0x3], $0x40, s23, s15, $0xb8;
	[tilespmem:$0x1ED00] =	vst v63  }
0xa8: {  	_ =	swait.ge [sflag:s13], $0x2000  }
0xa9: {  	s30 =	sshll.u32 s1, $0x6;
	s24 =	sadd.s32 $0x1, s24;
	[sflag:s13] =	ssyncset.done $0x0  }
0xaa: {  	s25 =	sor.u32 $0x1C03, s30;
	p0 =	sne.s32 s24, s12;
	[sflag:s13] =	ssyncadd.s32 $0xFFFFE000  }
.Ltmp3:
0xab: {  	s31 =	sshrl.u32 s6, $0x3;
	[bflag:$0x0] =	sbarrier.arrive $0xFFFF;
	(pc) =	sbr.rel @p0 .LBB2_1-.Ltmp3, $4  }
0xac: {  	[hbm:s11], [sflag:s25] =	dma.local [spmem:s31], $0x1400  }
0xad: {  	_ =	swait.ge [sflag:s13], $0x1400  }
0xae: {  	[sflag:s13] =	ssyncset.done $0x0  }
0xaf: {  	[sflag:s13] =	ssyncadd.s32 $0xFFFFEC00  }
0xb0: {  	_ =	sfence.sel $0x180000  }
0xb1: {  	[bflag:$0x0] =	sbarrier.arrive $0xFFFF  }
0xb2: {  	p0 =	sne.s32 s1, $0x0;
	_ =	strace $0x9000004A  }
0xb3: {  	s0 =	sadd.s32 @!p0 $0x100000, s0;
	[bflag:$0x2] =	sbarrier.arrive $0xFFFF  }
0xb4: {  	[sflag:s0] =	ssyncadd.tile.s32 @!p0 $0x1;
	_ =	shalt  }
.Lfunc_end2:
_tile_overlayer_lowered:
.L_overlay_start_2:
0xb5: {  	(tag) =	ssettag $0x2  }
0xb6: {  	s0 =	rddreg [dreg:$0x0];
	s2 =	stileid.u32  }
0xb7: {  	s1 =	rddreg [dreg:$0x1];
	p0 =	sne.s32 s2, $0x0  }
0xb8: {  	s3 =	rddreg [dreg:$0x2];
	[bflag:$0x3] =	sbarrier.arrive $0xFFFF;
	s2 =	simm.s32 @!p0 $0x1C03  }
0xb9: {  	[timem:s3], [sflag:s2] =	dma.local @!p0 [hbm:s0], s1  }
0xba: {  	s0 =	simm.s32 @!p0 $0x3  }
0xbb: {  	_ =	swait.ge @!p0 [sflag:s0], s1  }
0xbc: {  	s1 =	ssub.s32 @!p0 $0x0, s1;
	[sflag:s0] =	ssyncset.done @!p0 $0x0  }
0xbd: {  	[sflag:s0] =	ssyncadd.s32 @!p0 s1  }
0xbe: {  	[bflag:$0x3] =	sbarrier.arrive $0xFFFF  }
0xbf: {  	_ =	shalt  }

// kernel: kernel.14.cloned.1.call-start
scs
__scs_entry_jumppad:
0x0: {  	(pc) =	sbr.rel $0x88, $3  }
0x1: {  	(tag) =	ssettag $0x0;
	lr =	simm.s32 $0x1  }
0x2: {  	[smem:$0x3F99] =	sst lr;
	_ =	strace $0xD0000000  }
0x3: {  	_ = 	snop  }
0x4: {  	_ = 	snop  }
0x5: {  	_ = 	snop  }
0x6: {  	_ = 	snop  }
0x7: {  	_ = 	snop  }
__scs_overlays_trampoline_lowered:
0x8: {  	[smem:$0x3FA8] =	sst s0  }
0x9: {  	[smem:$0x3FA9] =	sst s1  }
0xa: {  	[smem:$0x3FAA] =	sst s2  }
0xb: {  	[smem:$0x3FAB] =	sst s3  }
0xc: {  	[smem:$0x3FAC] =	sst s4  }
0xd: {  	[smem:$0x3FAD] =	sst s5  }
0xe: {  	[smem:$0x3FAE] =	sst s6  }
0xf: {  	[smem:$0x3FAF] =	sst s7  }
0x10: {  	[smem:$0x3FB0] =	sst s8  }
0x11: {  	[smem:$0x3FB1] =	sst s9;
	s0 =	simm.s32 @!p0 $0x0  }
0x12: {  	s1 =	sld [smem:$0x3F97];
	s0 =	simm.s32 @p0 $0x1  }
0x13: {  	[smem:$0x3FB2] =	sst s0;
	s0 =	simm.s32 @!p1 $0x0  }
0x14: {  	s2 =	sld [smem:$0x3F96];
	s0 =	simm.s32 @p1 $0x1  }
0x15: {  	[smem:$0x3FB3] =	sst s0;
	s0 =	simm.s32 @!p2 $0x0  }
0x16: {  	s3 =	sld [smem:$0x3FDB];
	s0 =	simm.s32 @p2 $0x1  }
0x17: {  	s4 =	simm.s32 $0x1BF5;
	[smem:$0x3FB5] =	sst s0  }
0x18: {  	s0 =	sld [smem:$0x3F98];
	_ =	swait.ge [sflag:s4], $0x0  }
0x19: {  	s7 =	sld [smem:$0x3F99]  }
0x1a: {  	s8 =	sadd.s32 $0xFFFFE003, lr  }
0x1b: {  	s9 =	sadd.s32 $0xFFFFFEF7, lr;
	s5 =	simm.s32 $0xFFFFFFFF;
	p2 =	slt.u32 s8, $0xFFFFF086  }
0x1c: {  	p1 =	slt.u32 s9, $0xF7A;
	s5 =	simm.s32 @!p2 $0x0  }
0x1d: {  	s5 =	simm.s32 @p1 $0x1;
	p0 =	seq.s32 s7, s2  }
0x1e: {  	s7 =	smul.u32 @!p0 $0xF7A, s2;
	p2 =	seq.s32 @!p0 s5, $0x0  }
0x1f: {  	s9 =	smul.u32 $0xF7A, s1;
	s8 =	simm.s32 @!p0 $0x1BF5;
	p2 =	por !p2, p0  }
0x20: {  	[sflag:s8] =	ssyncset.s32 @!p0 $0xFFFFF086;
	s6 =	sadd.s32 @!p0 s3, s7;
	s7 =	simm.s32 @!p0 $0x108  }
0x21: {  	s3 =	sadd.s32 s3, s9;
	s6 =	sadd.s32 @!p0 $0x88, s6;
	s7 =	simm.s32 @p2 $0x1082  }
0x22: {  	[simem:s7], [sflag:s8] =	dma.local @!p0 [hbm:s6], $0xF7A  }
0x23: {  	s9 =	sor.u32 $0xD0000000, s2;
	s6 =	simm.s32 $0x108;
	_ =	swait.ge @!p0 [sflag:s8], $0x0  }
0x24: {  	s3 =	sadd.s32 $0x88, s3;
	s6 =	simm.s32 @!p1 $0x1082;
	[sflag:s4] =	ssyncset.s32 $0xFFFFF086  }
0x25: {  	[simem:s6], [sflag:s4] =	dma.local [hbm:s3], $0xF7A  }
0x26: {  	[smem:$0x3F99] =	sst s1;
	(tag) =	ssettag s2;
	_ =	strace s9  }
0x27: {  	s1 =	sld [smem:$0x3FA9]  }
0x28: {  	s2 =	sld [smem:$0x3FAA]  }
0x29: {  	s4 =	sld [smem:$0x3FAC]  }
0x2a: {  	p0 =	seq.s32 s5, $0x0;
	s5 =	sld [smem:$0x3FAD]  }
0x2b: {  	s6 =	sld [smem:$0x3FAE]  }
0x2c: {  	s7 =	sld [smem:$0x3FAF]  }
0x2d: {  	s3 =	simm.s32 $0x108;
	s8 =	sld [smem:$0x3FB0]  }
0x2e: {  	s3 =	simm.s32 @!p0 $0x1082;
	s9 =	sld [smem:$0x3FB1]  }
0x2f: {  	lr =	sadd.s32 s0, s3;
	s0 =	sld [smem:$0x3FA8]  }
0x30: {  	s3 =	sld [smem:$0x3FAB]  }
0x31: {  	[smem:$0x3FB4] =	sst s10  }
0x32: {  	s10 =	sld [smem:$0x3FB2];
	_ =	sdelay $0x3  }
0x33: {  	p0 =	seq.s32 s10, $0x1;
	s10 =	sld [smem:$0x3FB4];
	_ =	sdelay $0x3  }
0x34: {  	[smem:$0x3FB4] =	sst s10  }
0x35: {  	s10 =	sld [smem:$0x3FB3];
	_ =	sdelay $0x3  }
0x36: {  	p1 =	seq.s32 s10, $0x1;
	s10 =	sld [smem:$0x3FB4];
	_ =	sdelay $0x3  }
0x37: {  	[smem:$0x3FB4] =	sst s10  }
0x38: {  	s10 =	sld [smem:$0x3FB5]  }
0x39: {  	_ = 	snop;
	(pc) =	sbr.ind lr, $3  }
0x3a: {  	_ = 	snop  }
0x3b: {  	_ = 	snop  }
0x3c: {  	p2 =	seq.s32 s10, $0x1;
	s10 =	sld [smem:$0x3FB4]  }
0x3d: {  	_ =	shalt  }
0x3e: {  	_ =	shalt  }
0x3f: {  	_ =	shalt  }
0x40: {  	_ =	shalt  }
0x41: {  	_ =	shalt  }
0x42: {  	_ =	shalt  }
0x43: {  	_ =	shalt  }
0x44: {  	_ =	shalt  }
0x45: {  	_ =	shalt  }
0x46: {  	_ =	shalt  }
0x47: {  	_ =	shalt  }
0x48: {  	_ =	shalt  }
0x49: {  	_ =	shalt  }
0x4a: {  	_ =	shalt  }
0x4b: {  	_ =	shalt  }
0x4c: {  	_ =	shalt  }
0x4d: {  	_ =	shalt  }
0x4e: {  	_ =	shalt  }
0x4f: {  	_ =	shalt  }
0x50: {  	_ =	shalt  }
0x51: {  	_ =	shalt  }
0x52: {  	_ =	shalt  }
0x53: {  	_ =	shalt  }
0x54: {  	_ =	shalt  }
0x55: {  	_ =	shalt  }
0x56: {  	_ =	shalt  }
0x57: {  	_ =	shalt  }
0x58: {  	_ =	shalt  }
0x59: {  	_ =	shalt  }
0x5a: {  	_ =	shalt  }
0x5b: {  	_ =	shalt  }
0x5c: {  	_ =	shalt  }
0x5d: {  	_ =	shalt  }
0x5e: {  	_ =	shalt  }
0x5f: {  	_ =	shalt  }
0x60: {  	_ =	shalt  }
0x61: {  	_ =	shalt  }
0x62: {  	_ =	shalt  }
0x63: {  	_ =	shalt  }
0x64: {  	_ =	shalt  }
0x65: {  	_ =	shalt  }
0x66: {  	_ =	shalt  }
0x67: {  	_ =	shalt  }
0x68: {  	_ =	shalt  }
0x69: {  	_ =	shalt  }
0x6a: {  	_ =	shalt  }
0x6b: {  	_ =	shalt  }
0x6c: {  	_ =	shalt  }
0x6d: {  	_ =	shalt  }
0x6e: {  	_ =	shalt  }
0x6f: {  	_ =	shalt  }
0x70: {  	_ =	shalt  }
0x71: {  	_ =	shalt  }
0x72: {  	_ =	shalt  }
0x73: {  	_ =	shalt  }
0x74: {  	_ =	shalt  }
0x75: {  	_ =	shalt  }
0x76: {  	_ =	shalt  }
0x77: {  	_ =	shalt  }
0x78: {  	_ =	shalt  }
0x79: {  	_ =	shalt  }
0x7a: {  	_ =	shalt  }
0x7b: {  	_ =	shalt  }
0x7c: {  	_ =	shalt  }
0x7d: {  	_ =	shalt  }
0x7e: {  	_ =	shalt  }
0x7f: {  	_ =	shalt  }
0x80: {  	_ =	shalt  }
0x81: {  	_ =	shalt  }
0x82: {  	_ =	shalt  }
0x83: {  	_ =	shalt  }
0x84: {  	_ =	shalt  }
0x85: {  	_ =	shalt  }
0x86: {  	_ =	shalt  }
0x87: {  	_ =	shalt  }
.Lfunc_end0:
.L_simem_size_0:
called_computation.2_lowered:
.L_overlay_start_0:
0x88: {  	s2 =	sld [smem:$0x3FD9]  }
0x89: {  	s3 =	sld [smem:$0x3FFE];
	_ =	sdelay $0x1  }
0x8a: {  	s1 =	srdreg.scid  }
0x8b: {  	s0 =	sand.u32 $0x1, s1  }
0x8c: {  	s16 =	sshll.u32 s0, $0xA;
	s2 =	sadd.s32 s3, s2  }
0x8d: {  	s2 =	sadd.s32 s2, s16  }
0x8e: {  	[smem:$0x3FC0] =	sst s2  }
0x8f: {  	_ = 	snop  }
0x90: {  	(tm) =	ssettm $0x1  }
0x91: {  	s17 =	sld [smem:$0x3FFB];
	_ =	sdelay $0x3  }
0x92: {  	_ =	strace s17  }
0x93: {  	s2 =	sld [smem:$0x3FFC];
	_ =	sdelay $0x3  }
0x94: {  	_ =	strace s2  }
0x95: {  	s2 =	sld [smem:$0x3FFD];
	_ =	sdelay $0x3  }
0x96: {  	_ =	strace s2  }
0x97: {  	_ =	strace $0x8FFFFFFF  }
0x98: {  	s18 =	sld [smem:$0x3FDB];
	_ =	sdelay $0x1  }
0x99: {  	s19 =	simm.s32 $_scs_section_size  }
0x9a: {  	s4 =	simm.s32 $_size__tile_overlayer_lowered;
	s5 =	simm.s32 $_tile_overlayer_lowered  }
0x9b: {  	s22 =	simm.s32 $0x1BFF;
	s21 =	sshll.u32 s5, $0x1;
	s2 =	sadd.s32 s19, s18  }
0x9c: {  	s6 =	simm.s32 $0x0;
	s20 =	sshll.u32 s4, $0x1;
	s4 =	sadd.s32 s21, s2  }
0x9d: {  	[timem:s6], [sflag:s22] =	dma.local [hbm:s4], s20  }
0x9e: {  	_ =	swait.ge [sflag:s22], s20  }
0x9f: {  	s3 =	ssub.s32 $0x0, s20;
	[sflag:s22] =	ssyncset.done $0x0  }
0xa0: {  	[sflag:s22] =	ssyncadd.s32 s3;
	_ =	sdelay $0x1  }
0xa1: {  	s23 =	simm.s32 $0x1B8B  }
0xa2: {  	_ =	swait.ge [sflag:s23], $0x1  }
0xa3: {  	[sflag:s23] =	ssyncset.done $0x0  }
0xa4: {  	s25 =	simm.s32 $0x1B8E;
	s24 =	sld [smem:$0x3FFE];
	[sflag:s23] =	ssyncadd.s32 $0xFFFFFFFF  }
0xa5: {  	s26 =	simm.s32 $execute0_lowered;
	[smem:$0x3FD2] =	sst s25  }
0xa6: {  	s4 =	sshll.u32 s26, $0x1;
	_ =	strace $0x8000004C;
	[dreg:$0x1] =	wrdreg $0xFFFFFFFF  }
0xa7: {  	s28 =	simm.s32 $_size_execute0_lowered;
	s2 =	sadd.s32 s2, s4;
	[dreg:$0x0] =	wrdreg $0x0  }
0xa8: {  	s4 =	sshll.u32 s28, $0x1;
	[dreg:$0x2] =	wrdreg s2  }
0xa9: {  	[dreg:$0x3] =	wrdreg s4  }
0xaa: {  	[dreg:$0x4] =	wrdreg $0xC0  }
0xab: {  	_ =	task [dreg:s6], $0x5FFFF  }
0xac: {  	[dreg:$0x1] =	wrdreg $0xFFFFFFFF  }
0xad: {  	[dreg:$0x0] =	wrdreg $0x60  }
0xae: {  	[dreg:$0x2] =	wrdreg s24  }
0xaf: {  	[dreg:$0x3] =	wrdreg $0x8E800  }
0xb0: {  	[dreg:$0x4] =	wrdreg $0x9  }
0xb1: {  	_ =	task.clear_ibuf [dreg:s6], $0x5FFFF;
	_ =	strace $0x9000004C  }
0xb2: {  	s29 =	simm.s32 $0x9;
	_ =	strace $0x8000004E  }
0xb3: {  	_ =	swait.ge [sflag:s29], $0x1  }
0xb4: {  	[sflag:s29] =	ssyncadd.s32 $0xFFFFFFFF  }
0xb5: {  	_ =	strace $0x9000004E  }
0xb6: {  	_ =	sfence  }
0xb7: {  	s30 =	sld [smem:$0x0];
	_ =	sdelay $0x2  }
0xb8: {  	s31 =	sshll.u32 s1, $0xD;
	s1 =	sshrl.u32 s1, $0x2  }
0xb9: {  	s3 =	sand.u32 $0x4000, s31;
	s1 =	sadd.s32 s1, s30  }
0xba: {  	s0 =	sor.u32 s3, s0;
	s1 =	sshll.u32 s1, $0x11  }
0xbb: {  	s0 =	sor.u32 s1, s0  }
0xbc: {  	s0 =	sadd.s32 $0x8F2B, s0  }
0xbd: {  	[sflag:s0] =	ssyncadd.remote.s32 $0x1  }
0xbe: {  	_ =	sfence.sel $0xFFFF  }
0xbf: {  	[dreg:$0x0] =	wrdreg $0xFFFFFFFF;
	(pc) =	sbr.abs _section_cstart, $3  }
0xc0: {  	[dreg:$0x1] =	wrdreg $0xFFFFFFFF  }
0xc1: {  	_ =	task.clear_ibuf [dreg:s6], $0x2FFFF;
	_ =	strace $0x9FFFFFFF  }
0xc2: {  	(tm) =	ssettm $0x7FFFFFFF  }
0xc3: {  	_ =	shalt  }
tec
execute0_lowered:
.L_overlay_start_1:
0x0: {  	(tag) =	ssettag $0x1  }
0x1: {  	s6 =	rddreg [dreg:$0x0]  }
0x2: {  	s0 =	srdreg.scid;
	s2 =	rddreg [dreg:$0x1];
	s3 =	simm.s32 $0x0  }
0x3: {  	s14 =	simm.s32 $0x8680;
	s15 =	simm.s32 $0x80;
	s16 =	simm.s32 $0x2780  }
0x4: {  	s17 =	simm.s32 $0x7680;
	s18 =	simm.s32 $0x7E80;
	s19 =	simm.s32 $0x1  }
0x5: {  	s20 =	simm.s32 $0x2;
	s5 =	sand.u32 $0x1, s0;
	s0 =	stileid.u32  }
0x6: {  	s21 =	simm.s32 $0x7600;
	s22 =	simm.s32 $0x0;
	s8 =	smul.u32 $0x2800, s0  }
0x7: {  	[smem:$0x7FF] =	sst s3;
	s1 =	sshll.u32 s5, $0x4;
	s9 =	smul.u32 $0x28000, s5  }
0x8: {  	s10 =	smul.u32 $0xA000, s0;
	s5 =	ssub.s32 $0x2, s5;
	s1 =	sor.u32 s0, s1  }
0x9: {  	s4 =	sadd.s32 $0xC000, s6;
	s11 =	sshrl.u32 s5, $0x1;
	s7 =	smul.u32 $0x4F0, s1  }
0xa: {  	s1 =	rddreg [dreg:$0x2];
	_ =	strace $0x8000004D;
	s9 =	sadd.s32 s8, s9  }
0xb: {  	s10 =	sshrl.u32 s10, $0x2;
	s13 =	ssub.s32 s5, s11;
	s9 =	sshrl.u32 s9, $0x3  }
0xc: {  	s10 =	sadd.s32 s10, s2;
	s7 =	sadd.s32 s7, s6;
	s12 =	sadd.s32 s9, s6  }
0xd: {  	s6 =	sadd.s32 s8, s2;
	s8 =	sadd.s32 $0x1000, s10;
	s9 =	sadd.s32 $0x1800, s10  }
0xe: {  	s5 =	sadd.s32 $0x2200, s7;
	s7 =	sadd.s32 $0x800, s10;
	s10 =	sadd.s32 $0x2000, s10  }
0xf: {  	v0 =	vimm.f32 $0.0e+00;
	s11 =	sadd.s32 $0x11000, s12;
	s12 =	smax.u32 s13, $0x1;
	s13 =	simm.s32 $0x3  }
.LBB2_1:
0x10: {  	[tilespmem:s3], [sflag:$0x3] =	stream.linear.gather [hbm4b:s5+s3], $0x2780, $0x38;
	[tilespmem:$0xB680] =	vst v63  }
0x11: {  	_ =	swait.ge [sflag:s13], $0x2780  }
0x12: {  	[sflag:s13] =	ssyncset.done $0x0  }
0x13: {  	s23 =	simm.s32 $0x0;
	[sflag:s13] =	ssyncadd.s32 $0xFFFFD880  }
0x14: {  	v1 =	vld [tilespmem:s23+$0x70]  }
0x15: {  	v2 =	vld [tilespmem:s23+$0x0];
	_ =	sdelay $0x1  }
0x16: {  	v3 =	vld [tilespmem:s23+$0x10]  }
0x17: {  	v6 =	vld [tilespmem:s23+$0x40]  }
0x18: {  	v7 =	vshrl.u32 v1, $0xE  }
0x19: {  	v4 =	vld [tilespmem:s23+$0x20];
	v9 =	vand.u32 $0x3FFF, v2;
	[tilespmem:s23+$0x4F70] =	vst v7  }
0x1a: {  	v2 =	vshrl.u32 v2, $0xE;
	[tilespmem:s23+$0x2780] =	vst v9  }
0x1b: {  	v5 =	vld [tilespmem:s23+$0x30];
	v62 =	vand.u32 $0x3FFF, v3;
	[tilespmem:s23+$0x4F00] =	vst v2  }
0x1c: {  	v8 =	vld [tilespmem:s23+$0x50];
	v63 =	vand.u32 $0x3FFF, v6;
	[tilespmem:s23+$0x2790] =	vst v62  }
0x1d: {  	v7 =	vld [tilespmem:s23+$0x60];
	v2 =	vshrl.u32 v3, $0xE;
	[tilespmem:s23+$0x27C0] =	vst v63  }
0x1e: {  	v3 =	vand.u32 $0x3FFF, v4;
	[tilespmem:s23+$0x4F10] =	vst v2  }
0x1f: {  	v2 =	vshrl.u32 v4, $0xE;
	[tilespmem:s23+$0x27A0] =	vst v3  }
0x20: {  	v1 =	vand.u32 $0x3FFF, v1;
	v3 =	vand.u32 $0x3FFF, v5;
	[tilespmem:s23+$0x4F20] =	vst v2  }
0x21: {  	v6 =	vshrl.u32 v6, $0xE;
	v4 =	vshrl.u32 v8, $0xE;
	v2 =	vshrl.u32 v5, $0xE;
	[tilespmem:s23+$0x27B0] =	vst v3  }
0x22: {  	s24 =	simm.s32 $0x80;
	s25 =	simm.s32 $0x400;
	v5 =	vand.u32 $0x3FFF, v8;
	[tilespmem:s23+$0x4F30] =	vst v2;
	v3 =	vand.u32 $0x3FFF, v7;
	v2 =	vshrl.u32 v7, $0xE  }
.LBB2_2:
0x23: {  	p0 =	sne.s32 s25, $0x9C00;
	v7 =	vld [tilespmem:s24+$0x70];
	[tilespmem:s23+$0x4F40] =	vst v6  }
0x24: {  	v6 =	vld [tilespmem:s24+$0x0];
	[tilespmem:s23+$0x27D0] =	vst v5  }
0x25: {  	v5 =	vld [tilespmem:s24+$0x10];
	[tilespmem:s23+$0x4F50] =	vst v4  }
0x26: {  	v4 =	vld [tilespmem:s24+$0x20];
	[tilespmem:s23+$0x27E0] =	vst v3  }
0x27: {  	v3 =	vld [tilespmem:s24+$0x30];
	[tilespmem:s23+$0x4F60] =	vst v2  }
0x28: {  	v2 =	vld [tilespmem:s24+$0x40];
	v8 =	vshrl.u32 v7, $0xE;
	[tilespmem:s23+$0x27F0] =	vst v1;
	v1 =	vand.u32 $0x3FFF, v7;
	s23 =	smov.u32 s24  }
0x29: {  	v7 =	vand.u32 $0x3FFF, v6;
	v6 =	vshrl.u32 v6, $0xE;
	v9 =	vld [tilespmem:s23+$0x50];
	[tilespmem:s23+$0x4F70] =	vst v8  }
0x2a: {  	[tilespmem:s23+$0x2780] =	vst v7;
	v7 =	vand.u32 $0x3FFF, v5;
	v5 =	vshrl.u32 v5, $0xE;
	v8 =	vld [tilespmem:s23+$0x60]  }
0x2b: {  	[tilespmem:s23+$0x4F00] =	vst v6;
	v10 =	vand.u32 $0x3FFF, v4;
	v11 =	vshrl.u32 v4, $0xE  }
0x2c: {  	[tilespmem:s23+$0x2790] =	vst v7;
	v7 =	vand.u32 $0x3FFF, v3;
	v12 =	vshrl.u32 v3, $0xE  }
0x2d: {  	[tilespmem:s23+$0x4F10] =	vst v5;
	v13 =	vand.u32 $0x3FFF, v2;
	v6 =	vshrl.u32 v2, $0xE  }
.Ltmp0:
0x2e: {  	[tilespmem:s23+$0x27A0] =	vst v10;
	v5 =	vand.u32 $0x3FFF, v9;
	v4 =	vshrl.u32 v9, $0xE;
	(pc) =	sbr.rel @p0 .LBB2_2-.Ltmp0, $4  }
0x2f: {  	[tilespmem:s23+$0x4F20] =	vst v11;
	v3 =	vand.u32 $0x3FFF, v8;
	v2 =	vshrl.u32 v8, $0xE  }
0x30: {  	[tilespmem:s23+$0x27B0] =	vst v7  }
0x31: {  	[tilespmem:s23+$0x4F30] =	vst v12  }
0x32: {  	s24 =	sshra.s32 s25, $0x2;
	s25 =	sadd.s32 $0x200, s25;
	[tilespmem:s23+$0x27C0] =	vst v13  }
0x33: {  	v7 =	vld [tilespmem:s24+$0x70];
	[tilespmem:s23+$0x4F40] =	vst v6  }
0x34: {  	v6 =	vld [tilespmem:s24+$0x0];
	[tilespmem:s23+$0x27D0] =	vst v5  }
0x35: {  	v5 =	vld [tilespmem:s24+$0x10];
	[tilespmem:s23+$0x4F50] =	vst v4  }
0x36: {  	v4 =	vld [tilespmem:s24+$0x20];
	[tilespmem:s23+$0x27E0] =	vst v3  }
0x37: {  	v3 =	vld [tilespmem:s24+$0x30];
	[tilespmem:s23+$0x4F60] =	vst v2  }
0x38: {  	v2 =	vld [tilespmem:s24+$0x40];
	[tilespmem:s23+$0x27F0] =	vst v1;
	v1 =	vshrl.u32 v7, $0xE  }
0x39: {  	v9 =	vand.u32 $0x3FFF, v6;
	[tilespmem:s24+$0x4F70] =	vst v1  }
0x3a: {  	v1 =	vshrl.u32 v6, $0xE;
	[tilespmem:s24+$0x2780] =	vst v9  }
0x3b: {  	v61 =	vand.u32 $0x3FFF, v5;
	[tilespmem:s24+$0x4F00] =	vst v1  }
0x3c: {  	v1 =	vshrl.u32 v5, $0xE;
	[tilespmem:s24+$0x2790] =	vst v61  }
0x3d: {  	v62 =	vand.u32 $0x3FFF, v4;
	[tilespmem:s24+$0x4F10] =	vst v1  }
0x3e: {  	v8 =	vld [tilespmem:s24+$0x50];
	v1 =	vshrl.u32 v4, $0xE;
	[tilespmem:s24+$0x27A0] =	vst v62  }
0x3f: {  	v63 =	vand.u32 $0x3FFF, v3;
	[tilespmem:s24+$0x4F20] =	vst v1  }
0x40: {  	v60 =	vld [tilespmem:s24+$0x60];
	v1 =	vshrl.u32 v3, $0xE;
	[tilespmem:s24+$0x27B0] =	vst v63  }
0x41: {  	v3 =	vand.u32 $0x3FFF, v2;
	[tilespmem:s24+$0x4F30] =	vst v1  }
0x42: {  	v1 =	vshrl.u32 v2, $0xE;
	[tilespmem:s24+$0x27C0] =	vst v3  }
0x43: {  	v2 =	vand.u32 $0x3FFF, v8;
	[tilespmem:s24+$0x4F40] =	vst v1  }
0x44: {  	v1 =	vshrl.u32 v8, $0xE;
	[tilespmem:s24+$0x27D0] =	vst v2  }
0x45: {  	v2 =	vand.u32 $0x3FFF, v60;
	[tilespmem:s24+$0x4F50] =	vst v1  }
0x46: {  	v1 =	vshrl.u32 v60, $0xE;
	[tilespmem:s24+$0x27E0] =	vst v2  }
0x47: {  	v2 =	vand.u32 $0x3FFF, v7;
	[tilespmem:s24+$0x4F60] =	vst v1  }
0x48: {  	s23 =	simm.s32 $0x40;
	[tilespmem:s24+$0x27F0] =	vst v2;
	s24 =	simm.s32 $0x0  }
.LBB2_4:
0x49: {  	p0 =	sne.s32 s23, $0x1FC0;
	[tilespmem:s24+$0x8680] =	vst v0;
	s24 =	smov.u32 s23;
	s23 =	sadd.s32 $0x40, s23  }
.Ltmp1:
0x4a: {  	(pc) =	sbr.rel @p0 .LBB2_4-.Ltmp1, $2  }
0x4b: {  	_ =	sdelay $0x2  }
0x4c: {  	s24 =	sshra.s32 s24, $0x2  }
0x4d: {  	[tilespmem:s24+$0x8680] =	vst v0  }
0x4e: {  	[spmem:s6] =	stream.linear.scatter [tilespmem:s14], [sflag:$0x3], $0x800, $0x38;
	[tilespmem:$0xB680] =	vst v63  }
0x4f: {  	_ =	swait.ge [sflag:s13], $0x800  }
0x50: {  	[sflag:s13] =	ssyncset.done $0x0  }
0x51: {  	[sflag:s13] =	ssyncadd.s32 $0xFFFFF800  }
0x52: {  	[spmem:s7] =	stream.linear.scatter [tilespmem:s14], [sflag:$0x3], $0x800, $0x38;
	[tilespmem:$0xB680] =	vst v63  }
0x53: {  	_ =	swait.ge [sflag:s13], $0x800  }
0x54: {  	[sflag:s13] =	ssyncset.done $0x0  }
0x55: {  	[sflag:s13] =	ssyncadd.s32 $0xFFFFF800  }
0x56: {  	[spmem:s8] =	stream.linear.scatter [tilespmem:s14], [sflag:$0x3], $0x800, $0x38;
	[tilespmem:$0xB680] =	vst v63  }
0x57: {  	_ =	swait.ge [sflag:s13], $0x800  }
0x58: {  	[sflag:s13] =	ssyncset.done $0x0  }
0x59: {  	[sflag:s13] =	ssyncadd.s32 $0xFFFFF800  }
0x5a: {  	[spmem:s9] =	stream.linear.scatter [tilespmem:s14], [sflag:$0x3], $0x800, $0x38;
	[tilespmem:$0xB680] =	vst v63  }
0x5b: {  	_ =	swait.ge [sflag:s13], $0x800  }
0x5c: {  	[sflag:s13] =	ssyncset.done $0x0  }
0x5d: {  	[sflag:s13] =	ssyncadd.s32 $0xFFFFF800  }
0x5e: {  	[spmem:s10] =	stream.linear.scatter [tilespmem:s14], [sflag:$0x3], $0x800, $0x38;
	[tilespmem:$0xB680] =	vst v63  }
0x5f: {  	_ =	swait.ge [sflag:s13], $0x800  }
0x60: {  	[sflag:s13] =	ssyncset.done $0x0  }
0x61: {  	[sflag:s13] =	ssyncadd.s32 $0xFFFFF800  }
0x62: {  	[bflag:$0x0] =	sbarrier.arrive $0xFFFF  }
0x63: {  	[tilespmem:s17], [sflag:$0x1] =	stream.indirect.gather [hbm4b:s4+s15], $0x10, s16, s15, $0xb8;
	[tilespmem:$0xB680] =	vst v63  }
0x64: {  	s23 =	simm.s32 $0x2800  }
0x65: {  	[tilespmem:s18], [sflag:$0x2] =	stream.indirect.gather [hbm4b:s4+s15], $0x10, s23, s15, $0xb8;
	[tilespmem:$0xB680] =	vst v63  }
0x66: {  	_ =	swait.ge [sflag:s19], $0x800  }
0x67: {  	[sflag:s19] =	ssyncset.done $0x0  }
0x68: {  	s29 =	simm.s32 $0x4F00;
	[sflag:s19] =	ssyncadd.s32 $0xFFFFF800  }
0x69: {  	[spmem:s2] =	stream.indirect.scatter.add.f32 [tilespmem:s17], [sflag:$0x3], $0x10, s29, s15, $0xb8;
	[tilespmem:$0xB680] =	vst v63  }
0x6a: {  	_ =	swait.ge [sflag:s13], $0x800  }
0x6b: {  	[sflag:s13] =	ssyncset.done $0x0  }
0x6c: {  	s30 =	simm.s32 $0x2880;
	[sflag:s13] =	ssyncadd.s32 $0xFFFFF800  }
0x6d: {  	[tilespmem:s17], [sflag:$0x1] =	stream.indirect.gather [hbm4b:s4+s15], $0x10, s30, s15, $0xb8;
	[tilespmem:$0xB680] =	vst v63  }
0x6e: {  	_ =	swait.ge [sflag:s20], $0x800  }
0x6f: {  	[sflag:s20] =	ssyncset.done $0x0  }
0x70: {  	s31 =	simm.s32 $0x4F80;
	[sflag:s20] =	ssyncadd.s32 $0xFFFFF800  }
0x71: {  	[spmem:s2] =	stream.indirect.scatter.add.f32 [tilespmem:s18], [sflag:$0x3], $0x10, s31, s15, $0xb8;
	[tilespmem:$0xB680] =	vst v63  }
0x72: {  	_ =	swait.ge [sflag:s13], $0x800  }
0x73: {  	s24 =	simm.s32 $0x800;
	s23 =	simm.s32 $0x100;
	[sflag:s13] =	ssyncset.done $0x0  }
.LBB2_6:
0x74: {  	s25 =	sadd.s32 $0x2800, s23  }
0x75: {  	[sflag:s13] =	ssyncadd.s32 $0xFFFFF800;
	s26 =	smov.u32 s24;
	s28 =	sadd.s32 $0x400, s24  }
0x76: {  	[tilespmem:s18], [sflag:$0x2] =	stream.indirect.gather [hbm4b:s4+s15], $0x10, s25, s15, $0xb8;
	[tilespmem:$0xB680] =	vst v63  }
0x77: {  	p0 =	sne.s32 s24, $0x9800;
	_ =	swait.ge [sflag:s19], $0x800  }
0x78: {  	[sflag:s19] =	ssyncset.done $0x0  }
0x79: {  	s24 =	sadd.s32 $0x4F00, s23;
	[sflag:s19] =	ssyncadd.s32 $0xFFFFF800  }
0x7a: {  	[spmem:s2] =	stream.indirect.scatter.add.f32 [tilespmem:s17], [sflag:$0x3], $0x10, s24, s15, $0xb8;
	[tilespmem:$0xB680] =	vst v63  }
0x7b: {  	_ =	swait.ge [sflag:s13], $0x800  }
0x7c: {  	[sflag:s13] =	ssyncset.done $0x0  }
0x7d: {  	s24 =	sadd.s32 $0x2880, s23;
	[sflag:s13] =	ssyncadd.s32 $0xFFFFF800  }
0x7e: {  	[tilespmem:s17], [sflag:$0x1] =	stream.indirect.gather [hbm4b:s4+s15], $0x10, s24, s15, $0xb8;
	[tilespmem:$0xB680] =	vst v63  }
0x7f: {  	_ =	swait.ge [sflag:s20], $0x800  }
.Ltmp2:
0x80: {  	[sflag:s20] =	ssyncset.done $0x0;
	(pc) =	sbr.rel @p0 .LBB2_6-.Ltmp2, $4  }
0x81: {  	s23 =	sadd.s32 $0x4F80, s23;
	[sflag:s20] =	ssyncadd.s32 $0xFFFFF800  }
0x82: {  	[spmem:s2] =	stream.indirect.scatter.add.f32 [tilespmem:s18], [sflag:$0x3], $0x10, s23, s15, $0xb8;
	[tilespmem:$0xB680] =	vst v63  }
0x83: {  	_ =	swait.ge [sflag:s13], $0x800  }
0x84: {  	s24 =	smov.u32 s28;
	s23 =	sshra.s32 s26, $0x2;
	[sflag:s13] =	ssyncset.done $0x0  }
0x85: {  	s24 =	sadd.s32 $0x2800, s23;
	[sflag:s13] =	ssyncadd.s32 $0xFFFFF800  }
0x86: {  	[tilespmem:s18], [sflag:$0x2] =	stream.indirect.gather [hbm4b:s4+s15], $0x10, s24, s15, $0xb8;
	[tilespmem:$0xB680] =	vst v63  }
0x87: {  	_ =	swait.ge [sflag:s19], $0x800  }
0x88: {  	[sflag:s19] =	ssyncset.done $0x0  }
0x89: {  	s26 =	sadd.s32 $0x4F00, s23;
	[sflag:s19] =	ssyncadd.s32 $0xFFFFF800  }
0x8a: {  	[spmem:s2] =	stream.indirect.scatter.add.f32 [tilespmem:s17], [sflag:$0x3], $0x10, s26, s15, $0xb8;
	[tilespmem:$0xB680] =	vst v63  }
0x8b: {  	_ =	swait.ge [sflag:s13], $0x800  }
0x8c: {  	[sflag:s13] =	ssyncset.done $0x0  }
0x8d: {  	s28 =	sadd.s32 $0x2880, s23;
	[sflag:s13] =	ssyncadd.s32 $0xFFFFF800  }
0x8e: {  	[tilespmem:s17], [sflag:$0x1] =	stream.indirect.gather [hbm4b:s4+s15], $0x10, s28, s15, $0xb8;
	[tilespmem:$0xB680] =	vst v63  }
0x8f: {  	_ =	swait.ge [sflag:s20], $0x800  }
0x90: {  	[sflag:s20] =	ssyncset.done $0x0  }
0x91: {  	s29 =	sadd.s32 $0x4F80, s23;
	[sflag:s20] =	ssyncadd.s32 $0xFFFFF800  }
0x92: {  	[spmem:s2] =	stream.indirect.scatter.add.f32 [tilespmem:s18], [sflag:$0x3], $0x10, s29, s15, $0xb8;
	[tilespmem:$0xB680] =	vst v63  }
0x93: {  	_ =	swait.ge [sflag:s13], $0x800  }
0x94: {  	[sflag:s13] =	ssyncset.done $0x0  }
0x95: {  	[sflag:s13] =	ssyncadd.s32 $0xFFFFF800  }
0x96: {  	_ =	swait.ge [sflag:s19], $0x800  }
0x97: {  	[sflag:s19] =	ssyncset.done $0x0  }
0x98: {  	[sflag:s19] =	ssyncadd.s32 $0xFFFFF800  }
0x99: {  	[spmem:s2] =	stream.indirect.scatter.add.f32 [tilespmem:s17], [sflag:$0x3], $0x10, s21, s15, $0xb8;
	[tilespmem:$0xB680] =	vst v63  }
0x9a: {  	_ =	swait.ge [sflag:s13], $0x800  }
0x9b: {  	s30 =	sshll.u32 s0, $0x6;
	s22 =	sadd.s32 $0x1, s22;
	[sflag:s13] =	ssyncset.done $0x0  }
0x9c: {  	s31 =	sshrl.u32 s6, $0x3;
	p0 =	sne.s32 s22, s12;
	[sflag:s13] =	ssyncadd.s32 $0xFFFFF800  }
.Ltmp3:
0x9d: {  	s23 =	sor.u32 $0x1C03, s30;
	[bflag:$0x0] =	sbarrier.arrive $0xFFFF;
	(pc) =	sbr.rel @p0 .LBB2_1-.Ltmp3, $4  }
0x9e: {  	[hbm:s11], [sflag:s23] =	dma.local [spmem:s31], $0x500  }
0x9f: {  	_ =	swait.ge [sflag:s13], $0x500  }
0xa0: {  	[sflag:s13] =	ssyncset.done $0x0  }
0xa1: {  	[sflag:s13] =	ssyncadd.s32 $0xFFFFFB00  }
0xa2: {  	_ =	sfence.sel $0x180000  }
0xa3: {  	[bflag:$0x0] =	sbarrier.arrive $0xFFFF  }
0xa4: {  	p0 =	sne.s32 s0, $0x0;
	_ =	strace $0x9000004D  }
0xa5: {  	s0 =	sadd.s32 @!p0 $0x100000, s1;
	[bflag:$0x2] =	sbarrier.arrive $0xFFFF  }
0xa6: {  	[sflag:s0] =	ssyncadd.tile.s32 @!p0 $0x1;
	_ =	shalt  }
.Lfunc_end2:
_tile_overlayer_lowered:
.L_overlay_start_2:
0xa7: {  	(tag) =	ssettag $0x2  }
0xa8: {  	s0 =	rddreg [dreg:$0x0];
	s2 =	stileid.u32  }
0xa9: {  	s1 =	rddreg [dreg:$0x1];
	p0 =	sne.s32 s2, $0x0  }
0xaa: {  	s3 =	rddreg [dreg:$0x2];
	[bflag:$0x3] =	sbarrier.arrive $0xFFFF;
	s2 =	simm.s32 @!p0 $0x1C03  }
0xab: {  	[timem:s3], [sflag:s2] =	dma.local @!p0 [hbm:s0], s1  }
0xac: {  	s0 =	simm.s32 @!p0 $0x3  }
0xad: {  	_ =	swait.ge @!p0 [sflag:s0], s1  }
0xae: {  	s1 =	ssub.s32 @!p0 $0x0, s1;
	[sflag:s0] =	ssyncset.done @!p0 $0x0  }
0xaf: {  	[sflag:s0] =	ssyncadd.s32 @!p0 s1  }
0xb0: {  	[bflag:$0x3] =	sbarrier.arrive $0xFFFF  }
0xb1: {  	_ =	shalt  }

// kernel: kernel.8.cloned.1.call-start
scs
__scs_entry_jumppad:
0x0: {  	(pc) =	sbr.rel $0x88, $3  }
0x1: {  	(tag) =	ssettag $0x0;
	lr =	simm.s32 $0x1  }
0x2: {  	[smem:$0x3F99] =	sst lr;
	_ =	strace $0xD0000000  }
0x3: {  	_ = 	snop  }
0x4: {  	_ = 	snop  }
0x5: {  	_ = 	snop  }
0x6: {  	_ = 	snop  }
0x7: {  	_ = 	snop  }
__scs_overlays_trampoline_lowered:
0x8: {  	[smem:$0x3FA8] =	sst s0  }
0x9: {  	[smem:$0x3FA9] =	sst s1  }
0xa: {  	[smem:$0x3FAA] =	sst s2  }
0xb: {  	[smem:$0x3FAB] =	sst s3  }
0xc: {  	[smem:$0x3FAC] =	sst s4  }
0xd: {  	[smem:$0x3FAD] =	sst s5  }
0xe: {  	[smem:$0x3FAE] =	sst s6  }
0xf: {  	[smem:$0x3FAF] =	sst s7  }
0x10: {  	[smem:$0x3FB0] =	sst s8  }
0x11: {  	[smem:$0x3FB1] =	sst s9;
	s0 =	simm.s32 @!p0 $0x0  }
0x12: {  	s1 =	sld [smem:$0x3F97];
	s0 =	simm.s32 @p0 $0x1  }
0x13: {  	[smem:$0x3FB2] =	sst s0;
	s0 =	simm.s32 @!p1 $0x0  }
0x14: {  	s2 =	sld [smem:$0x3F96];
	s0 =	simm.s32 @p1 $0x1  }
0x15: {  	[smem:$0x3FB3] =	sst s0;
	s0 =	simm.s32 @!p2 $0x0  }
0x16: {  	s3 =	sld [smem:$0x3FDB];
	s0 =	simm.s32 @p2 $0x1  }
0x17: {  	s4 =	simm.s32 $0x1BF5;
	[smem:$0x3FB5] =	sst s0  }
0x18: {  	s0 =	sld [smem:$0x3F98];
	_ =	swait.ge [sflag:s4], $0x0  }
0x19: {  	s7 =	sld [smem:$0x3F99]  }
0x1a: {  	s8 =	sadd.s32 $0xFFFFE003, lr  }
0x1b: {  	s9 =	sadd.s32 $0xFFFFFEF7, lr;
	s5 =	simm.s32 $0xFFFFFFFF;
	p2 =	slt.u32 s8, $0xFFFFF086  }
0x1c: {  	p1 =	slt.u32 s9, $0xF7A;
	s5 =	simm.s32 @!p2 $0x0  }
0x1d: {  	s5 =	simm.s32 @p1 $0x1;
	p0 =	seq.s32 s7, s2  }
0x1e: {  	s7 =	smul.u32 @!p0 $0xF7A, s2;
	p2 =	seq.s32 @!p0 s5, $0x0  }
0x1f: {  	s9 =	smul.u32 $0xF7A, s1;
	s8 =	simm.s32 @!p0 $0x1BF5;
	p2 =	por !p2, p0  }
0x20: {  	[sflag:s8] =	ssyncset.s32 @!p0 $0xFFFFF086;
	s6 =	sadd.s32 @!p0 s3, s7;
	s7 =	simm.s32 @!p0 $0x108  }
0x21: {  	s3 =	sadd.s32 s3, s9;
	s6 =	sadd.s32 @!p0 $0x88, s6;
	s7 =	simm.s32 @p2 $0x1082  }
0x22: {  	[simem:s7], [sflag:s8] =	dma.local @!p0 [hbm:s6], $0xF7A  }
0x23: {  	s9 =	sor.u32 $0xD0000000, s2;
	s6 =	simm.s32 $0x108;
	_ =	swait.ge @!p0 [sflag:s8], $0x0  }
0x24: {  	s3 =	sadd.s32 $0x88, s3;
	s6 =	simm.s32 @!p1 $0x1082;
	[sflag:s4] =	ssyncset.s32 $0xFFFFF086  }
0x25: {  	[simem:s6], [sflag:s4] =	dma.local [hbm:s3], $0xF7A  }
0x26: {  	[smem:$0x3F99] =	sst s1;
	(tag) =	ssettag s2;
	_ =	strace s9  }
0x27: {  	s1 =	sld [smem:$0x3FA9]  }
0x28: {  	s2 =	sld [smem:$0x3FAA]  }
0x29: {  	s4 =	sld [smem:$0x3FAC]  }
0x2a: {  	p0 =	seq.s32 s5, $0x0;
	s5 =	sld [smem:$0x3FAD]  }
0x2b: {  	s6 =	sld [smem:$0x3FAE]  }
0x2c: {  	s7 =	sld [smem:$0x3FAF]  }
0x2d: {  	s3 =	simm.s32 $0x108;
	s8 =	sld [smem:$0x3FB0]  }
0x2e: {  	s3 =	simm.s32 @!p0 $0x1082;
	s9 =	sld [smem:$0x3FB1]  }
0x2f: {  	lr =	sadd.s32 s0, s3;
	s0 =	sld [smem:$0x3FA8]  }
0x30: {  	s3 =	sld [smem:$0x3FAB]  }
0x31: {  	[smem:$0x3FB4] =	sst s10  }
0x32: {  	s10 =	sld [smem:$0x3FB2];
	_ =	sdelay $0x3  }
0x33: {  	p0 =	seq.s32 s10, $0x1;
	s10 =	sld [smem:$0x3FB4];
	_ =	sdelay $0x3  }
0x34: {  	[smem:$0x3FB4] =	sst s10  }
0x35: {  	s10 =	sld [smem:$0x3FB3];
	_ =	sdelay $0x3  }
0x36: {  	p1 =	seq.s32 s10, $0x1;
	s10 =	sld [smem:$0x3FB4];
	_ =	sdelay $0x3  }
0x37: {  	[smem:$0x3FB4] =	sst s10  }
0x38: {  	s10 =	sld [smem:$0x3FB5]  }
0x39: {  	_ = 	snop;
	(pc) =	sbr.ind lr, $3  }
0x3a: {  	_ = 	snop  }
0x3b: {  	_ = 	snop  }
0x3c: {  	p2 =	seq.s32 s10, $0x1;
	s10 =	sld [smem:$0x3FB4]  }
0x3d: {  	_ =	shalt  }
0x3e: {  	_ =	shalt  }
0x3f: {  	_ =	shalt  }
0x40: {  	_ =	shalt  }
0x41: {  	_ =	shalt  }
0x42: {  	_ =	shalt  }
0x43: {  	_ =	shalt  }
0x44: {  	_ =	shalt  }
0x45: {  	_ =	shalt  }
0x46: {  	_ =	shalt  }
0x47: {  	_ =	shalt  }
0x48: {  	_ =	shalt  }
0x49: {  	_ =	shalt  }
0x4a: {  	_ =	shalt  }
0x4b: {  	_ =	shalt  }
0x4c: {  	_ =	shalt  }
0x4d: {  	_ =	shalt  }
0x4e: {  	_ =	shalt  }
0x4f: {  	_ =	shalt  }
0x50: {  	_ =	shalt  }
0x51: {  	_ =	shalt  }
0x52: {  	_ =	shalt  }
0x53: {  	_ =	shalt  }
0x54: {  	_ =	shalt  }
0x55: {  	_ =	shalt  }
0x56: {  	_ =	shalt  }
0x57: {  	_ =	shalt  }
0x58: {  	_ =	shalt  }
0x59: {  	_ =	shalt  }
0x5a: {  	_ =	shalt  }
0x5b: {  	_ =	shalt  }
0x5c: {  	_ =	shalt  }
0x5d: {  	_ =	shalt  }
0x5e: {  	_ =	shalt  }
0x5f: {  	_ =	shalt  }
0x60: {  	_ =	shalt  }
0x61: {  	_ =	shalt  }
0x62: {  	_ =	shalt  }
0x63: {  	_ =	shalt  }
0x64: {  	_ =	shalt  }
0x65: {  	_ =	shalt  }
0x66: {  	_ =	shalt  }
0x67: {  	_ =	shalt  }
0x68: {  	_ =	shalt  }
0x69: {  	_ =	shalt  }
0x6a: {  	_ =	shalt  }
0x6b: {  	_ =	shalt  }
0x6c: {  	_ =	shalt  }
0x6d: {  	_ =	shalt  }
0x6e: {  	_ =	shalt  }
0x6f: {  	_ =	shalt  }
0x70: {  	_ =	shalt  }
0x71: {  	_ =	shalt  }
0x72: {  	_ =	shalt  }
0x73: {  	_ =	shalt  }
0x74: {  	_ =	shalt  }
0x75: {  	_ =	shalt  }
0x76: {  	_ =	shalt  }
0x77: {  	_ =	shalt  }
0x78: {  	_ =	shalt  }
0x79: {  	_ =	shalt  }
0x7a: {  	_ =	shalt  }
0x7b: {  	_ =	shalt  }
0x7c: {  	_ =	shalt  }
0x7d: {  	_ =	shalt  }
0x7e: {  	_ =	shalt  }
0x7f: {  	_ =	shalt  }
0x80: {  	_ =	shalt  }
0x81: {  	_ =	shalt  }
0x82: {  	_ =	shalt  }
0x83: {  	_ =	shalt  }
0x84: {  	_ =	shalt  }
0x85: {  	_ =	shalt  }
0x86: {  	_ =	shalt  }
0x87: {  	_ =	shalt  }
.Lfunc_end0:
.L_simem_size_0:
called_computation_lowered:
.L_overlay_start_0:
0x88: {  	s2 =	sld [smem:$0x3FD9]  }
0x89: {  	s3 =	sld [smem:$0x3FFE];
	_ =	sdelay $0x1  }
0x8a: {  	s1 =	srdreg.scid  }
0x8b: {  	s0 =	sand.u32 $0x1, s1  }
0x8c: {  	s16 =	sshll.u32 s0, $0xA;
	s2 =	sadd.s32 s3, s2  }
0x8d: {  	s2 =	sadd.s32 s2, s16  }
0x8e: {  	[smem:$0x3FC0] =	sst s2  }
0x8f: {  	_ = 	snop  }
0x90: {  	(tm) =	ssettm $0x1  }
0x91: {  	s17 =	sld [smem:$0x3FFB];
	_ =	sdelay $0x3  }
0x92: {  	_ =	strace s17  }
0x93: {  	s2 =	sld [smem:$0x3FFC];
	_ =	sdelay $0x3  }
0x94: {  	_ =	strace s2  }
0x95: {  	s2 =	sld [smem:$0x3FFD];
	_ =	sdelay $0x3  }
0x96: {  	_ =	strace s2  }
0x97: {  	_ =	strace $0x8FFFFFFF  }
0x98: {  	s18 =	sld [smem:$0x3FDB];
	_ =	sdelay $0x1  }
0x99: {  	s19 =	simm.s32 $_scs_section_size  }
0x9a: {  	s4 =	simm.s32 $_size__tile_overlayer_lowered;
	s5 =	simm.s32 $_tile_overlayer_lowered  }
0x9b: {  	s22 =	simm.s32 $0x1BFF;
	s21 =	sshll.u32 s5, $0x1;
	s2 =	sadd.s32 s19, s18  }
0x9c: {  	s6 =	simm.s32 $0x0;
	s20 =	sshll.u32 s4, $0x1;
	s4 =	sadd.s32 s21, s2  }
0x9d: {  	[timem:s6], [sflag:s22] =	dma.local [hbm:s4], s20  }
0x9e: {  	_ =	swait.ge [sflag:s22], s20  }
0x9f: {  	s3 =	ssub.s32 $0x0, s20;
	[sflag:s22] =	ssyncset.done $0x0  }
0xa0: {  	[sflag:s22] =	ssyncadd.s32 s3;
	_ =	sdelay $0x1  }
0xa1: {  	s23 =	simm.s32 $0x1B8B  }
0xa2: {  	_ =	swait.ge [sflag:s23], $0x1  }
0xa3: {  	[sflag:s23] =	ssyncset.done $0x0  }
0xa4: {  	s25 =	simm.s32 $0x1B8E;
	s24 =	sld [smem:$0x3FFE];
	[sflag:s23] =	ssyncadd.s32 $0xFFFFFFFF  }
0xa5: {  	s26 =	simm.s32 $execute0_lowered;
	[smem:$0x3FD2] =	sst s25  }
0xa6: {  	s4 =	sshll.u32 s26, $0x1;
	_ =	strace $0x80000046;
	[dreg:$0x1] =	wrdreg $0xFFFFFFFF  }
0xa7: {  	s28 =	simm.s32 $_size_execute0_lowered;
	s2 =	sadd.s32 s2, s4;
	[dreg:$0x0] =	wrdreg $0x0  }
0xa8: {  	s4 =	sshll.u32 s28, $0x1;
	[dreg:$0x2] =	wrdreg s2  }
0xa9: {  	[dreg:$0x3] =	wrdreg s4  }
0xaa: {  	[dreg:$0x4] =	wrdreg $0xC0  }
0xab: {  	_ =	task [dreg:s6], $0x5FFFF  }
0xac: {  	[dreg:$0x1] =	wrdreg $0xFFFFFFFF  }
0xad: {  	[dreg:$0x0] =	wrdreg $0x60  }
0xae: {  	[dreg:$0x2] =	wrdreg s24  }
0xaf: {  	[dreg:$0x3] =	wrdreg $0x52000  }
0xb0: {  	[dreg:$0x4] =	wrdreg $0x9  }
0xb1: {  	_ =	task.clear_ibuf [dreg:s6], $0x5FFFF;
	_ =	strace $0x90000046  }
0xb2: {  	s29 =	simm.s32 $0x9;
	_ =	strace $0x80000048  }
0xb3: {  	_ =	swait.ge [sflag:s29], $0x1  }
0xb4: {  	[sflag:s29] =	ssyncadd.s32 $0xFFFFFFFF  }
0xb5: {  	_ =	strace $0x90000048  }
0xb6: {  	_ =	sfence  }
0xb7: {  	s30 =	sld [smem:$0x0];
	_ =	sdelay $0x2  }
0xb8: {  	s31 =	sshll.u32 s1, $0xD;
	s1 =	sshrl.u32 s1, $0x2  }
0xb9: {  	s3 =	sand.u32 $0x4000, s31;
	s1 =	sadd.s32 s1, s30  }
0xba: {  	s0 =	sor.u32 s3, s0;
	s1 =	sshll.u32 s1, $0x11  }
0xbb: {  	s0 =	sor.u32 s1, s0  }
0xbc: {  	s0 =	sadd.s32 $0x8F2B, s0  }
0xbd: {  	[sflag:s0] =	ssyncadd.remote.s32 $0x1  }
0xbe: {  	_ =	sfence.sel $0xFFFF  }
0xbf: {  	[dreg:$0x0] =	wrdreg $0xFFFFFFFF;
	(pc) =	sbr.abs _section_cstart, $3  }
0xc0: {  	[dreg:$0x1] =	wrdreg $0xFFFFFFFF  }
0xc1: {  	_ =	task.clear_ibuf [dreg:s6], $0x2FFFF;
	_ =	strace $0x9FFFFFFF  }
0xc2: {  	(tm) =	ssettm $0x7FFFFFFF  }
0xc3: {  	_ =	shalt  }
tec
execute0_lowered:
.L_overlay_start_1:
0x0: {  	(tag) =	ssettag $0x1  }
0x1: {  	s4 =	rddreg [dreg:$0x0]  }
0x2: {  	s2 =	rddreg [dreg:$0x1];
	s3 =	srdreg.scid  }
0x3: {  	s1 =	stileid.u32;
	s0 =	rddreg [dreg:$0x2];
	s10 =	simm.s32 $0x80  }
0x4: {  	s11 =	simm.s32 $0x4F00;
	s14 =	simm.s32 $0x0;
	s5 =	sand.u32 $0x1, s3  }
0x5: {  	s6 =	smul.u32 $0x280, s1;
	s3 =	simm.s32 $0x0;
	s12 =	sshll.u32 s1, $0x6  }
0x6: {  	s7 =	sshll.u32 s5, $0x4;
	s8 =	smul.u32 $0x2800, s5;
	[smem:$0x7FF] =	sst s3  }
0x7: {  	s5 =	ssub.s32 $0x2, s5;
	s12 =	sor.u32 $0x1C01, s12;
	s7 =	sor.u32 s1, s7  }
0x8: {  	s9 =	sshrl.u32 s5, $0x1;
	s7 =	smul.u32 $0x4F0, s7;
	s8 =	sadd.s32 s6, s8  }
0x9: {  	_ =	strace $0x80000047;
	s9 =	ssub.s32 s5, s9;
	s8 =	sshrl.u32 s8, $0x3  }
0xa: {  	s5 =	sadd.s32 s6, s2;
	s7 =	sadd.s32 s7, s4;
	s8 =	sadd.s32 s8, s4  }
0xb: {  	s13 =	sshrl.u32 s5, $0x3;
	s4 =	sadd.s32 $0x2200, s7;
	s6 =	sadd.s32 $0xC000, s8  }
0xc: {  	v0 =	vimm.f32 $1.000000000e+00;
	v1 =	vimm.f32 $0.0e+00;
	s7 =	smax.u32 s9, $0x1;
	s8 =	simm.s32 $0x1;
	s9 =	simm.s32 $0x4F80  }
.LBB2_1:
0xd: {  	[tilespmem:s3], [sflag:$0x1] =	stream.linear.gather [hbm4b:s4+s3], $0x2780, $0x38;
	[tilespmem:$0x5480] =	vst v63  }
0xe: {  	_ =	swait.ge [sflag:s8], $0x2780  }
0xf: {  	[sflag:s8] =	ssyncset.done $0x0  }
0x10: {  	s16 =	simm.s32 $0x0;
	[sflag:s8] =	ssyncadd.s32 $0xFFFFD880  }
0x11: {  	v3 =	vld [tilespmem:s16+$0x70]  }
0x12: {  	v6 =	vld [tilespmem:s16+$0x0]  }
0x13: {  	v7 =	vld [tilespmem:s16+$0x10]  }
0x14: {  	v5 =	vld [tilespmem:s16+$0x20]  }
0x15: {  	v4 =	vld [tilespmem:s16+$0x30]  }
0x16: {  	v2 =	vld [tilespmem:s16+$0x40];
	v8 =	vshrl.u32 v3, $0xE  }
0x17: {  	v3 =	vld [tilespmem:s16+$0x50];
	v6 =	vshrl.u32 v6, $0xE;
	[tilespmem:s16+$0x27F0] =	vst v8  }
0x18: {  	s15 =	simm.s32 $0x80;
	s17 =	simm.s32 $0x400;
	v7 =	vshrl.u32 v7, $0xE;
	[tilespmem:s16+$0x2780] =	vst v6;
	v6 =	vld [tilespmem:s16+$0x60]  }
.LBB2_2:
0x19: {  	p0 =	sne.s32 s17, $0x9C00;
	v8 =	vld [tilespmem:s15+$0x70];
	[tilespmem:s16+$0x2790] =	vst v7;
	v5 =	vshrl.u32 v5, $0xE  }
0x1a: {  	v7 =	vld [tilespmem:s15+$0x0];
	[tilespmem:s16+$0x27A0] =	vst v5;
	v4 =	vshrl.u32 v4, $0xE  }
0x1b: {  	v9 =	vld [tilespmem:s15+$0x10];
	[tilespmem:s16+$0x27B0] =	vst v4;
	v2 =	vshrl.u32 v2, $0xE  }
.Ltmp0:
0x1c: {  	v5 =	vld [tilespmem:s15+$0x20];
	[tilespmem:s16+$0x27C0] =	vst v2;
	v2 =	vshrl.u32 v3, $0xE;
	(pc) =	sbr.rel @p0 .LBB2_2-.Ltmp0, $4  }
0x1d: {  	v4 =	vld [tilespmem:s15+$0x30];
	[tilespmem:s16+$0x27D0] =	vst v2;
	v3 =	vshrl.u32 v6, $0xE  }
0x1e: {  	v2 =	vld [tilespmem:s15+$0x40];
	v6 =	vshrl.u32 v8, $0xE;
	[tilespmem:s16+$0x27E0] =	vst v3;
	s16 =	smov.u32 s15  }
0x1f: {  	v7 =	vshrl.u32 v7, $0xE;
	v3 =	vld [tilespmem:s16+$0x50];
	[tilespmem:s16+$0x27F0] =	vst v6  }
0x20: {  	s15 =	sshra.s32 s17, $0x2;
	s17 =	sadd.s32 $0x200, s17;
	[tilespmem:s16+$0x2780] =	vst v7;
	v7 =	vshrl.u32 v9, $0xE;
	v6 =	vld [tilespmem:s16+$0x60]  }
0x21: {  	v8 =	vld [tilespmem:s15+$0x70];
	[tilespmem:s16+$0x2790] =	vst v7;
	v5 =	vshrl.u32 v5, $0xE  }
0x22: {  	v7 =	vld [tilespmem:s15+$0x0];
	[tilespmem:s16+$0x27A0] =	vst v5;
	v4 =	vshrl.u32 v4, $0xE  }
0x23: {  	v5 =	vld [tilespmem:s15+$0x10];
	[tilespmem:s16+$0x27B0] =	vst v4;
	v2 =	vshrl.u32 v2, $0xE  }
0x24: {  	v4 =	vld [tilespmem:s15+$0x20];
	[tilespmem:s16+$0x27C0] =	vst v2;
	v2 =	vshrl.u32 v3, $0xE  }
0x25: {  	v3 =	vld [tilespmem:s15+$0x30];
	[tilespmem:s16+$0x27D0] =	vst v2;
	v2 =	vshrl.u32 v6, $0xE  }
0x26: {  	v61 =	vld [tilespmem:s15+$0x40];
	[tilespmem:s16+$0x27E0] =	vst v2;
	v2 =	vshrl.u32 v8, $0xE  }
0x27: {  	v62 =	vld [tilespmem:s15+$0x50];
	v7 =	vshrl.u32 v7, $0xE;
	[tilespmem:s15+$0x27F0] =	vst v2  }
0x28: {  	v63 =	vld [tilespmem:s15+$0x60];
	[tilespmem:s15+$0x2780] =	vst v7;
	v2 =	vshrl.u32 v5, $0xE  }
0x29: {  	[tilespmem:s15+$0x2790] =	vst v2;
	v2 =	vshrl.u32 v4, $0xE  }
0x2a: {  	[tilespmem:s15+$0x27A0] =	vst v2;
	v2 =	vshrl.u32 v3, $0xE  }
0x2b: {  	[tilespmem:s15+$0x27B0] =	vst v2;
	v2 =	vshrl.u32 v61, $0xE  }
0x2c: {  	[tilespmem:s15+$0x27C0] =	vst v2;
	v2 =	vshrl.u32 v62, $0xE  }
0x2d: {  	[tilespmem:s15+$0x27D0] =	vst v2;
	v2 =	vshrl.u32 v63, $0xE  }
0x2e: {  	[tilespmem:s15+$0x27E0] =	vst v2  }
0x2f: {  	[tilespmem:$0x4F00] =	vst v0  }
0x30: {  	[tilespmem:$0x4F10] =	vst v0  }
0x31: {  	[tilespmem:$0x4F20] =	vst v0  }
0x32: {  	[tilespmem:$0x4F30] =	vst v0  }
0x33: {  	[tilespmem:$0x4F40] =	vst v0  }
0x34: {  	[tilespmem:$0x4F50] =	vst v0  }
0x35: {  	[tilespmem:$0x4F60] =	vst v0  }
0x36: {  	[tilespmem:$0x4F70] =	vst v0  }
0x37: {  	[tilespmem:$0x4F80] =	vst v1  }
0x38: {  	[tilespmem:$0x4F90] =	vst v1  }
0x39: {  	[tilespmem:$0x4FA0] =	vst v1  }
0x3a: {  	[tilespmem:$0x4FB0] =	vst v1  }
0x3b: {  	[tilespmem:$0x4FC0] =	vst v1  }
0x3c: {  	[tilespmem:$0x4FD0] =	vst v1  }
0x3d: {  	[tilespmem:$0x4FE0] =	vst v1  }
0x3e: {  	[tilespmem:$0x4FF0] =	vst v1  }
0x3f: {  	[tilespmem:$0x5000] =	vst v1  }
0x40: {  	[tilespmem:$0x5010] =	vst v1  }
0x41: {  	[tilespmem:$0x5020] =	vst v1  }
0x42: {  	[tilespmem:$0x5030] =	vst v1  }
0x43: {  	[tilespmem:$0x5040] =	vst v1  }
0x44: {  	[tilespmem:$0x5050] =	vst v1  }
0x45: {  	[tilespmem:$0x5060] =	vst v1  }
0x46: {  	[tilespmem:$0x5070] =	vst v1  }
0x47: {  	[tilespmem:$0x5080] =	vst v1  }
0x48: {  	[tilespmem:$0x5090] =	vst v1  }
0x49: {  	[tilespmem:$0x50A0] =	vst v1  }
0x4a: {  	[tilespmem:$0x50B0] =	vst v1  }
0x4b: {  	[tilespmem:$0x50C0] =	vst v1  }
0x4c: {  	[tilespmem:$0x50D0] =	vst v1  }
0x4d: {  	[tilespmem:$0x50E0] =	vst v1  }
0x4e: {  	[tilespmem:$0x50F0] =	vst v1  }
0x4f: {  	[tilespmem:$0x5100] =	vst v1  }
0x50: {  	[tilespmem:$0x5110] =	vst v1  }
0x51: {  	[tilespmem:$0x5120] =	vst v1  }
0x52: {  	[tilespmem:$0x5130] =	vst v1  }
0x53: {  	[tilespmem:$0x5140] =	vst v1  }
0x54: {  	[tilespmem:$0x5150] =	vst v1  }
0x55: {  	[tilespmem:$0x5160] =	vst v1  }
0x56: {  	[tilespmem:$0x5170] =	vst v1  }
0x57: {  	[tilespmem:$0x5180] =	vst v1  }
0x58: {  	[tilespmem:$0x5190] =	vst v1  }
0x59: {  	[tilespmem:$0x51A0] =	vst v1  }
0x5a: {  	[tilespmem:$0x51B0] =	vst v1  }
0x5b: {  	[tilespmem:$0x51C0] =	vst v1  }
0x5c: {  	[tilespmem:$0x51D0] =	vst v1  }
0x5d: {  	[tilespmem:$0x51E0] =	vst v1  }
0x5e: {  	[tilespmem:$0x51F0] =	vst v1  }
0x5f: {  	[spmem:s5] =	stream.linear.scatter [tilespmem:s9], [sflag:$0x1], $0x280, $0x38;
	[tilespmem:$0x5480] =	vst v63  }
0x60: {  	_ =	swait.ge [sflag:s8], $0x280  }
0x61: {  	[sflag:s8] =	ssyncset.done $0x0  }
0x62: {  	[sflag:s8] =	ssyncadd.s32 $0xFFFFFD80  }
0x63: {  	s31 =	simm.s32 $0x2780;
	[bflag:$0x0] =	sbarrier.arrive $0xFFFF  }
0x64: {  	[spmem:s2] =	stream.indirect.scatter.add.f32 [tilespmem:s11], [sflag:$0x1], $0x1, s31, s10, $0xb8;
	[tilespmem:$0x5480] =	vst v63  }
0x65: {  	s15 =	simm.s32 $0x200;
	_ =	swait.ge [sflag:s8], $0x80  }
.LBB2_4:
0x66: {  	s16 =	sshra.s32 s15, $0x2;
	[sflag:s8] =	ssyncset.done $0x0;
	p0 =	sne.s32 s15, $0x9C00  }
.Ltmp1:
0x67: {  	s16 =	sadd.s32 $0x2780, s16;
	[sflag:s8] =	ssyncadd.s32 $0xFFFFFF80;
	(pc) =	sbr.rel @p0 .LBB2_4-.Ltmp1, $3  }
0x68: {  	[spmem:s2] =	stream.indirect.scatter.add.f32 [tilespmem:s11], [sflag:$0x1], $0x1, s16, s10, $0xb8;
	[tilespmem:$0x5480] =	vst v63  }
0x69: {  	s15 =	sadd.s32 $0x200, s15;
	_ =	sdelay $0x1  }
0x6a: {  	_ =	swait.ge [sflag:s8], $0x80  }
0x6b: {  	[sflag:s8] =	ssyncset.done $0x0;
	s14 =	sadd.s32 $0x1, s14  }
0x6c: {  	[sflag:s8] =	ssyncadd.s32 $0xFFFFFF80;
	p0 =	sne.s32 s14, s7  }
.Ltmp2:
0x6d: {  	[bflag:$0x0] =	sbarrier.arrive $0xFFFF;
	(pc) =	sbr.rel @p0 .LBB2_1-.Ltmp2, $4  }
0x6e: {  	[hbm:s6], [sflag:s12] =	dma.local [spmem:s13], $0x50  }
0x6f: {  	_ =	swait.ge [sflag:s8], $0x50  }
0x70: {  	[sflag:s8] =	ssyncset.done $0x0  }
0x71: {  	[sflag:s8] =	ssyncadd.s32 $0xFFFFFFB0  }
0x72: {  	_ =	sfence.sel $0x180000  }
0x73: {  	[bflag:$0x0] =	sbarrier.arrive $0xFFFF  }
0x74: {  	p0 =	sne.s32 s1, $0x0;
	_ =	strace $0x90000047  }
0x75: {  	s0 =	sadd.s32 @!p0 $0x100000, s0;
	[bflag:$0x2] =	sbarrier.arrive $0xFFFF  }
0x76: {  	[sflag:s0] =	ssyncadd.tile.s32 @!p0 $0x1;
	_ =	shalt  }
.Lfunc_end2:
_tile_overlayer_lowered:
.L_overlay_start_2:
0x77: {  	(tag) =	ssettag $0x2  }
0x78: {  	s0 =	rddreg [dreg:$0x0];
	s2 =	stileid.u32  }
0x79: {  	s1 =	rddreg [dreg:$0x1];
	p0 =	sne.s32 s2, $0x0  }
0x7a: {  	s3 =	rddreg [dreg:$0x2];
	[bflag:$0x3] =	sbarrier.arrive $0xFFFF;
	s2 =	simm.s32 @!p0 $0x1C01  }
0x7b: {  	[timem:s3], [sflag:s2] =	dma.local @!p0 [hbm:s0], s1  }
0x7c: {  	s0 =	simm.s32 @!p0 $0x1  }
0x7d: {  	_ =	swait.ge @!p0 [sflag:s0], s1  }
0x7e: {  	s1 =	ssub.s32 @!p0 $0x0, s1;
	[sflag:s0] =	ssyncset.done @!p0 $0x0  }
0x7f: {  	[sflag:s0] =	ssyncadd.s32 @!p0 s1  }
0x80: {  	[bflag:$0x3] =	sbarrier.arrive $0xFFFF  }
0x81: {  	_ =	shalt  }

</sc_bundles>
